<compile_context>
chip_gen: v7x
topology: tpu7x:2x2x1
jax: 0.10.2.dev20260603
libtpu: 0.0.44.dev20260713+nightly
codegen_flags: <defaults>
</compile_context>

<pallas_src>
import jax
import jax.numpy as jnp
from jax import lax
from jax.experimental import pallas as pl
from jax.experimental.pallas import tpu as pltpu
from jax.experimental.pallas import tpu_sc as plsc

NITEM = 1000000
EMB_DIM = 64
BATCH = 16384

NC = 2
NS = 16
LANES = 16
NW = NC * NS
BPW = BATCH // NW
BLK = 128
ICHUNK = 128
NICHUNK = BPW // ICHUNK


def _fetch(t1_hbm, t2_hbm, idx1, idx2, b1, b2, sem):
    base1 = pl.multiple_of((idx1 >> 7) * BLK, BLK)
    base2 = pl.multiple_of((idx2 >> 7) * BLK, BLK)
    pltpu.async_copy(t1_hbm.at[:, pl.ds(base1, BLK)], b1, sem)
    pltpu.async_copy(t2_hbm.at[:, pl.ds(base2, BLK)], b2, sem)


def _sc_body(center_hbm, context_hbm, t1_hbm, t2_hbm, out_hbm,
             cidx_v, xidx_v, c_s, x_s,
             blk0_1, blk0_2, blk1_1, blk1_2, blk2_1, blk2_2, blk3_1, blk3_2,
             blk4_1, blk4_2, blk5_1, blk5_2, blk6_1, blk6_2,
             out_v, sem0, sem1, sem2, sem3, sem4, sem5, sem6):
    wid = lax.axis_index("s") * NC + lax.axis_index("c")
    base = wid * BPW

    for j in range(NICHUNK):
        pltpu.sync_copy(center_hbm.at[pl.ds(base + j * ICHUNK, ICHUNK)],
                        cidx_v.at[j])
        pltpu.sync_copy(context_hbm.at[pl.ds(base + j * ICHUNK, ICHUNK)],
                        xidx_v.at[j])

    def spill_body(g, carry):
        j = g // (ICHUNK // LANES)
        gg = g % (ICHUNK // LANES)
        v1 = cidx_v[j, pl.ds(gg * LANES, LANES)]
        v2 = xidx_v[j, pl.ds(gg * LANES, LANES)]
        for r in range(LANES):
            c_s[g * LANES + r] = v1[r]
            x_s[g * LANES + r] = v2[r]
        return carry

    lax.fori_loop(0, BPW // LANES, spill_body, 0)

    iota = lax.iota(jnp.int32, LANES)
    c_vecs = [kc * LANES + iota for kc in range(EMB_DIM // LANES)]

    slots = [(blk0_1, blk0_2, sem0), (blk1_1, blk1_2, sem1),
             (blk2_1, blk2_2, sem2), (blk3_1, blk3_2, sem3),
             (blk4_1, blk4_2, sem4), (blk5_1, blk5_2, sem5),
             (blk6_1, blk6_2, sem6)]
    NSLOT = len(slots)
    NTURN = (BPW + NSLOT - 1) // NSLOT

    for s, (b1, b2, sem) in enumerate(slots):
        _fetch(t1_hbm, t2_hbm, c_s[s], x_s[s], b1, b2, sem)

    def _dot(b1, b2, col1, col2, acc, lane):
        col1v = jnp.full((LANES,), col1, jnp.int32)
        col2v = jnp.full((LANES,), col2, jnp.int32)
        s = jnp.zeros((LANES,), jnp.float32)
        for kc in range(EMB_DIM // LANES):
            a = plsc.load_gather(b1, [c_vecs[kc], col1v])
            b = plsc.load_gather(b2, [c_vecs[kc], col2v])
            s = s + a * b
        return jnp.where(lane, jnp.sum(s), acc)

    def ring_body(g, acc):
        for s, (b1, b2, sem) in enumerate(slots):
            k = NSLOT * g + s

            def _consume(acc, b1=b1, b2=b2, sem=sem, k=k):
                pltpu.make_async_copy(t1_hbm.at[:, pl.ds(0, BLK)],
                                      b1, sem).wait()
                pltpu.make_async_copy(t1_hbm.at[:, pl.ds(0, BLK)],
                                      b2, sem).wait()
                acc = _dot(b1, b2, c_s[k] & (BLK - 1), x_s[k] & (BLK - 1),
                           acc, iota == (k % LANES))

                @pl.when(k + NSLOT < BPW)
                def _():
                    _fetch(t1_hbm, t2_hbm, c_s[k + NSLOT], x_s[k + NSLOT],
                           b1, b2, sem)

                @pl.when(k % LANES == LANES - 1)
                def _():
                    y = 1.0 / (1.0 + jnp.exp(-acc))
                    out_v[pl.ds((k // LANES) * LANES, LANES)] = y

                return jnp.where(k % LANES == LANES - 1,
                                 jnp.zeros((LANES,), jnp.float32), acc)

            if BPW % NSLOT == 0:
                acc = _consume(acc)
            else:
                acc = jax.lax.cond(k < BPW, _consume, lambda a: a, acc)
        return acc

    lax.fori_loop(0, NTURN, ring_body, jnp.zeros((LANES,), jnp.float32))

    pltpu.sync_copy(out_v, out_hbm.at[pl.ds(base, BPW)])


def kernel(center, context, table1, table2):
    mesh = plsc.VectorSubcoreMesh(core_axis_name="c", subcore_axis_name="s",
                                  num_cores=NC, num_subcores=NS)
    run = pl.kernel(
        _sc_body,
        out_type=jax.ShapeDtypeStruct((BATCH,), jnp.float32),
        mesh=mesh,
        compiler_params=pltpu.CompilerParams(needs_layout_passes=False,
                                             use_tc_tiling_on_sc=True),
        scratch_types=[
            pltpu.VMEM((NICHUNK, ICHUNK), jnp.int32),
            pltpu.VMEM((NICHUNK, ICHUNK), jnp.int32),
            pltpu.SMEM((BPW,), jnp.int32),
            pltpu.SMEM((BPW,), jnp.int32),
            pltpu.VMEM((EMB_DIM, BLK), jnp.float32),
            pltpu.VMEM((EMB_DIM, BLK), jnp.float32),
            pltpu.VMEM((EMB_DIM, BLK), jnp.float32),
            pltpu.VMEM((EMB_DIM, BLK), jnp.float32),
            pltpu.VMEM((EMB_DIM, BLK), jnp.float32),
            pltpu.VMEM((EMB_DIM, BLK), jnp.float32),
            pltpu.VMEM((EMB_DIM, BLK), jnp.float32),
            pltpu.VMEM((EMB_DIM, BLK), jnp.float32),
            pltpu.VMEM((EMB_DIM, BLK), jnp.float32),
            pltpu.VMEM((EMB_DIM, BLK), jnp.float32),
            pltpu.VMEM((EMB_DIM, BLK), jnp.float32),
            pltpu.VMEM((EMB_DIM, BLK), jnp.float32),
            pltpu.VMEM((EMB_DIM, BLK), jnp.float32),
            pltpu.VMEM((EMB_DIM, BLK), jnp.float32),
            pltpu.VMEM((BPW,), jnp.float32),
            pltpu.SemaphoreType.DMA,
            pltpu.SemaphoreType.DMA,
            pltpu.SemaphoreType.DMA,
            pltpu.SemaphoreType.DMA,
            pltpu.SemaphoreType.DMA,
            pltpu.SemaphoreType.DMA,
            pltpu.SemaphoreType.DMA,
        ],
    )
    return run(center.astype(jnp.int32), context.astype(jnp.int32),
               jnp.swapaxes(table1, 0, 1), jnp.swapaxes(table2, 0, 1))

# --- scband reference (transcript-rebuilt; emitter-appended) ---
"""Pipeline reference for scband-item2-vector-22608707846450 (READ-ONLY COPY).

The authoritative reference and input builder live on the scoring server;
editing this copy changes nothing except your own understanding.
"""

import jax, jax.numpy as jnp
import numpy as np

NITEM = 1000000
EMB_DIM = 64
BATCH = 16384

def setup_inputs(seed: int = 0) -> dict:
    key = jax.random.key(seed)
    k1, k2, k3, k4 = jax.random.split(key, 4)
    center = jax.random.randint(k1, (BATCH,), 0, NITEM, dtype=jnp.int64 if jax.config.jax_enable_x64 else jnp.int32)
    context = jax.random.randint(k2, (BATCH,), 0, NITEM, dtype=jnp.int64 if jax.config.jax_enable_x64 else jnp.int32)
    # torch.nn.Embedding default init: N(0, 1)
    table1 = jax.random.normal(k3, (NITEM, EMB_DIM), dtype=jnp.float32)
    table2 = jax.random.normal(k4, (NITEM, EMB_DIM), dtype=jnp.float32)
    return {"center": center, "context": context, "table1": table1, "table2": table2}

def reference(center, context, table1, table2):
    emb_1 = jnp.take(table1, center, axis=0)
    emb_2 = jnp.take(table2, context, axis=0)
    x = jnp.sum(emb_1 * emb_2, axis=-1)
    return jax.nn.sigmoid(x)

if __name__ == "__main__":
    import jax
    _d = setup_inputs()
    print(jax.jit(kernel)(*tuple(_d.values())))

</pallas_src>

<mosaic_0001>
#map = affine_map<(d0, d1) -> (0)>
#map1 = affine_map<(d0, d1) -> (0, 0)>
module attributes {stable_mosaic.version = 14 : i64} {
  func.func @_sc_body(%arg0: i32, %arg1: i32, %arg2: memref<16384xi32, #tpu.memory_space<hbm>>, %arg3: memref<16384xi32, #tpu.memory_space<hbm>>, %arg4: memref<64x1000000xf32, #tpu.memory_space<hbm>>, %arg5: memref<64x1000000xf32, #tpu.memory_space<hbm>>, %arg6: memref<16384xf32, #tpu.memory_space<hbm>>, %arg7: memref<4x128xi32, #tpu.memory_space<vmem>>, %arg8: memref<4x128xi32, #tpu.memory_space<vmem>>, %arg9: memref<512xi32, #tpu.memory_space<smem>>, %arg10: memref<512xi32, #tpu.memory_space<smem>>, %arg11: memref<64x128xf32, #tpu.memory_space<vmem>>, %arg12: memref<64x128xf32, #tpu.memory_space<vmem>>, %arg13: memref<64x128xf32, #tpu.memory_space<vmem>>, %arg14: memref<64x128xf32, #tpu.memory_space<vmem>>, %arg15: memref<64x128xf32, #tpu.memory_space<vmem>>, %arg16: memref<64x128xf32, #tpu.memory_space<vmem>>, %arg17: memref<64x128xf32, #tpu.memory_space<vmem>>, %arg18: memref<64x128xf32, #tpu.memory_space<vmem>>, %arg19: memref<64x128xf32, #tpu.memory_space<vmem>>, %arg20: memref<64x128xf32, #tpu.memory_space<vmem>>, %arg21: memref<64x128xf32, #tpu.memory_space<vmem>>, %arg22: memref<64x128xf32, #tpu.memory_space<vmem>>, %arg23: memref<64x128xf32, #tpu.memory_space<vmem>>, %arg24: memref<64x128xf32, #tpu.memory_space<vmem>>, %arg25: memref<512xf32, #tpu.memory_space<vmem>>, %arg26: memref<!tpu.dma_semaphore, #tpu.memory_space<semaphore_mem>>, %arg27: memref<!tpu.dma_semaphore, #tpu.memory_space<semaphore_mem>>, %arg28: memref<!tpu.dma_semaphore, #tpu.memory_space<semaphore_mem>>, %arg29: memref<!tpu.dma_semaphore, #tpu.memory_space<semaphore_mem>>, %arg30: memref<!tpu.dma_semaphore, #tpu.memory_space<semaphore_mem>>, %arg31: memref<!tpu.dma_semaphore, #tpu.memory_space<semaphore_mem>>, %arg32: memref<!tpu.dma_semaphore, #tpu.memory_space<semaphore_mem>>) attributes {dimension_semantics = [#tpu.dimension_semantics<core_parallel>, #tpu.dimension_semantics<subcore_parallel>], iteration_bounds = array<i64: 2, 16>, scalar_prefetch = 0 : i64, scratch_operands = 26 : i64, tpu.core_type = #tpu.core_type<sc_vector_subcore>, window_params = [{transform_indices = #map}, {transform_indices = #map}, {transform_indices = #map1}, {transform_indices = #map1}, {transform_indices = #map}]} {
    %mul3A = arith.constant 2 : i32
    %mul3A_0 = arith.muli %arg1, %mul3A : i32
    %add3A = arith.addi %mul3A_0, %arg0 : i32
    %mul3A_1 = arith.constant 512 : i32
    %mul3A_2 = arith.muli %add3A, %mul3A_1 : i32
    %add3A_3 = arith.constant 0 : i32
    %add3A_4 = arith.addi %mul3A_2, %add3A_3 : i32
    %run_scoped3A = arith.constant 0 : i32
    "tpu.region"() ({
      %run_scoped3A_214 = tpu.sem_alloc : memref<!tpu.dma_semaphore, #tpu.memory_space<semaphore_mem>>
      %dma_start3A_215 = arith.constant 0 : i32
      %dma_start3A_216 = tpu.memref_slice %arg7[%run_scoped3A, %dma_start3A_215] : memref<4x128xi32, #tpu.memory_space<vmem>> -> memref<1x128xi32, #tpu.memory_space<vmem>>
      %dma_start3A_217 = tpu.memref_squeeze %dma_start3A_216 : memref<1x128xi32, #tpu.memory_space<vmem>> -> memref<128xi32, #tpu.memory_space<vmem>>
      %dma_start3A_218 = tpu.memref_slice %arg2[%add3A_4] : memref<16384xi32, #tpu.memory_space<hbm>> -> memref<128xi32, #tpu.memory_space<hbm>>
      %dma_start3A_219 = arith.constant 0 : i32
      %dma_start3A_220 = tpu.memref_slice %arg7[%run_scoped3A, %dma_start3A_219] : memref<4x128xi32, #tpu.memory_space<vmem>> -> memref<1x128xi32, #tpu.memory_space<vmem>>
      %dma_start3A_221 = tpu.memref_squeeze %dma_start3A_220 : memref<1x128xi32, #tpu.memory_space<vmem>> -> memref<128xi32, #tpu.memory_space<vmem>>
      %dma_start3A_222 = tpu.memref_slice %arg2[%add3A_4] : memref<16384xi32, #tpu.memory_space<hbm>> -> memref<128xi32, #tpu.memory_space<hbm>>
      tpu.enqueue_dma source(%dma_start3A_222 : memref<128xi32, #tpu.memory_space<hbm>>) target(%dma_start3A_221 : memref<128xi32, #tpu.memory_space<vmem>>) target_semaphore(%run_scoped3A_214 : memref<!tpu.dma_semaphore, #tpu.memory_space<semaphore_mem>>)
      %dma_wait3A = arith.constant 0 : i32
      %dma_wait3A_223 = tpu.memref_slice %arg7[%run_scoped3A, %dma_wait3A] : memref<4x128xi32, #tpu.memory_space<vmem>> -> memref<1x128xi32, #tpu.memory_space<vmem>>
      %dma_wait3A_224 = tpu.memref_squeeze %dma_wait3A_223 : memref<1x128xi32, #tpu.memory_space<vmem>> -> memref<128xi32, #tpu.memory_space<vmem>>
      %dma_wait3A_225 = tpu.memref_slice %arg2[%add3A_4] : memref<16384xi32, #tpu.memory_space<hbm>> -> memref<128xi32, #tpu.memory_space<hbm>>
      %dma_wait3A_226 = arith.constant 0 : i32
      %dma_wait3A_227 = tpu.memref_slice %arg7[%run_scoped3A, %dma_wait3A_226] : memref<4x128xi32, #tpu.memory_space<vmem>> -> memref<1x128xi32, #tpu.memory_space<vmem>>
      %dma_wait3A_228 = tpu.memref_squeeze %dma_wait3A_227 : memref<1x128xi32, #tpu.memory_space<vmem>> -> memref<128xi32, #tpu.memory_space<vmem>>
      %dma_wait3A_229 = tpu.memref_slice %arg2[%add3A_4] : memref<16384xi32, #tpu.memory_space<hbm>> -> memref<128xi32, #tpu.memory_space<hbm>>
      tpu.wait_dma2 semaphore(%run_scoped3A_214 : memref<!tpu.dma_semaphore, #tpu.memory_space<semaphore_mem>>) src(%dma_wait3A_229 : memref<128xi32, #tpu.memory_space<hbm>>) dst(%dma_wait3A_228 : memref<128xi32, #tpu.memory_space<vmem>>)
      tpu.yield
    }) : () -> ()
    %add3A_5 = arith.constant 0 : i32
    %add3A_6 = arith.addi %mul3A_2, %add3A_5 : i32
    %run_scoped3A_7 = arith.constant 0 : i32
    "tpu.region"() ({
      %run_scoped3A_214 = tpu.sem_alloc : memref<!tpu.dma_semaphore, #tpu.memory_space<semaphore_mem>>
      %dma_start3A_215 = arith.constant 0 : i32
      %dma_start3A_216 = tpu.memref_slice %arg8[%run_scoped3A_7, %dma_start3A_215] : memref<4x128xi32, #tpu.memory_space<vmem>> -> memref<1x128xi32, #tpu.memory_space<vmem>>
      %dma_start3A_217 = tpu.memref_squeeze %dma_start3A_216 : memref<1x128xi32, #tpu.memory_space<vmem>> -> memref<128xi32, #tpu.memory_space<vmem>>
      %dma_start3A_218 = tpu.memref_slice %arg3[%add3A_6] : memref<16384xi32, #tpu.memory_space<hbm>> -> memref<128xi32, #tpu.memory_space<hbm>>
      %dma_start3A_219 = arith.constant 0 : i32
      %dma_start3A_220 = tpu.memref_slice %arg8[%run_scoped3A_7, %dma_start3A_219] : memref<4x128xi32, #tpu.memory_space<vmem>> -> memref<1x128xi32, #tpu.memory_space<vmem>>
      %dma_start3A_221 = tpu.memref_squeeze %dma_start3A_220 : memref<1x128xi32, #tpu.memory_space<vmem>> -> memref<128xi32, #tpu.memory_space<vmem>>
      %dma_start3A_222 = tpu.memref_slice %arg3[%add3A_6] : memref<16384xi32, #tpu.memory_space<hbm>> -> memref<128xi32, #tpu.memory_space<hbm>>
      tpu.enqueue_dma source(%dma_start3A_222 : memref<128xi32, #tpu.memory_space<hbm>>) target(%dma_start3A_221 : memref<128xi32, #tpu.memory_space<vmem>>) target_semaphore(%run_scoped3A_214 : memref<!tpu.dma_semaphore, #tpu.memory_space<semaphore_mem>>)
      %dma_wait3A = arith.constant 0 : i32
      %dma_wait3A_223 = tpu.memref_slice %arg8[%run_scoped3A_7, %dma_wait3A] : memref<4x128xi32, #tpu.memory_space<vmem>> -> memref<1x128xi32, #tpu.memory_space<vmem>>
      %dma_wait3A_224 = tpu.memref_squeeze %dma_wait3A_223 : memref<1x128xi32, #tpu.memory_space<vmem>> -> memref<128xi32, #tpu.memory_space<vmem>>
      %dma_wait3A_225 = tpu.memref_slice %arg3[%add3A_6] : memref<16384xi32, #tpu.memory_space<hbm>> -> memref<128xi32, #tpu.memory_space<hbm>>
      %dma_wait3A_226 = arith.constant 0 : i32
      %dma_wait3A_227 = tpu.memref_slice %arg8[%run_scoped3A_7, %dma_wait3A_226] : memref<4x128xi32, #tpu.memory_space<vmem>> -> memref<1x128xi32, #tpu.memory_space<vmem>>
      %dma_wait3A_228 = tpu.memref_squeeze %dma_wait3A_227 : memref<1x128xi32, #tpu.memory_space<vmem>> -> memref<128xi32, #tpu.memory_space<vmem>>
      %dma_wait3A_229 = tpu.memref_slice %arg3[%add3A_6] : memref<16384xi32, #tpu.memory_space<hbm>> -> memref<128xi32, #tpu.memory_space<hbm>>
      tpu.wait_dma2 semaphore(%run_scoped3A_214 : memref<!tpu.dma_semaphore, #tpu.memory_space<semaphore_mem>>) src(%dma_wait3A_229 : memref<128xi32, #tpu.memory_space<hbm>>) dst(%dma_wait3A_228 : memref<128xi32, #tpu.memory_space<vmem>>)
      tpu.yield
    }) : () -> ()
    %add3A_8 = arith.constant 128 : i32
    %add3A_9 = arith.addi %mul3A_2, %add3A_8 : i32
    %run_scoped3A_10 = arith.constant 1 : i32
    "tpu.region"() ({
      %run_scoped3A_214 = tpu.sem_alloc : memref<!tpu.dma_semaphore, #tpu.memory_space<semaphore_mem>>
      %dma_start3A_215 = arith.constant 0 : i32
      %dma_start3A_216 = tpu.memref_slice %arg7[%run_scoped3A_10, %dma_start3A_215] : memref<4x128xi32, #tpu.memory_space<vmem>> -> memref<1x128xi32, #tpu.memory_space<vmem>>
      %dma_start3A_217 = tpu.memref_squeeze %dma_start3A_216 : memref<1x128xi32, #tpu.memory_space<vmem>> -> memref<128xi32, #tpu.memory_space<vmem>>
      %dma_start3A_218 = tpu.memref_slice %arg2[%add3A_9] : memref<16384xi32, #tpu.memory_space<hbm>> -> memref<128xi32, #tpu.memory_space<hbm>>
      %dma_start3A_219 = arith.constant 0 : i32
      %dma_start3A_220 = tpu.memref_slice %arg7[%run_scoped3A_10, %dma_start3A_219] : memref<4x128xi32, #tpu.memory_space<vmem>> -> memref<1x128xi32, #tpu.memory_space<vmem>>
      %dma_start3A_221 = tpu.memref_squeeze %dma_start3A_220 : memref<1x128xi32, #tpu.memory_space<vmem>> -> memref<128xi32, #tpu.memory_space<vmem>>
      %dma_start3A_222 = tpu.memref_slice %arg2[%add3A_9] : memref<16384xi32, #tpu.memory_space<hbm>> -> memref<128xi32, #tpu.memory_space<hbm>>
      tpu.enqueue_dma source(%dma_start3A_222 : memref<128xi32, #tpu.memory_space<hbm>>) target(%dma_start3A_221 : memref<128xi32, #tpu.memory_space<vmem>>) target_semaphore(%run_scoped3A_214 : memref<!tpu.dma_semaphore, #tpu.memory_space<semaphore_mem>>)
      %dma_wait3A = arith.constant 0 : i32
      %dma_wait3A_223 = tpu.memref_slice %arg7[%run_scoped3A_10, %dma_wait3A] : memref<4x128xi32, #tpu.memory_space<vmem>> -> memref<1x128xi32, #tpu.memory_space<vmem>>
      %dma_wait3A_224 = tpu.memref_squeeze %dma_wait3A_223 : memref<1x128xi32, #tpu.memory_space<vmem>> -> memref<128xi32, #tpu.memory_space<vmem>>
      %dma_wait3A_225 = tpu.memref_slice %arg2[%add3A_9] : memref<16384xi32, #tpu.memory_space<hbm>> -> memref<128xi32, #tpu.memory_space<hbm>>
      %dma_wait3A_226 = arith.constant 0 : i32
      %dma_wait3A_227 = tpu.memref_slice %arg7[%run_scoped3A_10, %dma_wait3A_226] : memref<4x128xi32, #tpu.memory_space<vmem>> -> memref<1x128xi32, #tpu.memory_space<vmem>>
      %dma_wait3A_228 = tpu.memref_squeeze %dma_wait3A_227 : memref<1x128xi32, #tpu.memory_space<vmem>> -> memref<128xi32, #tpu.memory_space<vmem>>
      %dma_wait3A_229 = tpu.memref_slice %arg2[%add3A_9] : memref<16384xi32, #tpu.memory_space<hbm>> -> memref<128xi32, #tpu.memory_space<hbm>>
      tpu.wait_dma2 semaphore(%run_scoped3A_214 : memref<!tpu.dma_semaphore, #tpu.memory_space<semaphore_mem>>) src(%dma_wait3A_229 : memref<128xi32, #tpu.memory_space<hbm>>) dst(%dma_wait3A_228 : memref<128xi32, #tpu.memory_space<vmem>>)
      tpu.yield
    }) : () -> ()
    %add3A_11 = arith.constant 128 : i32
    %add3A_12 = arith.addi %mul3A_2, %add3A_11 : i32
    %run_scoped3A_13 = arith.constant 1 : i32
    "tpu.region"() ({
      %run_scoped3A_214 = tpu.sem_alloc : memref<!tpu.dma_semaphore, #tpu.memory_space<semaphore_mem>>
      %dma_start3A_215 = arith.constant 0 : i32
      %dma_start3A_216 = tpu.memref_slice %arg8[%run_scoped3A_13, %dma_start3A_215] : memref<4x128xi32, #tpu.memory_space<vmem>> -> memref<1x128xi32, #tpu.memory_space<vmem>>
      %dma_start3A_217 = tpu.memref_squeeze %dma_start3A_216 : memref<1x128xi32, #tpu.memory_space<vmem>> -> memref<128xi32, #tpu.memory_space<vmem>>
      %dma_start3A_218 = tpu.memref_slice %arg3[%add3A_12] : memref<16384xi32, #tpu.memory_space<hbm>> -> memref<128xi32, #tpu.memory_space<hbm>>
      %dma_start3A_219 = arith.constant 0 : i32
      %dma_start3A_220 = tpu.memref_slice %arg8[%run_scoped3A_13, %dma_start3A_219] : memref<4x128xi32, #tpu.memory_space<vmem>> -> memref<1x128xi32, #tpu.memory_space<vmem>>
      %dma_start3A_221 = tpu.memref_squeeze %dma_start3A_220 : memref<1x128xi32, #tpu.memory_space<vmem>> -> memref<128xi32, #tpu.memory_space<vmem>>
      %dma_start3A_222 = tpu.memref_slice %arg3[%add3A_12] : memref<16384xi32, #tpu.memory_space<hbm>> -> memref<128xi32, #tpu.memory_space<hbm>>
      tpu.enqueue_dma source(%dma_start3A_222 : memref<128xi32, #tpu.memory_space<hbm>>) target(%dma_start3A_221 : memref<128xi32, #tpu.memory_space<vmem>>) target_semaphore(%run_scoped3A_214 : memref<!tpu.dma_semaphore, #tpu.memory_space<semaphore_mem>>)
      %dma_wait3A = arith.constant 0 : i32
      %dma_wait3A_223 = tpu.memref_slice %arg8[%run_scoped3A_13, %dma_wait3A] : memref<4x128xi32, #tpu.memory_space<vmem>> -> memref<1x128xi32, #tpu.memory_space<vmem>>
      %dma_wait3A_224 = tpu.memref_squeeze %dma_wait3A_223 : memref<1x128xi32, #tpu.memory_space<vmem>> -> memref<128xi32, #tpu.memory_space<vmem>>
      %dma_wait3A_225 = tpu.memref_slice %arg3[%add3A_12] : memref<16384xi32, #tpu.memory_space<hbm>> -> memref<128xi32, #tpu.memory_space<hbm>>
      %dma_wait3A_226 = arith.constant 0 : i32
      %dma_wait3A_227 = tpu.memref_slice %arg8[%run_scoped3A_13, %dma_wait3A_226] : memref<4x128xi32, #tpu.memory_space<vmem>> -> memref<1x128xi32, #tpu.memory_space<vmem>>
      %dma_wait3A_228 = tpu.memref_squeeze %dma_wait3A_227 : memref<1x128xi32, #tpu.memory_space<vmem>> -> memref<128xi32, #tpu.memory_space<vmem>>
      %dma_wait3A_229 = tpu.memref_slice %arg3[%add3A_12] : memref<16384xi32, #tpu.memory_space<hbm>> -> memref<128xi32, #tpu.memory_space<hbm>>
      tpu.wait_dma2 semaphore(%run_scoped3A_214 : memref<!tpu.dma_semaphore, #tpu.memory_space<semaphore_mem>>) src(%dma_wait3A_229 : memref<128xi32, #tpu.memory_space<hbm>>) dst(%dma_wait3A_228 : memref<128xi32, #tpu.memory_space<vmem>>)
      tpu.yield
    }) : () -> ()
    %add3A_14 = arith.constant 256 : i32
    %add3A_15 = arith.addi %mul3A_2, %add3A_14 : i32
    %run_scoped3A_16 = arith.constant 2 : i32
    "tpu.region"() ({
      %run_scoped3A_214 = tpu.sem_alloc : memref<!tpu.dma_semaphore, #tpu.memory_space<semaphore_mem>>
      %dma_start3A_215 = arith.constant 0 : i32
      %dma_start3A_216 = tpu.memref_slice %arg7[%run_scoped3A_16, %dma_start3A_215] : memref<4x128xi32, #tpu.memory_space<vmem>> -> memref<1x128xi32, #tpu.memory_space<vmem>>
      %dma_start3A_217 = tpu.memref_squeeze %dma_start3A_216 : memref<1x128xi32, #tpu.memory_space<vmem>> -> memref<128xi32, #tpu.memory_space<vmem>>
      %dma_start3A_218 = tpu.memref_slice %arg2[%add3A_15] : memref<16384xi32, #tpu.memory_space<hbm>> -> memref<128xi32, #tpu.memory_space<hbm>>
      %dma_start3A_219 = arith.constant 0 : i32
      %dma_start3A_220 = tpu.memref_slice %arg7[%run_scoped3A_16, %dma_start3A_219] : memref<4x128xi32, #tpu.memory_space<vmem>> -> memref<1x128xi32, #tpu.memory_space<vmem>>
      %dma_start3A_221 = tpu.memref_squeeze %dma_start3A_220 : memref<1x128xi32, #tpu.memory_space<vmem>> -> memref<128xi32, #tpu.memory_space<vmem>>
      %dma_start3A_222 = tpu.memref_slice %arg2[%add3A_15] : memref<16384xi32, #tpu.memory_space<hbm>> -> memref<128xi32, #tpu.memory_space<hbm>>
      tpu.enqueue_dma source(%dma_start3A_222 : memref<128xi32, #tpu.memory_space<hbm>>) target(%dma_start3A_221 : memref<128xi32, #tpu.memory_space<vmem>>) target_semaphore(%run_scoped3A_214 : memref<!tpu.dma_semaphore, #tpu.memory_space<semaphore_mem>>)
      %dma_wait3A = arith.constant 0 : i32
      %dma_wait3A_223 = tpu.memref_slice %arg7[%run_scoped3A_16, %dma_wait3A] : memref<4x128xi32, #tpu.memory_space<vmem>> -> memref<1x128xi32, #tpu.memory_space<vmem>>
      %dma_wait3A_224 = tpu.memref_squeeze %dma_wait3A_223 : memref<1x128xi32, #tpu.memory_space<vmem>> -> memref<128xi32, #tpu.memory_space<vmem>>
      %dma_wait3A_225 = tpu.memref_slice %arg2[%add3A_15] : memref<16384xi32, #tpu.memory_space<hbm>> -> memref<128xi32, #tpu.memory_space<hbm>>
      %dma_wait3A_226 = arith.constant 0 : i32
      %dma_wait3A_227 = tpu.memref_slice %arg7[%run_scoped3A_16, %dma_wait3A_226] : memref<4x128xi32, #tpu.memory_space<vmem>> -> memref<1x128xi32, #tpu.memory_space<vmem>>
      %dma_wait3A_228 = tpu.memref_squeeze %dma_wait3A_227 : memref<1x128xi32, #tpu.memory_space<vmem>> -> memref<128xi32, #tpu.memory_space<vmem>>
      %dma_wait3A_229 = tpu.memref_slice %arg2[%add3A_15] : memref<16384xi32, #tpu.memory_space<hbm>> -> memref<128xi32, #tpu.memory_space<hbm>>
      tpu.wait_dma2 semaphore(%run_scoped3A_214 : memref<!tpu.dma_semaphore, #tpu.memory_space<semaphore_mem>>) src(%dma_wait3A_229 : memref<128xi32, #tpu.memory_space<hbm>>) dst(%dma_wait3A_228 : memref<128xi32, #tpu.memory_space<vmem>>)
      tpu.yield
    }) : () -> ()
    %add3A_17 = arith.constant 256 : i32
    %add3A_18 = arith.addi %mul3A_2, %add3A_17 : i32
    %run_scoped3A_19 = arith.constant 2 : i32
    "tpu.region"() ({
      %run_scoped3A_214 = tpu.sem_alloc : memref<!tpu.dma_semaphore, #tpu.memory_space<semaphore_mem>>
      %dma_start3A_215 = arith.constant 0 : i32
      %dma_start3A_216 = tpu.memref_slice %arg8[%run_scoped3A_19, %dma_start3A_215] : memref<4x128xi32, #tpu.memory_space<vmem>> -> memref<1x128xi32, #tpu.memory_space<vmem>>
      %dma_start3A_217 = tpu.memref_squeeze %dma_start3A_216 : memref<1x128xi32, #tpu.memory_space<vmem>> -> memref<128xi32, #tpu.memory_space<vmem>>
      %dma_start3A_218 = tpu.memref_slice %arg3[%add3A_18] : memref<16384xi32, #tpu.memory_space<hbm>> -> memref<128xi32, #tpu.memory_space<hbm>>
      %dma_start3A_219 = arith.constant 0 : i32
      %dma_start3A_220 = tpu.memref_slice %arg8[%run_scoped3A_19, %dma_start3A_219] : memref<4x128xi32, #tpu.memory_space<vmem>> -> memref<1x128xi32, #tpu.memory_space<vmem>>
      %dma_start3A_221 = tpu.memref_squeeze %dma_start3A_220 : memref<1x128xi32, #tpu.memory_space<vmem>> -> memref<128xi32, #tpu.memory_space<vmem>>
      %dma_start3A_222 = tpu.memref_slice %arg3[%add3A_18] : memref<16384xi32, #tpu.memory_space<hbm>> -> memref<128xi32, #tpu.memory_space<hbm>>
      tpu.enqueue_dma source(%dma_start3A_222 : memref<128xi32, #tpu.memory_space<hbm>>) target(%dma_start3A_221 : memref<128xi32, #tpu.memory_space<vmem>>) target_semaphore(%run_scoped3A_214 : memref<!tpu.dma_semaphore, #tpu.memory_space<semaphore_mem>>)
      %dma_wait3A = arith.constant 0 : i32
      %dma_wait3A_223 = tpu.memref_slice %arg8[%run_scoped3A_19, %dma_wait3A] : memref<4x128xi32, #tpu.memory_space<vmem>> -> memref<1x128xi32, #tpu.memory_space<vmem>>
      %dma_wait3A_224 = tpu.memref_squeeze %dma_wait3A_223 : memref<1x128xi32, #tpu.memory_space<vmem>> -> memref<128xi32, #tpu.memory_space<vmem>>
      %dma_wait3A_225 = tpu.memref_slice %arg3[%add3A_18] : memref<16384xi32, #tpu.memory_space<hbm>> -> memref<128xi32, #tpu.memory_space<hbm>>
      %dma_wait3A_226 = arith.constant 0 : i32
      %dma_wait3A_227 = tpu.memref_slice %arg8[%run_scoped3A_19, %dma_wait3A_226] : memref<4x128xi32, #tpu.memory_space<vmem>> -> memref<1x128xi32, #tpu.memory_space<vmem>>
      %dma_wait3A_228 = tpu.memref_squeeze %dma_wait3A_227 : memref<1x128xi32, #tpu.memory_space<vmem>> -> memref<128xi32, #tpu.memory_space<vmem>>
      %dma_wait3A_229 = tpu.memref_slice %arg3[%add3A_18] : memref<16384xi32, #tpu.memory_space<hbm>> -> memref<128xi32, #tpu.memory_space<hbm>>
      tpu.wait_dma2 semaphore(%run_scoped3A_214 : memref<!tpu.dma_semaphore, #tpu.memory_space<semaphore_mem>>) src(%dma_wait3A_229 : memref<128xi32, #tpu.memory_space<hbm>>) dst(%dma_wait3A_228 : memref<128xi32, #tpu.memory_space<vmem>>)
      tpu.yield
    }) : () -> ()
    %add3A_20 = arith.constant 384 : i32
    %add3A_21 = arith.addi %mul3A_2, %add3A_20 : i32
    %run_scoped3A_22 = arith.constant 3 : i32
    "tpu.region"() ({
      %run_scoped3A_214 = tpu.sem_alloc : memref<!tpu.dma_semaphore, #tpu.memory_space<semaphore_mem>>
      %dma_start3A_215 = arith.constant 0 : i32
      %dma_start3A_216 = tpu.memref_slice %arg7[%run_scoped3A_22, %dma_start3A_215] : memref<4x128xi32, #tpu.memory_space<vmem>> -> memref<1x128xi32, #tpu.memory_space<vmem>>
      %dma_start3A_217 = tpu.memref_squeeze %dma_start3A_216 : memref<1x128xi32, #tpu.memory_space<vmem>> -> memref<128xi32, #tpu.memory_space<vmem>>
      %dma_start3A_218 = tpu.memref_slice %arg2[%add3A_21] : memref<16384xi32, #tpu.memory_space<hbm>> -> memref<128xi32, #tpu.memory_space<hbm>>
      %dma_start3A_219 = arith.constant 0 : i32
      %dma_start3A_220 = tpu.memref_slice %arg7[%run_scoped3A_22, %dma_start3A_219] : memref<4x128xi32, #tpu.memory_space<vmem>> -> memref<1x128xi32, #tpu.memory_space<vmem>>
      %dma_start3A_221 = tpu.memref_squeeze %dma_start3A_220 : memref<1x128xi32, #tpu.memory_space<vmem>> -> memref<128xi32, #tpu.memory_space<vmem>>
      %dma_start3A_222 = tpu.memref_slice %arg2[%add3A_21] : memref<16384xi32, #tpu.memory_space<hbm>> -> memref<128xi32, #tpu.memory_space<hbm>>
      tpu.enqueue_dma source(%dma_start3A_222 : memref<128xi32, #tpu.memory_space<hbm>>) target(%dma_start3A_221 : memref<128xi32, #tpu.memory_space<vmem>>) target_semaphore(%run_scoped3A_214 : memref<!tpu.dma_semaphore, #tpu.memory_space<semaphore_mem>>)
      %dma_wait3A = arith.constant 0 : i32
      %dma_wait3A_223 = tpu.memref_slice %arg7[%run_scoped3A_22, %dma_wait3A] : memref<4x128xi32, #tpu.memory_space<vmem>> -> memref<1x128xi32, #tpu.memory_space<vmem>>
      %dma_wait3A_224 = tpu.memref_squeeze %dma_wait3A_223 : memref<1x128xi32, #tpu.memory_space<vmem>> -> memref<128xi32, #tpu.memory_space<vmem>>
      %dma_wait3A_225 = tpu.memref_slice %arg2[%add3A_21] : memref<16384xi32, #tpu.memory_space<hbm>> -> memref<128xi32, #tpu.memory_space<hbm>>
      %dma_wait3A_226 = arith.constant 0 : i32
      %dma_wait3A_227 = tpu.memref_slice %arg7[%run_scoped3A_22, %dma_wait3A_226] : memref<4x128xi32, #tpu.memory_space<vmem>> -> memref<1x128xi32, #tpu.memory_space<vmem>>
      %dma_wait3A_228 = tpu.memref_squeeze %dma_wait3A_227 : memref<1x128xi32, #tpu.memory_space<vmem>> -> memref<128xi32, #tpu.memory_space<vmem>>
      %dma_wait3A_229 = tpu.memref_slice %arg2[%add3A_21] : memref<16384xi32, #tpu.memory_space<hbm>> -> memref<128xi32, #tpu.memory_space<hbm>>
      tpu.wait_dma2 semaphore(%run_scoped3A_214 : memref<!tpu.dma_semaphore, #tpu.memory_space<semaphore_mem>>) src(%dma_wait3A_229 : memref<128xi32, #tpu.memory_space<hbm>>) dst(%dma_wait3A_228 : memref<128xi32, #tpu.memory_space<vmem>>)
      tpu.yield
    }) : () -> ()
    %add3A_23 = arith.constant 384 : i32
    %add3A_24 = arith.addi %mul3A_2, %add3A_23 : i32
    %run_scoped3A_25 = arith.constant 3 : i32
    "tpu.region"() ({
      %run_scoped3A_214 = tpu.sem_alloc : memref<!tpu.dma_semaphore, #tpu.memory_space<semaphore_mem>>
      %dma_start3A_215 = arith.constant 0 : i32
      %dma_start3A_216 = tpu.memref_slice %arg8[%run_scoped3A_25, %dma_start3A_215] : memref<4x128xi32, #tpu.memory_space<vmem>> -> memref<1x128xi32, #tpu.memory_space<vmem>>
      %dma_start3A_217 = tpu.memref_squeeze %dma_start3A_216 : memref<1x128xi32, #tpu.memory_space<vmem>> -> memref<128xi32, #tpu.memory_space<vmem>>
      %dma_start3A_218 = tpu.memref_slice %arg3[%add3A_24] : memref<16384xi32, #tpu.memory_space<hbm>> -> memref<128xi32, #tpu.memory_space<hbm>>
      %dma_start3A_219 = arith.constant 0 : i32
      %dma_start3A_220 = tpu.memref_slice %arg8[%run_scoped3A_25, %dma_start3A_219] : memref<4x128xi32, #tpu.memory_space<vmem>> -> memref<1x128xi32, #tpu.memory_space<vmem>>
      %dma_start3A_221 = tpu.memref_squeeze %dma_start3A_220 : memref<1x128xi32, #tpu.memory_space<vmem>> -> memref<128xi32, #tpu.memory_space<vmem>>
      %dma_start3A_222 = tpu.memref_slice %arg3[%add3A_24] : memref<16384xi32, #tpu.memory_space<hbm>> -> memref<128xi32, #tpu.memory_space<hbm>>
      tpu.enqueue_dma source(%dma_start3A_222 : memref<128xi32, #tpu.memory_space<hbm>>) target(%dma_start3A_221 : memref<128xi32, #tpu.memory_space<vmem>>) target_semaphore(%run_scoped3A_214 : memref<!tpu.dma_semaphore, #tpu.memory_space<semaphore_mem>>)
      %dma_wait3A = arith.constant 0 : i32
      %dma_wait3A_223 = tpu.memref_slice %arg8[%run_scoped3A_25, %dma_wait3A] : memref<4x128xi32, #tpu.memory_space<vmem>> -> memref<1x128xi32, #tpu.memory_space<vmem>>
      %dma_wait3A_224 = tpu.memref_squeeze %dma_wait3A_223 : memref<1x128xi32, #tpu.memory_space<vmem>> -> memref<128xi32, #tpu.memory_space<vmem>>
      %dma_wait3A_225 = tpu.memref_slice %arg3[%add3A_24] : memref<16384xi32, #tpu.memory_space<hbm>> -> memref<128xi32, #tpu.memory_space<hbm>>
      %dma_wait3A_226 = arith.constant 0 : i32
      %dma_wait3A_227 = tpu.memref_slice %arg8[%run_scoped3A_25, %dma_wait3A_226] : memref<4x128xi32, #tpu.memory_space<vmem>> -> memref<1x128xi32, #tpu.memory_space<vmem>>
      %dma_wait3A_228 = tpu.memref_squeeze %dma_wait3A_227 : memref<1x128xi32, #tpu.memory_space<vmem>> -> memref<128xi32, #tpu.memory_space<vmem>>
      %dma_wait3A_229 = tpu.memref_slice %arg3[%add3A_24] : memref<16384xi32, #tpu.memory_space<hbm>> -> memref<128xi32, #tpu.memory_space<hbm>>
      tpu.wait_dma2 semaphore(%run_scoped3A_214 : memref<!tpu.dma_semaphore, #tpu.memory_space<semaphore_mem>>) src(%dma_wait3A_229 : memref<128xi32, #tpu.memory_space<hbm>>) dst(%dma_wait3A_228 : memref<128xi32, #tpu.memory_space<vmem>>)
      tpu.yield
    }) : () -> ()
    %scan3A = arith.constant 0 : i32
    %scan3A_26 = arith.constant 0 : i32
    %scan3A_27 = arith.constant 32 : i32
    %scan3A_28 = arith.addi %scan3A_26, %scan3A_27 : i32
    %scan3A_29 = arith.constant 1 : i32
    scf.for %scan3A_214 = %scan3A_26 to %scan3A_28 step %scan3A_29  : i32 {
      %jit3A = arith.constant 8 : i32
      %div3A = arith.divsi %scan3A_214, %jit3A : i32
      %sign3A = arith.constant 0 : i32
      %sign3A_215 = arith.cmpi sgt, %scan3A_214, %sign3A : i32
      %sign3A_216 = arith.extui %sign3A_215 : i1 to i32
      %sign3A_217 = arith.constant 0 : i32
      %sign3A_218 = arith.cmpi slt, %scan3A_214, %sign3A_217 : i32
      %sign3A_219 = arith.extui %sign3A_218 : i1 to i32
      %sign3A_220 = arith.subi %sign3A_216, %sign3A_219 : i32
      %sign3A_221 = arith.constant 0 : i32
      %sign3A_222 = arith.cmpi sgt, %jit3A, %sign3A_221 : i32
      %sign3A_223 = arith.extui %sign3A_222 : i1 to i32
      %sign3A_224 = arith.constant 0 : i32
      %sign3A_225 = arith.cmpi slt, %jit3A, %sign3A_224 : i32
      %sign3A_226 = arith.extui %sign3A_225 : i1 to i32
      %sign3A_227 = arith.subi %sign3A_223, %sign3A_226 : i32
      %ne3A = arith.cmpi ne, %sign3A_220, %sign3A_227 : i32
      %rem3A = arith.remsi %scan3A_214, %jit3A : i32
      %ne3A_228 = arith.constant 0 : i32
      %ne3A_229 = arith.cmpi ne, %rem3A, %ne3A_228 : i32
      %and3A = arith.andi %ne3A, %ne3A_229 : i1
      %sub3A = arith.constant 1 : i32
      %sub3A_230 = arith.subi %div3A, %sub3A : i32
      %select_n3A = arith.select %and3A, %sub3A_230, %div3A : i32
      %jit3A_231 = arith.constant 8 : i32
      %eq3A = arith.constant 0 : i32
      %eq3A_232 = arith.cmpi eq, %jit3A_231, %eq3A : i32
      %jit3A_233 = arith.constant 1 : i32
      %select_n3A_234 = arith.select %eq3A_232, %jit3A_233, %jit3A_231 : i32
      %rem3A_235 = arith.remsi %scan3A_214, %select_n3A_234 : i32
      %ne3A_236 = arith.constant 0 : i32
      %ne3A_237 = arith.cmpi ne, %rem3A_235, %ne3A_236 : i32
      %lt3A = arith.constant 0 : i32
      %lt3A_238 = arith.cmpi slt, %rem3A_235, %lt3A : i32
      %lt3A_239 = arith.constant 0 : i32
      %lt3A_240 = arith.cmpi slt, %select_n3A_234, %lt3A_239 : i32
      %ne3A_241 = arith.xori %lt3A_238, %lt3A_240 : i1
      %and3A_242 = arith.andi %ne3A_241, %ne3A_237 : i1
      %add3A_243 = arith.addi %rem3A_235, %select_n3A_234 : i32
      %select_n3A_244 = arith.select %and3A_242, %add3A_243, %rem3A_235 : i32
      %mul3A_245 = arith.constant 16 : i32
      %mul3A_246 = arith.muli %select_n3A_244, %mul3A_245 : i32
      %get3A_247 = arith.index_cast %select_n3A : i32 to index
      %get3A_248 = arith.index_cast %mul3A_246 : i32 to index
      %get3A_249 = tpu.vector_load %arg7[%get3A_247, %get3A_248] {strides = array<i32>} : memref<4x128xi32, #tpu.memory_space<vmem>>, vector<16xi32>,
      %mul3A_250 = arith.constant 16 : i32
      %mul3A_251 = arith.muli %select_n3A_244, %mul3A_250 : i32
      %get3A_252 = arith.index_cast %select_n3A : i32 to index
      %get3A_253 = arith.index_cast %mul3A_251 : i32 to index
      %get3A_254 = tpu.vector_load %arg8[%get3A_252, %get3A_253] {strides = array<i32>} : memref<4x128xi32, #tpu.memory_space<vmem>>, vector<16xi32>,
      %slice3A = vector.extract_strided_slice %get3A_249 {offsets = [0], sizes = [1], strides = [1]} : vector<16xi32> to vector<1xi32>
      %squeeze3A = vector.extract %slice3A[0] : i32 from vector<1xi32>
      %mul3A_255 = arith.constant 16 : i32
      %mul3A_256 = arith.muli %scan3A_214, %mul3A_255 : i32
      %add3A_257 = arith.constant 0 : i32
      %add3A_258 = arith.addi %mul3A_256, %add3A_257 : i32
      %swap3A = arith.index_cast %add3A_258 : i32 to index
      %swap3A_259 = memref.load %arg9[%swap3A] : memref<512xi32, #tpu.memory_space<smem>>
      memref.store %squeeze3A, %arg9[%swap3A] : memref<512xi32, #tpu.memory_space<smem>>
      %slice3A_260 = vector.extract_strided_slice %get3A_254 {offsets = [0], sizes = [1], strides = [1]} : vector<16xi32> to vector<1xi32>
      %squeeze3A_261 = vector.extract %slice3A_260[0] : i32 from vector<1xi32>
      %mul3A_262 = arith.constant 16 : i32
      %mul3A_263 = arith.muli %scan3A_214, %mul3A_262 : i32
      %add3A_264 = arith.constant 0 : i32
      %add3A_265 = arith.addi %mul3A_263, %add3A_264 : i32
      %swap3A_266 = arith.index_cast %add3A_265 : i32 to index
      %swap3A_267 = memref.load %arg10[%swap3A_266] : memref<512xi32, #tpu.memory_space<smem>>
      memref.store %squeeze3A_261, %arg10[%swap3A_266] : memref<512xi32, #tpu.memory_space<smem>>
      %slice3A_268 = vector.extract_strided_slice %get3A_249 {offsets = [1], sizes = [1], strides = [1]} : vector<16xi32> to vector<1xi32>
      %squeeze3A_269 = vector.extract %slice3A_268[0] : i32 from vector<1xi32>
      %mul3A_270 = arith.constant 16 : i32
      %mul3A_271 = arith.muli %scan3A_214, %mul3A_270 : i32
      %add3A_272 = arith.constant 1 : i32
      %add3A_273 = arith.addi %mul3A_271, %add3A_272 : i32
      %swap3A_274 = arith.index_cast %add3A_273 : i32 to index
      %swap3A_275 = memref.load %arg9[%swap3A_274] : memref<512xi32, #tpu.memory_space<smem>>
      memref.store %squeeze3A_269, %arg9[%swap3A_274] : memref<512xi32, #tpu.memory_space<smem>>
      %slice3A_276 = vector.extract_strided_slice %get3A_254 {offsets = [1], sizes = [1], strides = [1]} : vector<16xi32> to vector<1xi32>
      %squeeze3A_277 = vector.extract %slice3A_276[0] : i32 from vector<1xi32>
      %mul3A_278 = arith.constant 16 : i32
      %mul3A_279 = arith.muli %scan3A_214, %mul3A_278 : i32
      %add3A_280 = arith.constant 1 : i32
      %add3A_281 = arith.addi %mul3A_279, %add3A_280 : i32
      %swap3A_282 = arith.index_cast %add3A_281 : i32 to index
      %swap3A_283 = memref.load %arg10[%swap3A_282] : memref<512xi32, #tpu.memory_space<smem>>
      memref.store %squeeze3A_277, %arg10[%swap3A_282] : memref<512xi32, #tpu.memory_space<smem>>
      %slice3A_284 = vector.extract_strided_slice %get3A_249 {offsets = [2], sizes = [1], strides = [1]} : vector<16xi32> to vector<1xi32>
      %squeeze3A_285 = vector.extract %slice3A_284[0] : i32 from vector<1xi32>
      %mul3A_286 = arith.constant 16 : i32
      %mul3A_287 = arith.muli %scan3A_214, %mul3A_286 : i32
      %add3A_288 = arith.constant 2 : i32
      %add3A_289 = arith.addi %mul3A_287, %add3A_288 : i32
      %swap3A_290 = arith.index_cast %add3A_289 : i32 to index
      %swap3A_291 = memref.load %arg9[%swap3A_290] : memref<512xi32, #tpu.memory_space<smem>>
      memref.store %squeeze3A_285, %arg9[%swap3A_290] : memref<512xi32, #tpu.memory_space<smem>>
      %slice3A_292 = vector.extract_strided_slice %get3A_254 {offsets = [2], sizes = [1], strides = [1]} : vector<16xi32> to vector<1xi32>
      %squeeze3A_293 = vector.extract %slice3A_292[0] : i32 from vector<1xi32>
      %mul3A_294 = arith.constant 16 : i32
      %mul3A_295 = arith.muli %scan3A_214, %mul3A_294 : i32
      %add3A_296 = arith.constant 2 : i32
      %add3A_297 = arith.addi %mul3A_295, %add3A_296 : i32
      %swap3A_298 = arith.index_cast %add3A_297 : i32 to index
      %swap3A_299 = memref.load %arg10[%swap3A_298] : memref<512xi32, #tpu.memory_space<smem>>
      memref.store %squeeze3A_293, %arg10[%swap3A_298] : memref<512xi32, #tpu.memory_space<smem>>
      %slice3A_300 = vector.extract_strided_slice %get3A_249 {offsets = [3], sizes = [1], strides = [1]} : vector<16xi32> to vector<1xi32>
      %squeeze3A_301 = vector.extract %slice3A_300[0] : i32 from vector<1xi32>
      %mul3A_302 = arith.constant 16 : i32
      %mul3A_303 = arith.muli %scan3A_214, %mul3A_302 : i32
      %add3A_304 = arith.constant 3 : i32
      %add3A_305 = arith.addi %mul3A_303, %add3A_304 : i32
      %swap3A_306 = arith.index_cast %add3A_305 : i32 to index
      %swap3A_307 = memref.load %arg9[%swap3A_306] : memref<512xi32, #tpu.memory_space<smem>>
      memref.store %squeeze3A_301, %arg9[%swap3A_306] : memref<512xi32, #tpu.memory_space<smem>>
      %slice3A_308 = vector.extract_strided_slice %get3A_254 {offsets = [3], sizes = [1], strides = [1]} : vector<16xi32> to vector<1xi32>
      %squeeze3A_309 = vector.extract %slice3A_308[0] : i32 from vector<1xi32>
      %mul3A_310 = arith.constant 16 : i32
      %mul3A_311 = arith.muli %scan3A_214, %mul3A_310 : i32
      %add3A_312 = arith.constant 3 : i32
      %add3A_313 = arith.addi %mul3A_311, %add3A_312 : i32
      %swap3A_314 = arith.index_cast %add3A_313 : i32 to index
      %swap3A_315 = memref.load %arg10[%swap3A_314] : memref<512xi32, #tpu.memory_space<smem>>
      memref.store %squeeze3A_309, %arg10[%swap3A_314] : memref<512xi32, #tpu.memory_space<smem>>
      %slice3A_316 = vector.extract_strided_slice %get3A_249 {offsets = [4], sizes = [1], strides = [1]} : vector<16xi32> to vector<1xi32>
      %squeeze3A_317 = vector.extract %slice3A_316[0] : i32 from vector<1xi32>
      %mul3A_318 = arith.constant 16 : i32
      %mul3A_319 = arith.muli %scan3A_214, %mul3A_318 : i32
      %add3A_320 = arith.constant 4 : i32
      %add3A_321 = arith.addi %mul3A_319, %add3A_320 : i32
      %swap3A_322 = arith.index_cast %add3A_321 : i32 to index
      %swap3A_323 = memref.load %arg9[%swap3A_322] : memref<512xi32, #tpu.memory_space<smem>>
      memref.store %squeeze3A_317, %arg9[%swap3A_322] : memref<512xi32, #tpu.memory_space<smem>>
      %slice3A_324 = vector.extract_strided_slice %get3A_254 {offsets = [4], sizes = [1], strides = [1]} : vector<16xi32> to vector<1xi32>
      %squeeze3A_325 = vector.extract %slice3A_324[0] : i32 from vector<1xi32>
      %mul3A_326 = arith.constant 16 : i32
      %mul3A_327 = arith.muli %scan3A_214, %mul3A_326 : i32
      %add3A_328 = arith.constant 4 : i32
      %add3A_329 = arith.addi %mul3A_327, %add3A_328 : i32
      %swap3A_330 = arith.index_cast %add3A_329 : i32 to index
      %swap3A_331 = memref.load %arg10[%swap3A_330] : memref<512xi32, #tpu.memory_space<smem>>
      memref.store %squeeze3A_325, %arg10[%swap3A_330] : memref<512xi32, #tpu.memory_space<smem>>
      %slice3A_332 = vector.extract_strided_slice %get3A_249 {offsets = [5], sizes = [1], strides = [1]} : vector<16xi32> to vector<1xi32>
      %squeeze3A_333 = vector.extract %slice3A_332[0] : i32 from vector<1xi32>
      %mul3A_334 = arith.constant 16 : i32
      %mul3A_335 = arith.muli %scan3A_214, %mul3A_334 : i32
      %add3A_336 = arith.constant 5 : i32
      %add3A_337 = arith.addi %mul3A_335, %add3A_336 : i32
      %swap3A_338 = arith.index_cast %add3A_337 : i32 to index
      %swap3A_339 = memref.load %arg9[%swap3A_338] : memref<512xi32, #tpu.memory_space<smem>>
      memref.store %squeeze3A_333, %arg9[%swap3A_338] : memref<512xi32, #tpu.memory_space<smem>>
      %slice3A_340 = vector.extract_strided_slice %get3A_254 {offsets = [5], sizes = [1], strides = [1]} : vector<16xi32> to vector<1xi32>
      %squeeze3A_341 = vector.extract %slice3A_340[0] : i32 from vector<1xi32>
      %mul3A_342 = arith.constant 16 : i32
      %mul3A_343 = arith.muli %scan3A_214, %mul3A_342 : i32
      %add3A_344 = arith.constant 5 : i32
      %add3A_345 = arith.addi %mul3A_343, %add3A_344 : i32
      %swap3A_346 = arith.index_cast %add3A_345 : i32 to index
      %swap3A_347 = memref.load %arg10[%swap3A_346] : memref<512xi32, #tpu.memory_space<smem>>
      memref.store %squeeze3A_341, %arg10[%swap3A_346] : memref<512xi32, #tpu.memory_space<smem>>
      %slice3A_348 = vector.extract_strided_slice %get3A_249 {offsets = [6], sizes = [1], strides = [1]} : vector<16xi32> to vector<1xi32>
      %squeeze3A_349 = vector.extract %slice3A_348[0] : i32 from vector<1xi32>
      %mul3A_350 = arith.constant 16 : i32
      %mul3A_351 = arith.muli %scan3A_214, %mul3A_350 : i32
      %add3A_352 = arith.constant 6 : i32
      %add3A_353 = arith.addi %mul3A_351, %add3A_352 : i32
      %swap3A_354 = arith.index_cast %add3A_353 : i32 to index
      %swap3A_355 = memref.load %arg9[%swap3A_354] : memref<512xi32, #tpu.memory_space<smem>>
      memref.store %squeeze3A_349, %arg9[%swap3A_354] : memref<512xi32, #tpu.memory_space<smem>>
      %slice3A_356 = vector.extract_strided_slice %get3A_254 {offsets = [6], sizes = [1], strides = [1]} : vector<16xi32> to vector<1xi32>
      %squeeze3A_357 = vector.extract %slice3A_356[0] : i32 from vector<1xi32>
      %mul3A_358 = arith.constant 16 : i32
      %mul3A_359 = arith.muli %scan3A_214, %mul3A_358 : i32
      %add3A_360 = arith.constant 6 : i32
      %add3A_361 = arith.addi %mul3A_359, %add3A_360 : i32
      %swap3A_362 = arith.index_cast %add3A_361 : i32 to index
      %swap3A_363 = memref.load %arg10[%swap3A_362] : memref<512xi32, #tpu.memory_space<smem>>
      memref.store %squeeze3A_357, %arg10[%swap3A_362] : memref<512xi32, #tpu.memory_space<smem>>
      %slice3A_364 = vector.extract_strided_slice %get3A_249 {offsets = [7], sizes = [1], strides = [1]} : vector<16xi32> to vector<1xi32>
      %squeeze3A_365 = vector.extract %slice3A_364[0] : i32 from vector<1xi32>
      %mul3A_366 = arith.constant 16 : i32
      %mul3A_367 = arith.muli %scan3A_214, %mul3A_366 : i32
      %add3A_368 = arith.constant 7 : i32
      %add3A_369 = arith.addi %mul3A_367, %add3A_368 : i32
      %swap3A_370 = arith.index_cast %add3A_369 : i32 to index
      %swap3A_371 = memref.load %arg9[%swap3A_370] : memref<512xi32, #tpu.memory_space<smem>>
      memref.store %squeeze3A_365, %arg9[%swap3A_370] : memref<512xi32, #tpu.memory_space<smem>>
      %slice3A_372 = vector.extract_strided_slice %get3A_254 {offsets = [7], sizes = [1], strides = [1]} : vector<16xi32> to vector<1xi32>
      %squeeze3A_373 = vector.extract %slice3A_372[0] : i32 from vector<1xi32>
      %mul3A_374 = arith.constant 16 : i32
      %mul3A_375 = arith.muli %scan3A_214, %mul3A_374 : i32
      %add3A_376 = arith.constant 7 : i32
      %add3A_377 = arith.addi %mul3A_375, %add3A_376 : i32
      %swap3A_378 = arith.index_cast %add3A_377 : i32 to index
      %swap3A_379 = memref.load %arg10[%swap3A_378] : memref<512xi32, #tpu.memory_space<smem>>
      memref.store %squeeze3A_373, %arg10[%swap3A_378] : memref<512xi32, #tpu.memory_space<smem>>
      %slice3A_380 = vector.extract_strided_slice %get3A_249 {offsets = [8], sizes = [1], strides = [1]} : vector<16xi32> to vector<1xi32>
      %squeeze3A_381 = vector.extract %slice3A_380[0] : i32 from vector<1xi32>
      %mul3A_382 = arith.constant 16 : i32
      %mul3A_383 = arith.muli %scan3A_214, %mul3A_382 : i32
      %add3A_384 = arith.constant 8 : i32
      %add3A_385 = arith.addi %mul3A_383, %add3A_384 : i32
      %swap3A_386 = arith.index_cast %add3A_385 : i32 to index
      %swap3A_387 = memref.load %arg9[%swap3A_386] : memref<512xi32, #tpu.memory_space<smem>>
      memref.store %squeeze3A_381, %arg9[%swap3A_386] : memref<512xi32, #tpu.memory_space<smem>>
      %slice3A_388 = vector.extract_strided_slice %get3A_254 {offsets = [8], sizes = [1], strides = [1]} : vector<16xi32> to vector<1xi32>
      %squeeze3A_389 = vector.extract %slice3A_388[0] : i32 from vector<1xi32>
      %mul3A_390 = arith.constant 16 : i32
      %mul3A_391 = arith.muli %scan3A_214, %mul3A_390 : i32
      %add3A_392 = arith.constant 8 : i32
      %add3A_393 = arith.addi %mul3A_391, %add3A_392 : i32
      %swap3A_394 = arith.index_cast %add3A_393 : i32 to index
      %swap3A_395 = memref.load %arg10[%swap3A_394] : memref<512xi32, #tpu.memory_space<smem>>
      memref.store %squeeze3A_389, %arg10[%swap3A_394] : memref<512xi32, #tpu.memory_space<smem>>
      %slice3A_396 = vector.extract_strided_slice %get3A_249 {offsets = [9], sizes = [1], strides = [1]} : vector<16xi32> to vector<1xi32>
      %squeeze3A_397 = vector.extract %slice3A_396[0] : i32 from vector<1xi32>
      %mul3A_398 = arith.constant 16 : i32
      %mul3A_399 = arith.muli %scan3A_214, %mul3A_398 : i32
      %add3A_400 = arith.constant 9 : i32
      %add3A_401 = arith.addi %mul3A_399, %add3A_400 : i32
      %swap3A_402 = arith.index_cast %add3A_401 : i32 to index
      %swap3A_403 = memref.load %arg9[%swap3A_402] : memref<512xi32, #tpu.memory_space<smem>>
      memref.store %squeeze3A_397, %arg9[%swap3A_402] : memref<512xi32, #tpu.memory_space<smem>>
      %slice3A_404 = vector.extract_strided_slice %get3A_254 {offsets = [9], sizes = [1], strides = [1]} : vector<16xi32> to vector<1xi32>
      %squeeze3A_405 = vector.extract %slice3A_404[0] : i32 from vector<1xi32>
      %mul3A_406 = arith.constant 16 : i32
      %mul3A_407 = arith.muli %scan3A_214, %mul3A_406 : i32
      %add3A_408 = arith.constant 9 : i32
      %add3A_409 = arith.addi %mul3A_407, %add3A_408 : i32
      %swap3A_410 = arith.index_cast %add3A_409 : i32 to index
      %swap3A_411 = memref.load %arg10[%swap3A_410] : memref<512xi32, #tpu.memory_space<smem>>
      memref.store %squeeze3A_405, %arg10[%swap3A_410] : memref<512xi32, #tpu.memory_space<smem>>
      %slice3A_412 = vector.extract_strided_slice %get3A_249 {offsets = [10], sizes = [1], strides = [1]} : vector<16xi32> to vector<1xi32>
      %squeeze3A_413 = vector.extract %slice3A_412[0] : i32 from vector<1xi32>
      %mul3A_414 = arith.constant 16 : i32
      %mul3A_415 = arith.muli %scan3A_214, %mul3A_414 : i32
      %add3A_416 = arith.constant 10 : i32
      %add3A_417 = arith.addi %mul3A_415, %add3A_416 : i32
      %swap3A_418 = arith.index_cast %add3A_417 : i32 to index
      %swap3A_419 = memref.load %arg9[%swap3A_418] : memref<512xi32, #tpu.memory_space<smem>>
      memref.store %squeeze3A_413, %arg9[%swap3A_418] : memref<512xi32, #tpu.memory_space<smem>>
      %slice3A_420 = vector.extract_strided_slice %get3A_254 {offsets = [10], sizes = [1], strides = [1]} : vector<16xi32> to vector<1xi32>
      %squeeze3A_421 = vector.extract %slice3A_420[0] : i32 from vector<1xi32>
      %mul3A_422 = arith.constant 16 : i32
      %mul3A_423 = arith.muli %scan3A_214, %mul3A_422 : i32
      %add3A_424 = arith.constant 10 : i32
      %add3A_425 = arith.addi %mul3A_423, %add3A_424 : i32
      %swap3A_426 = arith.index_cast %add3A_425 : i32 to index
      %swap3A_427 = memref.load %arg10[%swap3A_426] : memref<512xi32, #tpu.memory_space<smem>>
      memref.store %squeeze3A_421, %arg10[%swap3A_426] : memref<512xi32, #tpu.memory_space<smem>>
      %slice3A_428 = vector.extract_strided_slice %get3A_249 {offsets = [11], sizes = [1], strides = [1]} : vector<16xi32> to vector<1xi32>
      %squeeze3A_429 = vector.extract %slice3A_428[0] : i32 from vector<1xi32>
      %mul3A_430 = arith.constant 16 : i32
      %mul3A_431 = arith.muli %scan3A_214, %mul3A_430 : i32
      %add3A_432 = arith.constant 11 : i32
      %add3A_433 = arith.addi %mul3A_431, %add3A_432 : i32
      %swap3A_434 = arith.index_cast %add3A_433 : i32 to index
      %swap3A_435 = memref.load %arg9[%swap3A_434] : memref<512xi32, #tpu.memory_space<smem>>
      memref.store %squeeze3A_429, %arg9[%swap3A_434] : memref<512xi32, #tpu.memory_space<smem>>
      %slice3A_436 = vector.extract_strided_slice %get3A_254 {offsets = [11], sizes = [1], strides = [1]} : vector<16xi32> to vector<1xi32>
      %squeeze3A_437 = vector.extract %slice3A_436[0] : i32 from vector<1xi32>
      %mul3A_438 = arith.constant 16 : i32
      %mul3A_439 = arith.muli %scan3A_214, %mul3A_438 : i32
      %add3A_440 = arith.constant 11 : i32
      %add3A_441 = arith.addi %mul3A_439, %add3A_440 : i32
      %swap3A_442 = arith.index_cast %add3A_441 : i32 to index
      %swap3A_443 = memref.load %arg10[%swap3A_442] : memref<512xi32, #tpu.memory_space<smem>>
      memref.store %squeeze3A_437, %arg10[%swap3A_442] : memref<512xi32, #tpu.memory_space<smem>>
      %slice3A_444 = vector.extract_strided_slice %get3A_249 {offsets = [12], sizes = [1], strides = [1]} : vector<16xi32> to vector<1xi32>
      %squeeze3A_445 = vector.extract %slice3A_444[0] : i32 from vector<1xi32>
      %mul3A_446 = arith.constant 16 : i32
      %mul3A_447 = arith.muli %scan3A_214, %mul3A_446 : i32
      %add3A_448 = arith.constant 12 : i32
      %add3A_449 = arith.addi %mul3A_447, %add3A_448 : i32
      %swap3A_450 = arith.index_cast %add3A_449 : i32 to index
      %swap3A_451 = memref.load %arg9[%swap3A_450] : memref<512xi32, #tpu.memory_space<smem>>
      memref.store %squeeze3A_445, %arg9[%swap3A_450] : memref<512xi32, #tpu.memory_space<smem>>
      %slice3A_452 = vector.extract_strided_slice %get3A_254 {offsets = [12], sizes = [1], strides = [1]} : vector<16xi32> to vector<1xi32>
      %squeeze3A_453 = vector.extract %slice3A_452[0] : i32 from vector<1xi32>
      %mul3A_454 = arith.constant 16 : i32
      %mul3A_455 = arith.muli %scan3A_214, %mul3A_454 : i32
      %add3A_456 = arith.constant 12 : i32
      %add3A_457 = arith.addi %mul3A_455, %add3A_456 : i32
      %swap3A_458 = arith.index_cast %add3A_457 : i32 to index
      %swap3A_459 = memref.load %arg10[%swap3A_458] : memref<512xi32, #tpu.memory_space<smem>>
      memref.store %squeeze3A_453, %arg10[%swap3A_458] : memref<512xi32, #tpu.memory_space<smem>>
      %slice3A_460 = vector.extract_strided_slice %get3A_249 {offsets = [13], sizes = [1], strides = [1]} : vector<16xi32> to vector<1xi32>
      %squeeze3A_461 = vector.extract %slice3A_460[0] : i32 from vector<1xi32>
      %mul3A_462 = arith.constant 16 : i32
      %mul3A_463 = arith.muli %scan3A_214, %mul3A_462 : i32
      %add3A_464 = arith.constant 13 : i32
      %add3A_465 = arith.addi %mul3A_463, %add3A_464 : i32
      %swap3A_466 = arith.index_cast %add3A_465 : i32 to index
      %swap3A_467 = memref.load %arg9[%swap3A_466] : memref<512xi32, #tpu.memory_space<smem>>
      memref.store %squeeze3A_461, %arg9[%swap3A_466] : memref<512xi32, #tpu.memory_space<smem>>
      %slice3A_468 = vector.extract_strided_slice %get3A_254 {offsets = [13], sizes = [1], strides = [1]} : vector<16xi32> to vector<1xi32>
      %squeeze3A_469 = vector.extract %slice3A_468[0] : i32 from vector<1xi32>
      %mul3A_470 = arith.constant 16 : i32
      %mul3A_471 = arith.muli %scan3A_214, %mul3A_470 : i32
      %add3A_472 = arith.constant 13 : i32
      %add3A_473 = arith.addi %mul3A_471, %add3A_472 : i32
      %swap3A_474 = arith.index_cast %add3A_473 : i32 to index
      %swap3A_475 = memref.load %arg10[%swap3A_474] : memref<512xi32, #tpu.memory_space<smem>>
      memref.store %squeeze3A_469, %arg10[%swap3A_474] : memref<512xi32, #tpu.memory_space<smem>>
      %slice3A_476 = vector.extract_strided_slice %get3A_249 {offsets = [14], sizes = [1], strides = [1]} : vector<16xi32> to vector<1xi32>
      %squeeze3A_477 = vector.extract %slice3A_476[0] : i32 from vector<1xi32>
      %mul3A_478 = arith.constant 16 : i32
      %mul3A_479 = arith.muli %scan3A_214, %mul3A_478 : i32
      %add3A_480 = arith.constant 14 : i32
      %add3A_481 = arith.addi %mul3A_479, %add3A_480 : i32
      %swap3A_482 = arith.index_cast %add3A_481 : i32 to index
      %swap3A_483 = memref.load %arg9[%swap3A_482] : memref<512xi32, #tpu.memory_space<smem>>
      memref.store %squeeze3A_477, %arg9[%swap3A_482] : memref<512xi32, #tpu.memory_space<smem>>
      %slice3A_484 = vector.extract_strided_slice %get3A_254 {offsets = [14], sizes = [1], strides = [1]} : vector<16xi32> to vector<1xi32>
      %squeeze3A_485 = vector.extract %slice3A_484[0] : i32 from vector<1xi32>
      %mul3A_486 = arith.constant 16 : i32
      %mul3A_487 = arith.muli %scan3A_214, %mul3A_486 : i32
      %add3A_488 = arith.constant 14 : i32
      %add3A_489 = arith.addi %mul3A_487, %add3A_488 : i32
      %swap3A_490 = arith.index_cast %add3A_489 : i32 to index
      %swap3A_491 = memref.load %arg10[%swap3A_490] : memref<512xi32, #tpu.memory_space<smem>>
      memref.store %squeeze3A_485, %arg10[%swap3A_490] : memref<512xi32, #tpu.memory_space<smem>>
      %slice3A_492 = vector.extract_strided_slice %get3A_249 {offsets = [15], sizes = [1], strides = [1]} : vector<16xi32> to vector<1xi32>
      %squeeze3A_493 = vector.extract %slice3A_492[0] : i32 from vector<1xi32>
      %mul3A_494 = arith.constant 16 : i32
      %mul3A_495 = arith.muli %scan3A_214, %mul3A_494 : i32
      %add3A_496 = arith.constant 15 : i32
      %add3A_497 = arith.addi %mul3A_495, %add3A_496 : i32
      %swap3A_498 = arith.index_cast %add3A_497 : i32 to index
      %swap3A_499 = memref.load %arg9[%swap3A_498] : memref<512xi32, #tpu.memory_space<smem>>
      memref.store %squeeze3A_493, %arg9[%swap3A_498] : memref<512xi32, #tpu.memory_space<smem>>
      %slice3A_500 = vector.extract_strided_slice %get3A_254 {offsets = [15], sizes = [1], strides = [1]} : vector<16xi32> to vector<1xi32>
      %squeeze3A_501 = vector.extract %slice3A_500[0] : i32 from vector<1xi32>
      %mul3A_502 = arith.constant 16 : i32
      %mul3A_503 = arith.muli %scan3A_214, %mul3A_502 : i32
      %add3A_504 = arith.constant 15 : i32
      %add3A_505 = arith.addi %mul3A_503, %add3A_504 : i32
      %swap3A_506 = arith.index_cast %add3A_505 : i32 to index
      %swap3A_507 = memref.load %arg10[%swap3A_506] : memref<512xi32, #tpu.memory_space<smem>>
      memref.store %squeeze3A_501, %arg10[%swap3A_506] : memref<512xi32, #tpu.memory_space<smem>>
    }
    %scan3A_30 = arith.constant 32 : i32
    %iota3A = tpu.iota {dimensions = array<i32: 0>} : vector<16xi32>
    %add3A_31 = arith.constant 0 : i32
    %add3A_32 = vector.broadcast %add3A_31 : i32 to vector<16xi32>
    %add3A_33 = arith.addi %add3A_32, %iota3A : vector<16xi32>
    %add3A_34 = arith.constant 16 : i32
    %add3A_35 = vector.broadcast %add3A_34 : i32 to vector<16xi32>
    %add3A_36 = arith.addi %add3A_35, %iota3A : vector<16xi32>
    %add3A_37 = arith.constant 32 : i32
    %add3A_38 = vector.broadcast %add3A_37 : i32 to vector<16xi32>
    %add3A_39 = arith.addi %add3A_38, %iota3A : vector<16xi32>
    %add3A_40 = arith.constant 48 : i32
    %add3A_41 = vector.broadcast %add3A_40 : i32 to vector<16xi32>
    %add3A_42 = arith.addi %add3A_41, %iota3A : vector<16xi32>
    %get3A = arith.constant 0 : i32
    %get3A_43 = arith.index_cast %get3A : i32 to index
    %get3A_44 = memref.load %arg9[%get3A_43] : memref<512xi32, #tpu.memory_space<smem>>
    %get3A_45 = arith.constant 0 : i32
    %get3A_46 = arith.index_cast %get3A_45 : i32 to index
    %get3A_47 = memref.load %arg10[%get3A_46] : memref<512xi32, #tpu.memory_space<smem>>
    %shift_right_arithmetic3A = arith.constant 7 : i32
    %shift_right_arithmetic3A_48 = arith.shrsi %get3A_44, %shift_right_arithmetic3A : i32
    %mul3A_49 = arith.constant 128 : i32
    %mul3A_50 = arith.muli %shift_right_arithmetic3A_48, %mul3A_49 : i32
    %multiple_of3A = tpu.assume_multiple %mul3A_50, 128 : i32
    %shift_right_arithmetic3A_51 = arith.constant 7 : i32
    %shift_right_arithmetic3A_52 = arith.shrsi %get3A_47, %shift_right_arithmetic3A_51 : i32
    %mul3A_53 = arith.constant 128 : i32
    %mul3A_54 = arith.muli %shift_right_arithmetic3A_52, %mul3A_53 : i32
    %multiple_of3A_55 = tpu.assume_multiple %mul3A_54, 128 : i32
    %dma_start3A = arith.constant 0 : i32
    %dma_start3A_56 = tpu.memref_slice %arg4[%dma_start3A, %multiple_of3A] : memref<64x1000000xf32, #tpu.memory_space<hbm>> -> memref<64x128xf32, #tpu.memory_space<hbm>>
    %dma_start3A_57 = arith.constant 0 : i32
    %dma_start3A_58 = tpu.memref_slice %arg4[%dma_start3A_57, %multiple_of3A] : memref<64x1000000xf32, #tpu.memory_space<hbm>> -> memref<64x128xf32, #tpu.memory_space<hbm>>
    tpu.enqueue_dma source(%dma_start3A_58 : memref<64x128xf32, #tpu.memory_space<hbm>>) target(%arg11 : memref<64x128xf32, #tpu.memory_space<vmem>>) target_semaphore(%arg26 : memref<!tpu.dma_semaphore, #tpu.memory_space<semaphore_mem>>)
    %dma_start3A_59 = arith.constant 0 : i32
    %dma_start3A_60 = tpu.memref_slice %arg5[%dma_start3A_59, %multiple_of3A_55] : memref<64x1000000xf32, #tpu.memory_space<hbm>> -> memref<64x128xf32, #tpu.memory_space<hbm>>
    %dma_start3A_61 = arith.constant 0 : i32
    %dma_start3A_62 = tpu.memref_slice %arg5[%dma_start3A_61, %multiple_of3A_55] : memref<64x1000000xf32, #tpu.memory_space<hbm>> -> memref<64x128xf32, #tpu.memory_space<hbm>>
    tpu.enqueue_dma source(%dma_start3A_62 : memref<64x128xf32, #tpu.memory_space<hbm>>) target(%arg12 : memref<64x128xf32, #tpu.memory_space<vmem>>) target_semaphore(%arg26 : memref<!tpu.dma_semaphore, #tpu.memory_space<semaphore_mem>>)
    %get3A_63 = arith.constant 1 : i32
    %get3A_64 = arith.index_cast %get3A_63 : i32 to index
    %get3A_65 = memref.load %arg9[%get3A_64] : memref<512xi32, #tpu.memory_space<smem>>
    %get3A_66 = arith.constant 1 : i32
    %get3A_67 = arith.index_cast %get3A_66 : i32 to index
    %get3A_68 = memref.load %arg10[%get3A_67] : memref<512xi32, #tpu.memory_space<smem>>
    %shift_right_arithmetic3A_69 = arith.constant 7 : i32
    %shift_right_arithmetic3A_70 = arith.shrsi %get3A_65, %shift_right_arithmetic3A_69 : i32
    %mul3A_71 = arith.constant 128 : i32
    %mul3A_72 = arith.muli %shift_right_arithmetic3A_70, %mul3A_71 : i32
    %multiple_of3A_73 = tpu.assume_multiple %mul3A_72, 128 : i32
    %shift_right_arithmetic3A_74 = arith.constant 7 : i32
    %shift_right_arithmetic3A_75 = arith.shrsi %get3A_68, %shift_right_arithmetic3A_74 : i32
    %mul3A_76 = arith.constant 128 : i32
    %mul3A_77 = arith.muli %shift_right_arithmetic3A_75, %mul3A_76 : i32
    %multiple_of3A_78 = tpu.assume_multiple %mul3A_77, 128 : i32
    %dma_start3A_79 = arith.constant 0 : i32
    %dma_start3A_80 = tpu.memref_slice %arg4[%dma_start3A_79, %multiple_of3A_73] : memref<64x1000000xf32, #tpu.memory_space<hbm>> -> memref<64x128xf32, #tpu.memory_space<hbm>>
    %dma_start3A_81 = arith.constant 0 : i32
    %dma_start3A_82 = tpu.memref_slice %arg4[%dma_start3A_81, %multiple_of3A_73] : memref<64x1000000xf32, #tpu.memory_space<hbm>> -> memref<64x128xf32, #tpu.memory_space<hbm>>
    tpu.enqueue_dma source(%dma_start3A_82 : memref<64x128xf32, #tpu.memory_space<hbm>>) target(%arg13 : memref<64x128xf32, #tpu.memory_space<vmem>>) target_semaphore(%arg27 : memref<!tpu.dma_semaphore, #tpu.memory_space<semaphore_mem>>)
    %dma_start3A_83 = arith.constant 0 : i32
    %dma_start3A_84 = tpu.memref_slice %arg5[%dma_start3A_83, %multiple_of3A_78] : memref<64x1000000xf32, #tpu.memory_space<hbm>> -> memref<64x128xf32, #tpu.memory_space<hbm>>
    %dma_start3A_85 = arith.constant 0 : i32
    %dma_start3A_86 = tpu.memref_slice %arg5[%dma_start3A_85, %multiple_of3A_78] : memref<64x1000000xf32, #tpu.memory_space<hbm>> -> memref<64x128xf32, #tpu.memory_space<hbm>>
    tpu.enqueue_dma source(%dma_start3A_86 : memref<64x128xf32, #tpu.memory_space<hbm>>) target(%arg14 : memref<64x128xf32, #tpu.memory_space<vmem>>) target_semaphore(%arg27 : memref<!tpu.dma_semaphore, #tpu.memory_space<semaphore_mem>>)
    %get3A_87 = arith.constant 2 : i32
    %get3A_88 = arith.index_cast %get3A_87 : i32 to index
    %get3A_89 = memref.load %arg9[%get3A_88] : memref<512xi32, #tpu.memory_space<smem>>
    %get3A_90 = arith.constant 2 : i32
    %get3A_91 = arith.index_cast %get3A_90 : i32 to index
    %get3A_92 = memref.load %arg10[%get3A_91] : memref<512xi32, #tpu.memory_space<smem>>
    %shift_right_arithmetic3A_93 = arith.constant 7 : i32
    %shift_right_arithmetic3A_94 = arith.shrsi %get3A_89, %shift_right_arithmetic3A_93 : i32
    %mul3A_95 = arith.constant 128 : i32
    %mul3A_96 = arith.muli %shift_right_arithmetic3A_94, %mul3A_95 : i32
    %multiple_of3A_97 = tpu.assume_multiple %mul3A_96, 128 : i32
    %shift_right_arithmetic3A_98 = arith.constant 7 : i32
    %shift_right_arithmetic3A_99 = arith.shrsi %get3A_92, %shift_right_arithmetic3A_98 : i32
    %mul3A_100 = arith.constant 128 : i32
    %mul3A_101 = arith.muli %shift_right_arithmetic3A_99, %mul3A_100 : i32
    %multiple_of3A_102 = tpu.assume_multiple %mul3A_101, 128 : i32
    %dma_start3A_103 = arith.constant 0 : i32
    %dma_start3A_104 = tpu.memref_slice %arg4[%dma_start3A_103, %multiple_of3A_97] : memref<64x1000000xf32, #tpu.memory_space<hbm>> -> memref<64x128xf32, #tpu.memory_space<hbm>>
    %dma_start3A_105 = arith.constant 0 : i32
    %dma_start3A_106 = tpu.memref_slice %arg4[%dma_start3A_105, %multiple_of3A_97] : memref<64x1000000xf32, #tpu.memory_space<hbm>> -> memref<64x128xf32, #tpu.memory_space<hbm>>
    tpu.enqueue_dma source(%dma_start3A_106 : memref<64x128xf32, #tpu.memory_space<hbm>>) target(%arg15 : memref<64x128xf32, #tpu.memory_space<vmem>>) target_semaphore(%arg28 : memref<!tpu.dma_semaphore, #tpu.memory_space<semaphore_mem>>)
    %dma_start3A_107 = arith.constant 0 : i32
    %dma_start3A_108 = tpu.memref_slice %arg5[%dma_start3A_107, %multiple_of3A_102] : memref<64x1000000xf32, #tpu.memory_space<hbm>> -> memref<64x128xf32, #tpu.memory_space<hbm>>
    %dma_start3A_109 = arith.constant 0 : i32
    %dma_start3A_110 = tpu.memref_slice %arg5[%dma_start3A_109, %multiple_of3A_102] : memref<64x1000000xf32, #tpu.memory_space<hbm>> -> memref<64x128xf32, #tpu.memory_space<hbm>>
    tpu.enqueue_dma source(%dma_start3A_110 : memref<64x128xf32, #tpu.memory_space<hbm>>) target(%arg16 : memref<64x128xf32, #tpu.memory_space<vmem>>) target_semaphore(%arg28 : memref<!tpu.dma_semaphore, #tpu.memory_space<semaphore_mem>>)
    %get3A_111 = arith.constant 3 : i32
    %get3A_112 = arith.index_cast %get3A_111 : i32 to index
    %get3A_113 = memref.load %arg9[%get3A_112] : memref<512xi32, #tpu.memory_space<smem>>
    %get3A_114 = arith.constant 3 : i32
    %get3A_115 = arith.index_cast %get3A_114 : i32 to index
    %get3A_116 = memref.load %arg10[%get3A_115] : memref<512xi32, #tpu.memory_space<smem>>
    %shift_right_arithmetic3A_117 = arith.constant 7 : i32
    %shift_right_arithmetic3A_118 = arith.shrsi %get3A_113, %shift_right_arithmetic3A_117 : i32
    %mul3A_119 = arith.constant 128 : i32
    %mul3A_120 = arith.muli %shift_right_arithmetic3A_118, %mul3A_119 : i32
    %multiple_of3A_121 = tpu.assume_multiple %mul3A_120, 128 : i32
    %shift_right_arithmetic3A_122 = arith.constant 7 : i32
    %shift_right_arithmetic3A_123 = arith.shrsi %get3A_116, %shift_right_arithmetic3A_122 : i32
    %mul3A_124 = arith.constant 128 : i32
    %mul3A_125 = arith.muli %shift_right_arithmetic3A_123, %mul3A_124 : i32
    %multiple_of3A_126 = tpu.assume_multiple %mul3A_125, 128 : i32
    %dma_start3A_127 = arith.constant 0 : i32
    %dma_start3A_128 = tpu.memref_slice %arg4[%dma_start3A_127, %multiple_of3A_121] : memref<64x1000000xf32, #tpu.memory_space<hbm>> -> memref<64x128xf32, #tpu.memory_space<hbm>>
    %dma_start3A_129 = arith.constant 0 : i32
    %dma_start3A_130 = tpu.memref_slice %arg4[%dma_start3A_129, %multiple_of3A_121] : memref<64x1000000xf32, #tpu.memory_space<hbm>> -> memref<64x128xf32, #tpu.memory_space<hbm>>
    tpu.enqueue_dma source(%dma_start3A_130 : memref<64x128xf32, #tpu.memory_space<hbm>>) target(%arg17 : memref<64x128xf32, #tpu.memory_space<vmem>>) target_semaphore(%arg29 : memref<!tpu.dma_semaphore, #tpu.memory_space<semaphore_mem>>)
    %dma_start3A_131 = arith.constant 0 : i32
    %dma_start3A_132 = tpu.memref_slice %arg5[%dma_start3A_131, %multiple_of3A_126] : memref<64x1000000xf32, #tpu.memory_space<hbm>> -> memref<64x128xf32, #tpu.memory_space<hbm>>
    %dma_start3A_133 = arith.constant 0 : i32
    %dma_start3A_134 = tpu.memref_slice %arg5[%dma_start3A_133, %multiple_of3A_126] : memref<64x1000000xf32, #tpu.memory_space<hbm>> -> memref<64x128xf32, #tpu.memory_space<hbm>>
    tpu.enqueue_dma source(%dma_start3A_134 : memref<64x128xf32, #tpu.memory_space<hbm>>) target(%arg18 : memref<64x128xf32, #tpu.memory_space<vmem>>) target_semaphore(%arg29 : memref<!tpu.dma_semaphore, #tpu.memory_space<semaphore_mem>>)
    %get3A_135 = arith.constant 4 : i32
    %get3A_136 = arith.index_cast %get3A_135 : i32 to index
    %get3A_137 = memref.load %arg9[%get3A_136] : memref<512xi32, #tpu.memory_space<smem>>
    %get3A_138 = arith.constant 4 : i32
    %get3A_139 = arith.index_cast %get3A_138 : i32 to index
    %get3A_140 = memref.load %arg10[%get3A_139] : memref<512xi32, #tpu.memory_space<smem>>
    %shift_right_arithmetic3A_141 = arith.constant 7 : i32
    %shift_right_arithmetic3A_142 = arith.shrsi %get3A_137, %shift_right_arithmetic3A_141 : i32
    %mul3A_143 = arith.constant 128 : i32
    %mul3A_144 = arith.muli %shift_right_arithmetic3A_142, %mul3A_143 : i32
    %multiple_of3A_145 = tpu.assume_multiple %mul3A_144, 128 : i32
    %shift_right_arithmetic3A_146 = arith.constant 7 : i32
    %shift_right_arithmetic3A_147 = arith.shrsi %get3A_140, %shift_right_arithmetic3A_146 : i32
    %mul3A_148 = arith.constant 128 : i32
    %mul3A_149 = arith.muli %shift_right_arithmetic3A_147, %mul3A_148 : i32
    %multiple_of3A_150 = tpu.assume_multiple %mul3A_149, 128 : i32
    %dma_start3A_151 = arith.constant 0 : i32
    %dma_start3A_152 = tpu.memref_slice %arg4[%dma_start3A_151, %multiple_of3A_145] : memref<64x1000000xf32, #tpu.memory_space<hbm>> -> memref<64x128xf32, #tpu.memory_space<hbm>>
    %dma_start3A_153 = arith.constant 0 : i32
    %dma_start3A_154 = tpu.memref_slice %arg4[%dma_start3A_153, %multiple_of3A_145] : memref<64x1000000xf32, #tpu.memory_space<hbm>> -> memref<64x128xf32, #tpu.memory_space<hbm>>
    tpu.enqueue_dma source(%dma_start3A_154 : memref<64x128xf32, #tpu.memory_space<hbm>>) target(%arg19 : memref<64x128xf32, #tpu.memory_space<vmem>>) target_semaphore(%arg30 : memref<!tpu.dma_semaphore, #tpu.memory_space<semaphore_mem>>)
    %dma_start3A_155 = arith.constant 0 : i32
    %dma_start3A_156 = tpu.memref_slice %arg5[%dma_start3A_155, %multiple_of3A_150] : memref<64x1000000xf32, #tpu.memory_space<hbm>> -> memref<64x128xf32, #tpu.memory_space<hbm>>
    %dma_start3A_157 = arith.constant 0 : i32
    %dma_start3A_158 = tpu.memref_slice %arg5[%dma_start3A_157, %multiple_of3A_150] : memref<64x1000000xf32, #tpu.memory_space<hbm>> -> memref<64x128xf32, #tpu.memory_space<hbm>>
    tpu.enqueue_dma source(%dma_start3A_158 : memref<64x128xf32, #tpu.memory_space<hbm>>) target(%arg20 : memref<64x128xf32, #tpu.memory_space<vmem>>) target_semaphore(%arg30 : memref<!tpu.dma_semaphore, #tpu.memory_space<semaphore_mem>>)
    %get3A_159 = arith.constant 5 : i32
    %get3A_160 = arith.index_cast %get3A_159 : i32 to index
    %get3A_161 = memref.load %arg9[%get3A_160] : memref<512xi32, #tpu.memory_space<smem>>
    %get3A_162 = arith.constant 5 : i32
    %get3A_163 = arith.index_cast %get3A_162 : i32 to index
    %get3A_164 = memref.load %arg10[%get3A_163] : memref<512xi32, #tpu.memory_space<smem>>
    %shift_right_arithmetic3A_165 = arith.constant 7 : i32
    %shift_right_arithmetic3A_166 = arith.shrsi %get3A_161, %shift_right_arithmetic3A_165 : i32
    %mul3A_167 = arith.constant 128 : i32
    %mul3A_168 = arith.muli %shift_right_arithmetic3A_166, %mul3A_167 : i32
    %multiple_of3A_169 = tpu.assume_multiple %mul3A_168, 128 : i32
    %shift_right_arithmetic3A_170 = arith.constant 7 : i32
    %shift_right_arithmetic3A_171 = arith.shrsi %get3A_164, %shift_right_arithmetic3A_170 : i32
    %mul3A_172 = arith.constant 128 : i32
    %mul3A_173 = arith.muli %shift_right_arithmetic3A_171, %mul3A_172 : i32
    %multiple_of3A_174 = tpu.assume_multiple %mul3A_173, 128 : i32
    %dma_start3A_175 = arith.constant 0 : i32
    %dma_start3A_176 = tpu.memref_slice %arg4[%dma_start3A_175, %multiple_of3A_169] : memref<64x1000000xf32, #tpu.memory_space<hbm>> -> memref<64x128xf32, #tpu.memory_space<hbm>>
    %dma_start3A_177 = arith.constant 0 : i32
    %dma_start3A_178 = tpu.memref_slice %arg4[%dma_start3A_177, %multiple_of3A_169] : memref<64x1000000xf32, #tpu.memory_space<hbm>> -> memref<64x128xf32, #tpu.memory_space<hbm>>
    tpu.enqueue_dma source(%dma_start3A_178 : memref<64x128xf32, #tpu.memory_space<hbm>>) target(%arg21 : memref<64x128xf32, #tpu.memory_space<vmem>>) target_semaphore(%arg31 : memref<!tpu.dma_semaphore, #tpu.memory_space<semaphore_mem>>)
    %dma_start3A_179 = arith.constant 0 : i32
    %dma_start3A_180 = tpu.memref_slice %arg5[%dma_start3A_179, %multiple_of3A_174] : memref<64x1000000xf32, #tpu.memory_space<hbm>> -> memref<64x128xf32, #tpu.memory_space<hbm>>
    %dma_start3A_181 = arith.constant 0 : i32
    %dma_start3A_182 = tpu.memref_slice %arg5[%dma_start3A_181, %multiple_of3A_174] : memref<64x1000000xf32, #tpu.memory_space<hbm>> -> memref<64x128xf32, #tpu.memory_space<hbm>>
    tpu.enqueue_dma source(%dma_start3A_182 : memref<64x128xf32, #tpu.memory_space<hbm>>) target(%arg22 : memref<64x128xf32, #tpu.memory_space<vmem>>) target_semaphore(%arg31 : memref<!tpu.dma_semaphore, #tpu.memory_space<semaphore_mem>>)
    %get3A_183 = arith.constant 6 : i32
    %get3A_184 = arith.index_cast %get3A_183 : i32 to index
    %get3A_185 = memref.load %arg9[%get3A_184] : memref<512xi32, #tpu.memory_space<smem>>
    %get3A_186 = arith.constant 6 : i32
    %get3A_187 = arith.index_cast %get3A_186 : i32 to index
    %get3A_188 = memref.load %arg10[%get3A_187] : memref<512xi32, #tpu.memory_space<smem>>
    %shift_right_arithmetic3A_189 = arith.constant 7 : i32
    %shift_right_arithmetic3A_190 = arith.shrsi %get3A_185, %shift_right_arithmetic3A_189 : i32
    %mul3A_191 = arith.constant 128 : i32
    %mul3A_192 = arith.muli %shift_right_arithmetic3A_190, %mul3A_191 : i32
    %multiple_of3A_193 = tpu.assume_multiple %mul3A_192, 128 : i32
    %shift_right_arithmetic3A_194 = arith.constant 7 : i32
    %shift_right_arithmetic3A_195 = arith.shrsi %get3A_188, %shift_right_arithmetic3A_194 : i32
    %mul3A_196 = arith.constant 128 : i32
    %mul3A_197 = arith.muli %shift_right_arithmetic3A_195, %mul3A_196 : i32
    %multiple_of3A_198 = tpu.assume_multiple %mul3A_197, 128 : i32
    %dma_start3A_199 = arith.constant 0 : i32
    %dma_start3A_200 = tpu.memref_slice %arg4[%dma_start3A_199, %multiple_of3A_193] : memref<64x1000000xf32, #tpu.memory_space<hbm>> -> memref<64x128xf32, #tpu.memory_space<hbm>>
    %dma_start3A_201 = arith.constant 0 : i32
    %dma_start3A_202 = tpu.memref_slice %arg4[%dma_start3A_201, %multiple_of3A_193] : memref<64x1000000xf32, #tpu.memory_space<hbm>> -> memref<64x128xf32, #tpu.memory_space<hbm>>
    tpu.enqueue_dma source(%dma_start3A_202 : memref<64x128xf32, #tpu.memory_space<hbm>>) target(%arg23 : memref<64x128xf32, #tpu.memory_space<vmem>>) target_semaphore(%arg32 : memref<!tpu.dma_semaphore, #tpu.memory_space<semaphore_mem>>)
    %dma_start3A_203 = arith.constant 0 : i32
    %dma_start3A_204 = tpu.memref_slice %arg5[%dma_start3A_203, %multiple_of3A_198] : memref<64x1000000xf32, #tpu.memory_space<hbm>> -> memref<64x128xf32, #tpu.memory_space<hbm>>
    %dma_start3A_205 = arith.constant 0 : i32
    %dma_start3A_206 = tpu.memref_slice %arg5[%dma_start3A_205, %multiple_of3A_198] : memref<64x1000000xf32, #tpu.memory_space<hbm>> -> memref<64x128xf32, #tpu.memory_space<hbm>>
    tpu.enqueue_dma source(%dma_start3A_206 : memref<64x128xf32, #tpu.memory_space<hbm>>) target(%arg24 : memref<64x128xf32, #tpu.memory_space<vmem>>) target_semaphore(%arg32 : memref<!tpu.dma_semaphore, #tpu.memory_space<semaphore_mem>>)
    %broadcast_in_dim3A = arith.constant 0.000000e+00 : f32
    %broadcast_in_dim3A_207 = vector.broadcast %broadcast_in_dim3A : f32 to vector<16xf32>
    %scan3A_208 = arith.constant 0 : i32
    %scan3A_209 = arith.constant 74 : i32
    %scan3A_210 = arith.addi %scan3A_208, %scan3A_209 : i32
    %scan3A_211 = arith.constant 1 : i32
    %scan3A_212 = scf.for %scan3A_214 = %scan3A_208 to %scan3A_210 step %scan3A_211 iter_args(%scan3A_215 = %broadcast_in_dim3A_207) -> (vector<16xf32>)  : i32 {
      %mul3A_216 = arith.constant 7 : i32
      %mul3A_217 = arith.muli %mul3A_216, %scan3A_214 : i32
      %add3A_218 = arith.constant 0 : i32
      %add3A_219 = arith.addi %mul3A_217, %add3A_218 : i32
      %lt3A = arith.constant 512 : i32
      %lt3A_220 = arith.cmpi slt, %add3A_219, %lt3A : i32
      %convert_element_type3A = arith.extui %lt3A_220 : i1 to i32
      %cond3A = arith.constant 0 : i32
      %cond3A_221 = arith.cmpi ne, %convert_element_type3A, %cond3A : i32
      %cond3A_222 = scf.if %cond3A_221 -> (vector<16xf32>) {
        %dma_wait3A = arith.constant 0 : i32
        %dma_wait3A_283 = arith.constant 0 : i32
        %dma_wait3A_284 = tpu.memref_slice %arg4[%dma_wait3A, %dma_wait3A_283] : memref<64x1000000xf32, #tpu.memory_space<hbm>> -> memref<64x128xf32, #tpu.memory_space<hbm>>
        %dma_wait3A_285 = arith.constant 0 : i32
        %dma_wait3A_286 = arith.constant 0 : i32
        %dma_wait3A_287 = tpu.memref_slice %arg4[%dma_wait3A_285, %dma_wait3A_286] : memref<64x1000000xf32, #tpu.memory_space<hbm>> -> memref<64x128xf32, #tpu.memory_space<hbm>>
        tpu.wait_dma2 semaphore(%arg26 : memref<!tpu.dma_semaphore, #tpu.memory_space<semaphore_mem>>) src(%dma_wait3A_287 : memref<64x128xf32, #tpu.memory_space<hbm>>) dst(%arg11 : memref<64x128xf32, #tpu.memory_space<vmem>>)
        %dma_wait3A_288 = arith.constant 0 : i32
        %dma_wait3A_289 = arith.constant 0 : i32
        %dma_wait3A_290 = tpu.memref_slice %arg4[%dma_wait3A_288, %dma_wait3A_289] : memref<64x1000000xf32, #tpu.memory_space<hbm>> -> memref<64x128xf32, #tpu.memory_space<hbm>>
        %dma_wait3A_291 = arith.constant 0 : i32
        %dma_wait3A_292 = arith.constant 0 : i32
        %dma_wait3A_293 = tpu.memref_slice %arg4[%dma_wait3A_291, %dma_wait3A_292] : memref<64x1000000xf32, #tpu.memory_space<hbm>> -> memref<64x128xf32, #tpu.memory_space<hbm>>
        tpu.wait_dma2 semaphore(%arg26 : memref<!tpu.dma_semaphore, #tpu.memory_space<semaphore_mem>>) src(%dma_wait3A_293 : memref<64x128xf32, #tpu.memory_space<hbm>>) dst(%arg12 : memref<64x128xf32, #tpu.memory_space<vmem>>)
        %get3A_294 = arith.index_cast %add3A_219 : i32 to index
        %get3A_295 = memref.load %arg9[%get3A_294] : memref<512xi32, #tpu.memory_space<smem>>
        %and3A = arith.constant 127 : i32
        %and3A_296 = arith.andi %get3A_295, %and3A : i32
        %get3A_297 = arith.index_cast %add3A_219 : i32 to index
        %get3A_298 = memref.load %arg10[%get3A_297] : memref<512xi32, #tpu.memory_space<smem>>
        %and3A_299 = arith.constant 127 : i32
        %and3A_300 = arith.andi %get3A_298, %and3A_299 : i32
        %jit3A = arith.constant 16 : i32
        %eq3A = arith.constant 0 : i32
        %eq3A_301 = arith.cmpi eq, %jit3A, %eq3A : i32
        %jit3A_302 = arith.constant 1 : i32
        %select_n3A = arith.select %eq3A_301, %jit3A_302, %jit3A : i32
        %rem3A = arith.remsi %add3A_219, %select_n3A : i32
        %ne3A = arith.constant 0 : i32
        %ne3A_303 = arith.cmpi ne, %rem3A, %ne3A : i32
        %lt3A_304 = arith.constant 0 : i32
        %lt3A_305 = arith.cmpi slt, %rem3A, %lt3A_304 : i32
        %lt3A_306 = arith.constant 0 : i32
        %lt3A_307 = arith.cmpi slt, %select_n3A, %lt3A_306 : i32
        %ne3A_308 = arith.xori %lt3A_305, %lt3A_307 : i1
        %and3A_309 = arith.andi %ne3A_308, %ne3A_303 : i1
        %add3A_310 = arith.addi %rem3A, %select_n3A : i32
        %select_n3A_311 = arith.select %and3A_309, %add3A_310, %rem3A : i32
        %eq3A_312 = vector.broadcast %select_n3A_311 : i32 to vector<16xi32>
        %eq3A_313 = arith.cmpi eq, %iota3A, %eq3A_312 : vector<16xi32>
        %broadcast_in_dim3A_314 = vector.broadcast %and3A_296 : i32 to vector<16xi32>
        %broadcast_in_dim3A_315 = vector.broadcast %and3A_300 : i32 to vector<16xi32>
        %broadcast_in_dim3A_316 = arith.constant 0.000000e+00 : f32
        %broadcast_in_dim3A_317 = vector.broadcast %broadcast_in_dim3A_316 : f32 to vector<16xf32>
        %gather3A = tpu.vector_load_idx %arg11[%add3A_33, %broadcast_in_dim3A_314] : memref<64x128xf32, #tpu.memory_space<vmem>>[vector<16xi32>, vector<16xi32>], vector<16xf32>,
        %gather3A_318 = tpu.vector_load_idx %arg12[%add3A_33, %broadcast_in_dim3A_315] : memref<64x128xf32, #tpu.memory_space<vmem>>[vector<16xi32>, vector<16xi32>], vector<16xf32>,
        %mul3A_319 = arith.mulf %gather3A, %gather3A_318 : vector<16xf32>
        %add3A_320 = arith.addf %broadcast_in_dim3A_317, %mul3A_319 : vector<16xf32>
        %gather3A_321 = tpu.vector_load_idx %arg11[%add3A_36, %broadcast_in_dim3A_314] : memref<64x128xf32, #tpu.memory_space<vmem>>[vector<16xi32>, vector<16xi32>], vector<16xf32>,
        %gather3A_322 = tpu.vector_load_idx %arg12[%add3A_36, %broadcast_in_dim3A_315] : memref<64x128xf32, #tpu.memory_space<vmem>>[vector<16xi32>, vector<16xi32>], vector<16xf32>,
        %mul3A_323 = arith.mulf %gather3A_321, %gather3A_322 : vector<16xf32>
        %add3A_324 = arith.addf %add3A_320, %mul3A_323 : vector<16xf32>
        %gather3A_325 = tpu.vector_load_idx %arg11[%add3A_39, %broadcast_in_dim3A_314] : memref<64x128xf32, #tpu.memory_space<vmem>>[vector<16xi32>, vector<16xi32>], vector<16xf32>,
        %gather3A_326 = tpu.vector_load_idx %arg12[%add3A_39, %broadcast_in_dim3A_315] : memref<64x128xf32, #tpu.memory_space<vmem>>[vector<16xi32>, vector<16xi32>], vector<16xf32>,
        %mul3A_327 = arith.mulf %gather3A_325, %gather3A_326 : vector<16xf32>
        %add3A_328 = arith.addf %add3A_324, %mul3A_327 : vector<16xf32>
        %gather3A_329 = tpu.vector_load_idx %arg11[%add3A_42, %broadcast_in_dim3A_314] : memref<64x128xf32, #tpu.memory_space<vmem>>[vector<16xi32>, vector<16xi32>], vector<16xf32>,
        %gather3A_330 = tpu.vector_load_idx %arg12[%add3A_42, %broadcast_in_dim3A_315] : memref<64x128xf32, #tpu.memory_space<vmem>>[vector<16xi32>, vector<16xi32>], vector<16xf32>,
        %mul3A_331 = arith.mulf %gather3A_329, %gather3A_330 : vector<16xf32>
        %add3A_332 = arith.addf %add3A_328, %mul3A_331 : vector<16xf32>
        %reduce_sum3A = arith.constant true
        %reduce_sum3A_333 = vector.broadcast %reduce_sum3A : i1 to vector<16xi1>
        %reduce_sum3A_334 = tpu.scan <sum>, %add3A_332 masked %reduce_sum3A_333 : vector<16xf32>, vector<16xi1> -> vector<16xf32>
        %reduce_sum3A_335 = vector.extract %reduce_sum3A_334[15] : f32 from vector<16xf32>
        %broadcast_in_dim3A_336 = vector.broadcast %reduce_sum3A_335 : f32 to vector<16xf32>
        %select_n3A_337 = arith.select %eq3A_313, %broadcast_in_dim3A_336, %scan3A_215 : vector<16xi1>, vector<16xf32>
        %add3A_338 = arith.constant 7 : i32
        %add3A_339 = arith.addi %add3A_219, %add3A_338 : i32
        %lt3A_340 = arith.constant 512 : i32
        %lt3A_341 = arith.cmpi slt, %add3A_339, %lt3A_340 : i32
        %convert_element_type3A_342 = arith.extui %lt3A_341 : i1 to i32
        %cond3A_343 = arith.constant 0 : i32
        %cond3A_344 = arith.cmpi ne, %convert_element_type3A_342, %cond3A_343 : i32
        scf.if %cond3A_344 {
          %add3A_387 = arith.constant 7 : i32
          %add3A_388 = arith.addi %add3A_219, %add3A_387 : i32
          %get3A_389 = arith.index_cast %add3A_388 : i32 to index
          %get3A_390 = memref.load %arg9[%get3A_389] : memref<512xi32, #tpu.memory_space<smem>>
          %add3A_391 = arith.constant 7 : i32
          %add3A_392 = arith.addi %add3A_219, %add3A_391 : i32
          %get3A_393 = arith.index_cast %add3A_392 : i32 to index
          %get3A_394 = memref.load %arg10[%get3A_393] : memref<512xi32, #tpu.memory_space<smem>>
          %shift_right_arithmetic3A_395 = arith.constant 7 : i32
          %shift_right_arithmetic3A_396 = arith.shrsi %get3A_390, %shift_right_arithmetic3A_395 : i32
          %mul3A_397 = arith.constant 128 : i32
          %mul3A_398 = arith.muli %shift_right_arithmetic3A_396, %mul3A_397 : i32
          %multiple_of3A_399 = tpu.assume_multiple %mul3A_398, 128 : i32
          %shift_right_arithmetic3A_400 = arith.constant 7 : i32
          %shift_right_arithmetic3A_401 = arith.shrsi %get3A_394, %shift_right_arithmetic3A_400 : i32
          %mul3A_402 = arith.constant 128 : i32
          %mul3A_403 = arith.muli %shift_right_arithmetic3A_401, %mul3A_402 : i32
          %multiple_of3A_404 = tpu.assume_multiple %mul3A_403, 128 : i32
          %dma_start3A_405 = arith.constant 0 : i32
          %dma_start3A_406 = tpu.memref_slice %arg4[%dma_start3A_405, %multiple_of3A_399] : memref<64x1000000xf32, #tpu.memory_space<hbm>> -> memref<64x128xf32, #tpu.memory_space<hbm>>
          %dma_start3A_407 = arith.constant 0 : i32
          %dma_start3A_408 = tpu.memref_slice %arg4[%dma_start3A_407, %multiple_of3A_399] : memref<64x1000000xf32, #tpu.memory_space<hbm>> -> memref<64x128xf32, #tpu.memory_space<hbm>>
          tpu.enqueue_dma source(%dma_start3A_408 : memref<64x128xf32, #tpu.memory_space<hbm>>) target(%arg11 : memref<64x128xf32, #tpu.memory_space<vmem>>) target_semaphore(%arg26 : memref<!tpu.dma_semaphore, #tpu.memory_space<semaphore_mem>>)
          %dma_start3A_409 = arith.constant 0 : i32
          %dma_start3A_410 = tpu.memref_slice %arg5[%dma_start3A_409, %multiple_of3A_404] : memref<64x1000000xf32, #tpu.memory_space<hbm>> -> memref<64x128xf32, #tpu.memory_space<hbm>>
          %dma_start3A_411 = arith.constant 0 : i32
          %dma_start3A_412 = tpu.memref_slice %arg5[%dma_start3A_411, %multiple_of3A_404] : memref<64x1000000xf32, #tpu.memory_space<hbm>> -> memref<64x128xf32, #tpu.memory_space<hbm>>
          tpu.enqueue_dma source(%dma_start3A_412 : memref<64x128xf32, #tpu.memory_space<hbm>>) target(%arg12 : memref<64x128xf32, #tpu.memory_space<vmem>>) target_semaphore(%arg26 : memref<!tpu.dma_semaphore, #tpu.memory_space<semaphore_mem>>)
        } else {
        }
        %jit3A_345 = arith.constant 16 : i32
        %eq3A_346 = arith.constant 0 : i32
        %eq3A_347 = arith.cmpi eq, %jit3A_345, %eq3A_346 : i32
        %jit3A_348 = arith.constant 1 : i32
        %select_n3A_349 = arith.select %eq3A_347, %jit3A_348, %jit3A_345 : i32
        %rem3A_350 = arith.remsi %add3A_219, %select_n3A_349 : i32
        %ne3A_351 = arith.constant 0 : i32
        %ne3A_352 = arith.cmpi ne, %rem3A_350, %ne3A_351 : i32
        %lt3A_353 = arith.constant 0 : i32
        %lt3A_354 = arith.cmpi slt, %rem3A_350, %lt3A_353 : i32
        %lt3A_355 = arith.constant 0 : i32
        %lt3A_356 = arith.cmpi slt, %select_n3A_349, %lt3A_355 : i32
        %ne3A_357 = arith.xori %lt3A_354, %lt3A_356 : i1
        %and3A_358 = arith.andi %ne3A_357, %ne3A_352 : i1
        %add3A_359 = arith.addi %rem3A_350, %select_n3A_349 : i32
        %select_n3A_360 = arith.select %and3A_358, %add3A_359, %rem3A_350 : i32
        %eq3A_361 = arith.constant 15 : i32
        %eq3A_362 = arith.cmpi eq, %select_n3A_360, %eq3A_361 : i32
        %convert_element_type3A_363 = arith.extui %eq3A_362 : i1 to i32
        %cond3A_364 = arith.constant 0 : i32
        %cond3A_365 = arith.cmpi ne, %convert_element_type3A_363, %cond3A_364 : i32
        scf.if %cond3A_365 {
          %neg3A = arith.constant 0.000000e+00 : f32
          %neg3A_387 = vector.broadcast %neg3A : f32 to vector<16xf32>
          %neg3A_388 = arith.subf %neg3A_387, %select_n3A_337 : vector<16xf32>
          %exp3A = math.exp %neg3A_388 : vector<16xf32>
          %add3A_389 = arith.constant 1.000000e+00 : f32
          %add3A_390 = vector.broadcast %add3A_389 : f32 to vector<16xf32>
          %add3A_391 = arith.addf %add3A_390, %exp3A : vector<16xf32>
          %div3A = arith.constant 1.000000e+00 : f32
          %div3A_392 = vector.broadcast %div3A : f32 to vector<16xf32>
          %div3A_393 = arith.divf %div3A_392, %add3A_391 : vector<16xf32>
          %jit3A_394 = arith.constant 16 : i32
          %div3A_395 = arith.divsi %add3A_219, %jit3A_394 : i32
          %sign3A = arith.constant 0 : i32
          %sign3A_396 = arith.cmpi sgt, %add3A_219, %sign3A : i32
          %sign3A_397 = arith.extui %sign3A_396 : i1 to i32
          %sign3A_398 = arith.constant 0 : i32
          %sign3A_399 = arith.cmpi slt, %add3A_219, %sign3A_398 : i32
          %sign3A_400 = arith.extui %sign3A_399 : i1 to i32
          %sign3A_401 = arith.subi %sign3A_397, %sign3A_400 : i32
          %sign3A_402 = arith.constant 0 : i32
          %sign3A_403 = arith.cmpi sgt, %jit3A_394, %sign3A_402 : i32
          %sign3A_404 = arith.extui %sign3A_403 : i1 to i32
          %sign3A_405 = arith.constant 0 : i32
          %sign3A_406 = arith.cmpi slt, %jit3A_394, %sign3A_405 : i32
          %sign3A_407 = arith.extui %sign3A_406 : i1 to i32
          %sign3A_408 = arith.subi %sign3A_404, %sign3A_407 : i32
          %ne3A_409 = arith.cmpi ne, %sign3A_401, %sign3A_408 : i32
          %rem3A_410 = arith.remsi %add3A_219, %jit3A_394 : i32
          %ne3A_411 = arith.constant 0 : i32
          %ne3A_412 = arith.cmpi ne, %rem3A_410, %ne3A_411 : i32
          %and3A_413 = arith.andi %ne3A_409, %ne3A_412 : i1
          %sub3A = arith.constant 1 : i32
          %sub3A_414 = arith.subi %div3A_395, %sub3A : i32
          %select_n3A_415 = arith.select %and3A_413, %sub3A_414, %div3A_395 : i32
          %mul3A_416 = arith.constant 16 : i32
          %mul3A_417 = arith.muli %select_n3A_415, %mul3A_416 : i32
          %swap3A = arith.index_cast %mul3A_417 : i32 to index
          %swap3A_418 = tpu.vector_load %arg25[%swap3A] {strides = array<i32>} : memref<512xf32, #tpu.memory_space<vmem>>, vector<16xf32>,
          tpu.vector_store %arg25[%swap3A], %div3A_393 {strides = array<i32>} : memref<512xf32, #tpu.memory_space<vmem>>, vector<16xf32>,
        } else {
        }
        %jit3A_366 = arith.constant 16 : i32
        %eq3A_367 = arith.constant 0 : i32
        %eq3A_368 = arith.cmpi eq, %jit3A_366, %eq3A_367 : i32
        %jit3A_369 = arith.constant 1 : i32
        %select_n3A_370 = arith.select %eq3A_368, %jit3A_369, %jit3A_366 : i32
        %rem3A_371 = arith.remsi %add3A_219, %select_n3A_370 : i32
        %ne3A_372 = arith.constant 0 : i32
        %ne3A_373 = arith.cmpi ne, %rem3A_371, %ne3A_372 : i32
        %lt3A_374 = arith.constant 0 : i32
        %lt3A_375 = arith.cmpi slt, %rem3A_371, %lt3A_374 : i32
        %lt3A_376 = arith.constant 0 : i32
        %lt3A_377 = arith.cmpi slt, %select_n3A_370, %lt3A_376 : i32
        %ne3A_378 = arith.xori %lt3A_375, %lt3A_377 : i1
        %and3A_379 = arith.andi %ne3A_378, %ne3A_373 : i1
        %add3A_380 = arith.addi %rem3A_371, %select_n3A_370 : i32
        %select_n3A_381 = arith.select %and3A_379, %add3A_380, %rem3A_371 : i32
        %eq3A_382 = arith.constant 15 : i32
        %eq3A_383 = arith.cmpi eq, %select_n3A_381, %eq3A_382 : i32
        %broadcast_in_dim3A_384 = arith.constant 0.000000e+00 : f32
        %broadcast_in_dim3A_385 = vector.broadcast %broadcast_in_dim3A_384 : f32 to vector<16xf32>
        %select_n3A_386 = arith.select %eq3A_383, %broadcast_in_dim3A_385, %select_n3A_337 : vector<16xf32>
        scf.yield %select_n3A_386 : vector<16xf32>
      } else {
        scf.yield %scan3A_215 : vector<16xf32>
      }
      %mul3A_223 = arith.constant 7 : i32
      %mul3A_224 = arith.muli %mul3A_223, %scan3A_214 : i32
      %add3A_225 = arith.constant 1 : i32
      %add3A_226 = arith.addi %mul3A_224, %add3A_225 : i32
      %lt3A_227 = arith.constant 512 : i32
      %lt3A_228 = arith.cmpi slt, %add3A_226, %lt3A_227 : i32
      %convert_element_type3A_229 = arith.extui %lt3A_228 : i1 to i32
      %cond3A_230 = arith.constant 0 : i32
      %cond3A_231 = arith.cmpi ne, %convert_element_type3A_229, %cond3A_230 : i32
      %cond3A_232 = scf.if %cond3A_231 -> (vector<16xf32>) {
        %dma_wait3A = arith.constant 0 : i32
        %dma_wait3A_283 = arith.constant 0 : i32
        %dma_wait3A_284 = tpu.memref_slice %arg4[%dma_wait3A, %dma_wait3A_283] : memref<64x1000000xf32, #tpu.memory_space<hbm>> -> memref<64x128xf32, #tpu.memory_space<hbm>>
        %dma_wait3A_285 = arith.constant 0 : i32
        %dma_wait3A_286 = arith.constant 0 : i32
        %dma_wait3A_287 = tpu.memref_slice %arg4[%dma_wait3A_285, %dma_wait3A_286] : memref<64x1000000xf32, #tpu.memory_space<hbm>> -> memref<64x128xf32, #tpu.memory_space<hbm>>
        tpu.wait_dma2 semaphore(%arg27 : memref<!tpu.dma_semaphore, #tpu.memory_space<semaphore_mem>>) src(%dma_wait3A_287 : memref<64x128xf32, #tpu.memory_space<hbm>>) dst(%arg13 : memref<64x128xf32, #tpu.memory_space<vmem>>)
        %dma_wait3A_288 = arith.constant 0 : i32
        %dma_wait3A_289 = arith.constant 0 : i32
        %dma_wait3A_290 = tpu.memref_slice %arg4[%dma_wait3A_288, %dma_wait3A_289] : memref<64x1000000xf32, #tpu.memory_space<hbm>> -> memref<64x128xf32, #tpu.memory_space<hbm>>
        %dma_wait3A_291 = arith.constant 0 : i32
        %dma_wait3A_292 = arith.constant 0 : i32
        %dma_wait3A_293 = tpu.memref_slice %arg4[%dma_wait3A_291, %dma_wait3A_292] : memref<64x1000000xf32, #tpu.memory_space<hbm>> -> memref<64x128xf32, #tpu.memory_space<hbm>>
        tpu.wait_dma2 semaphore(%arg27 : memref<!tpu.dma_semaphore, #tpu.memory_space<semaphore_mem>>) src(%dma_wait3A_293 : memref<64x128xf32, #tpu.memory_space<hbm>>) dst(%arg14 : memref<64x128xf32, #tpu.memory_space<vmem>>)
        %get3A_294 = arith.index_cast %add3A_226 : i32 to index
        %get3A_295 = memref.load %arg9[%get3A_294] : memref<512xi32, #tpu.memory_space<smem>>
        %and3A = arith.constant 127 : i32
        %and3A_296 = arith.andi %get3A_295, %and3A : i32
        %get3A_297 = arith.index_cast %add3A_226 : i32 to index
        %get3A_298 = memref.load %arg10[%get3A_297] : memref<512xi32, #tpu.memory_space<smem>>
        %and3A_299 = arith.constant 127 : i32
        %and3A_300 = arith.andi %get3A_298, %and3A_299 : i32
        %jit3A = arith.constant 16 : i32
        %eq3A = arith.constant 0 : i32
        %eq3A_301 = arith.cmpi eq, %jit3A, %eq3A : i32
        %jit3A_302 = arith.constant 1 : i32
        %select_n3A = arith.select %eq3A_301, %jit3A_302, %jit3A : i32
        %rem3A = arith.remsi %add3A_226, %select_n3A : i32
        %ne3A = arith.constant 0 : i32
        %ne3A_303 = arith.cmpi ne, %rem3A, %ne3A : i32
        %lt3A_304 = arith.constant 0 : i32
        %lt3A_305 = arith.cmpi slt, %rem3A, %lt3A_304 : i32
        %lt3A_306 = arith.constant 0 : i32
        %lt3A_307 = arith.cmpi slt, %select_n3A, %lt3A_306 : i32
        %ne3A_308 = arith.xori %lt3A_305, %lt3A_307 : i1
        %and3A_309 = arith.andi %ne3A_308, %ne3A_303 : i1
        %add3A_310 = arith.addi %rem3A, %select_n3A : i32
        %select_n3A_311 = arith.select %and3A_309, %add3A_310, %rem3A : i32
        %eq3A_312 = vector.broadcast %select_n3A_311 : i32 to vector<16xi32>
        %eq3A_313 = arith.cmpi eq, %iota3A, %eq3A_312 : vector<16xi32>
        %broadcast_in_dim3A_314 = vector.broadcast %and3A_296 : i32 to vector<16xi32>
        %broadcast_in_dim3A_315 = vector.broadcast %and3A_300 : i32 to vector<16xi32>
        %broadcast_in_dim3A_316 = arith.constant 0.000000e+00 : f32
        %broadcast_in_dim3A_317 = vector.broadcast %broadcast_in_dim3A_316 : f32 to vector<16xf32>
        %gather3A = tpu.vector_load_idx %arg13[%add3A_33, %broadcast_in_dim3A_314] : memref<64x128xf32, #tpu.memory_space<vmem>>[vector<16xi32>, vector<16xi32>], vector<16xf32>,
        %gather3A_318 = tpu.vector_load_idx %arg14[%add3A_33, %broadcast_in_dim3A_315] : memref<64x128xf32, #tpu.memory_space<vmem>>[vector<16xi32>, vector<16xi32>], vector<16xf32>,
        %mul3A_319 = arith.mulf %gather3A, %gather3A_318 : vector<16xf32>
        %add3A_320 = arith.addf %broadcast_in_dim3A_317, %mul3A_319 : vector<16xf32>
        %gather3A_321 = tpu.vector_load_idx %arg13[%add3A_36, %broadcast_in_dim3A_314] : memref<64x128xf32, #tpu.memory_space<vmem>>[vector<16xi32>, vector<16xi32>], vector<16xf32>,
        %gather3A_322 = tpu.vector_load_idx %arg14[%add3A_36, %broadcast_in_dim3A_315] : memref<64x128xf32, #tpu.memory_space<vmem>>[vector<16xi32>, vector<16xi32>], vector<16xf32>,
        %mul3A_323 = arith.mulf %gather3A_321, %gather3A_322 : vector<16xf32>
        %add3A_324 = arith.addf %add3A_320, %mul3A_323 : vector<16xf32>
        %gather3A_325 = tpu.vector_load_idx %arg13[%add3A_39, %broadcast_in_dim3A_314] : memref<64x128xf32, #tpu.memory_space<vmem>>[vector<16xi32>, vector<16xi32>], vector<16xf32>,
        %gather3A_326 = tpu.vector_load_idx %arg14[%add3A_39, %broadcast_in_dim3A_315] : memref<64x128xf32, #tpu.memory_space<vmem>>[vector<16xi32>, vector<16xi32>], vector<16xf32>,
        %mul3A_327 = arith.mulf %gather3A_325, %gather3A_326 : vector<16xf32>
        %add3A_328 = arith.addf %add3A_324, %mul3A_327 : vector<16xf32>
        %gather3A_329 = tpu.vector_load_idx %arg13[%add3A_42, %broadcast_in_dim3A_314] : memref<64x128xf32, #tpu.memory_space<vmem>>[vector<16xi32>, vector<16xi32>], vector<16xf32>,
        %gather3A_330 = tpu.vector_load_idx %arg14[%add3A_42, %broadcast_in_dim3A_315] : memref<64x128xf32, #tpu.memory_space<vmem>>[vector<16xi32>, vector<16xi32>], vector<16xf32>,
        %mul3A_331 = arith.mulf %gather3A_329, %gather3A_330 : vector<16xf32>
        %add3A_332 = arith.addf %add3A_328, %mul3A_331 : vector<16xf32>
        %reduce_sum3A = arith.constant true
        %reduce_sum3A_333 = vector.broadcast %reduce_sum3A : i1 to vector<16xi1>
        %reduce_sum3A_334 = tpu.scan <sum>, %add3A_332 masked %reduce_sum3A_333 : vector<16xf32>, vector<16xi1> -> vector<16xf32>
        %reduce_sum3A_335 = vector.extract %reduce_sum3A_334[15] : f32 from vector<16xf32>
        %broadcast_in_dim3A_336 = vector.broadcast %reduce_sum3A_335 : f32 to vector<16xf32>
        %select_n3A_337 = arith.select %eq3A_313, %broadcast_in_dim3A_336, %cond3A_222 : vector<16xi1>, vector<16xf32>
        %add3A_338 = arith.constant 7 : i32
        %add3A_339 = arith.addi %add3A_226, %add3A_338 : i32
        %lt3A_340 = arith.constant 512 : i32
        %lt3A_341 = arith.cmpi slt, %add3A_339, %lt3A_340 : i32
        %convert_element_type3A_342 = arith.extui %lt3A_341 : i1 to i32
        %cond3A_343 = arith.constant 0 : i32
        %cond3A_344 = arith.cmpi ne, %convert_element_type3A_342, %cond3A_343 : i32
        scf.if %cond3A_344 {
          %add3A_387 = arith.constant 7 : i32
          %add3A_388 = arith.addi %add3A_226, %add3A_387 : i32
          %get3A_389 = arith.index_cast %add3A_388 : i32 to index
          %get3A_390 = memref.load %arg9[%get3A_389] : memref<512xi32, #tpu.memory_space<smem>>
          %add3A_391 = arith.constant 7 : i32
          %add3A_392 = arith.addi %add3A_226, %add3A_391 : i32
          %get3A_393 = arith.index_cast %add3A_392 : i32 to index
          %get3A_394 = memref.load %arg10[%get3A_393] : memref<512xi32, #tpu.memory_space<smem>>
          %shift_right_arithmetic3A_395 = arith.constant 7 : i32
          %shift_right_arithmetic3A_396 = arith.shrsi %get3A_390, %shift_right_arithmetic3A_395 : i32
          %mul3A_397 = arith.constant 128 : i32
          %mul3A_398 = arith.muli %shift_right_arithmetic3A_396, %mul3A_397 : i32
          %multiple_of3A_399 = tpu.assume_multiple %mul3A_398, 128 : i32
          %shift_right_arithmetic3A_400 = arith.constant 7 : i32
          %shift_right_arithmetic3A_401 = arith.shrsi %get3A_394, %shift_right_arithmetic3A_400 : i32
          %mul3A_402 = arith.constant 128 : i32
          %mul3A_403 = arith.muli %shift_right_arithmetic3A_401, %mul3A_402 : i32
          %multiple_of3A_404 = tpu.assume_multiple %mul3A_403, 128 : i32
          %dma_start3A_405 = arith.constant 0 : i32
          %dma_start3A_406 = tpu.memref_slice %arg4[%dma_start3A_405, %multiple_of3A_399] : memref<64x1000000xf32, #tpu.memory_space<hbm>> -> memref<64x128xf32, #tpu.memory_space<hbm>>
          %dma_start3A_407 = arith.constant 0 : i32
          %dma_start3A_408 = tpu.memref_slice %arg4[%dma_start3A_407, %multiple_of3A_399] : memref<64x1000000xf32, #tpu.memory_space<hbm>> -> memref<64x128xf32, #tpu.memory_space<hbm>>
          tpu.enqueue_dma source(%dma_start3A_408 : memref<64x128xf32, #tpu.memory_space<hbm>>) target(%arg13 : memref<64x128xf32, #tpu.memory_space<vmem>>) target_semaphore(%arg27 : memref<!tpu.dma_semaphore, #tpu.memory_space<semaphore_mem>>)
          %dma_start3A_409 = arith.constant 0 : i32
          %dma_start3A_410 = tpu.memref_slice %arg5[%dma_start3A_409, %multiple_of3A_404] : memref<64x1000000xf32, #tpu.memory_space<hbm>> -> memref<64x128xf32, #tpu.memory_space<hbm>>
          %dma_start3A_411 = arith.constant 0 : i32
          %dma_start3A_412 = tpu.memref_slice %arg5[%dma_start3A_411, %multiple_of3A_404] : memref<64x1000000xf32, #tpu.memory_space<hbm>> -> memref<64x128xf32, #tpu.memory_space<hbm>>
          tpu.enqueue_dma source(%dma_start3A_412 : memref<64x128xf32, #tpu.memory_space<hbm>>) target(%arg14 : memref<64x128xf32, #tpu.memory_space<vmem>>) target_semaphore(%arg27 : memref<!tpu.dma_semaphore, #tpu.memory_space<semaphore_mem>>)
        } else {
        }
        %jit3A_345 = arith.constant 16 : i32
        %eq3A_346 = arith.constant 0 : i32
        %eq3A_347 = arith.cmpi eq, %jit3A_345, %eq3A_346 : i32
        %jit3A_348 = arith.constant 1 : i32
        %select_n3A_349 = arith.select %eq3A_347, %jit3A_348, %jit3A_345 : i32
        %rem3A_350 = arith.remsi %add3A_226, %select_n3A_349 : i32
        %ne3A_351 = arith.constant 0 : i32
        %ne3A_352 = arith.cmpi ne, %rem3A_350, %ne3A_351 : i32
        %lt3A_353 = arith.constant 0 : i32
        %lt3A_354 = arith.cmpi slt, %rem3A_350, %lt3A_353 : i32
        %lt3A_355 = arith.constant 0 : i32
        %lt3A_356 = arith.cmpi slt, %select_n3A_349, %lt3A_355 : i32
        %ne3A_357 = arith.xori %lt3A_354, %lt3A_356 : i1
        %and3A_358 = arith.andi %ne3A_357, %ne3A_352 : i1
        %add3A_359 = arith.addi %rem3A_350, %select_n3A_349 : i32
        %select_n3A_360 = arith.select %and3A_358, %add3A_359, %rem3A_350 : i32
        %eq3A_361 = arith.constant 15 : i32
        %eq3A_362 = arith.cmpi eq, %select_n3A_360, %eq3A_361 : i32
        %convert_element_type3A_363 = arith.extui %eq3A_362 : i1 to i32
        %cond3A_364 = arith.constant 0 : i32
        %cond3A_365 = arith.cmpi ne, %convert_element_type3A_363, %cond3A_364 : i32
        scf.if %cond3A_365 {
          %neg3A = arith.constant 0.000000e+00 : f32
          %neg3A_387 = vector.broadcast %neg3A : f32 to vector<16xf32>
          %neg3A_388 = arith.subf %neg3A_387, %select_n3A_337 : vector<16xf32>
          %exp3A = math.exp %neg3A_388 : vector<16xf32>
          %add3A_389 = arith.constant 1.000000e+00 : f32
          %add3A_390 = vector.broadcast %add3A_389 : f32 to vector<16xf32>
          %add3A_391 = arith.addf %add3A_390, %exp3A : vector<16xf32>
          %div3A = arith.constant 1.000000e+00 : f32
          %div3A_392 = vector.broadcast %div3A : f32 to vector<16xf32>
          %div3A_393 = arith.divf %div3A_392, %add3A_391 : vector<16xf32>
          %jit3A_394 = arith.constant 16 : i32
          %div3A_395 = arith.divsi %add3A_226, %jit3A_394 : i32
          %sign3A = arith.constant 0 : i32
          %sign3A_396 = arith.cmpi sgt, %add3A_226, %sign3A : i32
          %sign3A_397 = arith.extui %sign3A_396 : i1 to i32
          %sign3A_398 = arith.constant 0 : i32
          %sign3A_399 = arith.cmpi slt, %add3A_226, %sign3A_398 : i32
          %sign3A_400 = arith.extui %sign3A_399 : i1 to i32
          %sign3A_401 = arith.subi %sign3A_397, %sign3A_400 : i32
          %sign3A_402 = arith.constant 0 : i32
          %sign3A_403 = arith.cmpi sgt, %jit3A_394, %sign3A_402 : i32
          %sign3A_404 = arith.extui %sign3A_403 : i1 to i32
          %sign3A_405 = arith.constant 0 : i32
          %sign3A_406 = arith.cmpi slt, %jit3A_394, %sign3A_405 : i32
          %sign3A_407 = arith.extui %sign3A_406 : i1 to i32
          %sign3A_408 = arith.subi %sign3A_404, %sign3A_407 : i32
          %ne3A_409 = arith.cmpi ne, %sign3A_401, %sign3A_408 : i32
          %rem3A_410 = arith.remsi %add3A_226, %jit3A_394 : i32
          %ne3A_411 = arith.constant 0 : i32
          %ne3A_412 = arith.cmpi ne, %rem3A_410, %ne3A_411 : i32
          %and3A_413 = arith.andi %ne3A_409, %ne3A_412 : i1
          %sub3A = arith.constant 1 : i32
          %sub3A_414 = arith.subi %div3A_395, %sub3A : i32
          %select_n3A_415 = arith.select %and3A_413, %sub3A_414, %div3A_395 : i32
          %mul3A_416 = arith.constant 16 : i32
          %mul3A_417 = arith.muli %select_n3A_415, %mul3A_416 : i32
          %swap3A = arith.index_cast %mul3A_417 : i32 to index
          %swap3A_418 = tpu.vector_load %arg25[%swap3A] {strides = array<i32>} : memref<512xf32, #tpu.memory_space<vmem>>, vector<16xf32>,
          tpu.vector_store %arg25[%swap3A], %div3A_393 {strides = array<i32>} : memref<512xf32, #tpu.memory_space<vmem>>, vector<16xf32>,
        } else {
        }
        %jit3A_366 = arith.constant 16 : i32
        %eq3A_367 = arith.constant 0 : i32
        %eq3A_368 = arith.cmpi eq, %jit3A_366, %eq3A_367 : i32
        %jit3A_369 = arith.constant 1 : i32
        %select_n3A_370 = arith.select %eq3A_368, %jit3A_369, %jit3A_366 : i32
        %rem3A_371 = arith.remsi %add3A_226, %select_n3A_370 : i32
        %ne3A_372 = arith.constant 0 : i32
        %ne3A_373 = arith.cmpi ne, %rem3A_371, %ne3A_372 : i32
        %lt3A_374 = arith.constant 0 : i32
        %lt3A_375 = arith.cmpi slt, %rem3A_371, %lt3A_374 : i32
        %lt3A_376 = arith.constant 0 : i32
        %lt3A_377 = arith.cmpi slt, %select_n3A_370, %lt3A_376 : i32
        %ne3A_378 = arith.xori %lt3A_375, %lt3A_377 : i1
        %and3A_379 = arith.andi %ne3A_378, %ne3A_373 : i1
        %add3A_380 = arith.addi %rem3A_371, %select_n3A_370 : i32
        %select_n3A_381 = arith.select %and3A_379, %add3A_380, %rem3A_371 : i32
        %eq3A_382 = arith.constant 15 : i32
        %eq3A_383 = arith.cmpi eq, %select_n3A_381, %eq3A_382 : i32
        %broadcast_in_dim3A_384 = arith.constant 0.000000e+00 : f32
        %broadcast_in_dim3A_385 = vector.broadcast %broadcast_in_dim3A_384 : f32 to vector<16xf32>
        %select_n3A_386 = arith.select %eq3A_383, %broadcast_in_dim3A_385, %select_n3A_337 : vector<16xf32>
        scf.yield %select_n3A_386 : vector<16xf32>
      } else {
        scf.yield %cond3A_222 : vector<16xf32>
      }
      %mul3A_233 = arith.constant 7 : i32
      %mul3A_234 = arith.muli %mul3A_233, %scan3A_214 : i32
      %add3A_235 = arith.constant 2 : i32
      %add3A_236 = arith.addi %mul3A_234, %add3A_235 : i32
      %lt3A_237 = arith.constant 512 : i32
      %lt3A_238 = arith.cmpi slt, %add3A_236, %lt3A_237 : i32
      %convert_element_type3A_239 = arith.extui %lt3A_238 : i1 to i32
      %cond3A_240 = arith.constant 0 : i32
      %cond3A_241 = arith.cmpi ne, %convert_element_type3A_239, %cond3A_240 : i32
      %cond3A_242 = scf.if %cond3A_241 -> (vector<16xf32>) {
        %dma_wait3A = arith.constant 0 : i32
        %dma_wait3A_283 = arith.constant 0 : i32
        %dma_wait3A_284 = tpu.memref_slice %arg4[%dma_wait3A, %dma_wait3A_283] : memref<64x1000000xf32, #tpu.memory_space<hbm>> -> memref<64x128xf32, #tpu.memory_space<hbm>>
        %dma_wait3A_285 = arith.constant 0 : i32
        %dma_wait3A_286 = arith.constant 0 : i32
        %dma_wait3A_287 = tpu.memref_slice %arg4[%dma_wait3A_285, %dma_wait3A_286] : memref<64x1000000xf32, #tpu.memory_space<hbm>> -> memref<64x128xf32, #tpu.memory_space<hbm>>
        tpu.wait_dma2 semaphore(%arg28 : memref<!tpu.dma_semaphore, #tpu.memory_space<semaphore_mem>>) src(%dma_wait3A_287 : memref<64x128xf32, #tpu.memory_space<hbm>>) dst(%arg15 : memref<64x128xf32, #tpu.memory_space<vmem>>)
        %dma_wait3A_288 = arith.constant 0 : i32
        %dma_wait3A_289 = arith.constant 0 : i32
        %dma_wait3A_290 = tpu.memref_slice %arg4[%dma_wait3A_288, %dma_wait3A_289] : memref<64x1000000xf32, #tpu.memory_space<hbm>> -> memref<64x128xf32, #tpu.memory_space<hbm>>
        %dma_wait3A_291 = arith.constant 0 : i32
        %dma_wait3A_292 = arith.constant 0 : i32
        %dma_wait3A_293 = tpu.memref_slice %arg4[%dma_wait3A_291, %dma_wait3A_292] : memref<64x1000000xf32, #tpu.memory_space<hbm>> -> memref<64x128xf32, #tpu.memory_space<hbm>>
        tpu.wait_dma2 semaphore(%arg28 : memref<!tpu.dma_semaphore, #tpu.memory_space<semaphore_mem>>) src(%dma_wait3A_293 : memref<64x128xf32, #tpu.memory_space<hbm>>) dst(%arg16 : memref<64x128xf32, #tpu.memory_space<vmem>>)
        %get3A_294 = arith.index_cast %add3A_236 : i32 to index
        %get3A_295 = memref.load %arg9[%get3A_294] : memref<512xi32, #tpu.memory_space<smem>>
        %and3A = arith.constant 127 : i32
        %and3A_296 = arith.andi %get3A_295, %and3A : i32
        %get3A_297 = arith.index_cast %add3A_236 : i32 to index
        %get3A_298 = memref.load %arg10[%get3A_297] : memref<512xi32, #tpu.memory_space<smem>>
        %and3A_299 = arith.constant 127 : i32
        %and3A_300 = arith.andi %get3A_298, %and3A_299 : i32
        %jit3A = arith.constant 16 : i32
        %eq3A = arith.constant 0 : i32
        %eq3A_301 = arith.cmpi eq, %jit3A, %eq3A : i32
        %jit3A_302 = arith.constant 1 : i32
        %select_n3A = arith.select %eq3A_301, %jit3A_302, %jit3A : i32
        %rem3A = arith.remsi %add3A_236, %select_n3A : i32
        %ne3A = arith.constant 0 : i32
        %ne3A_303 = arith.cmpi ne, %rem3A, %ne3A : i32
        %lt3A_304 = arith.constant 0 : i32
        %lt3A_305 = arith.cmpi slt, %rem3A, %lt3A_304 : i32
        %lt3A_306 = arith.constant 0 : i32
        %lt3A_307 = arith.cmpi slt, %select_n3A, %lt3A_306 : i32
        %ne3A_308 = arith.xori %lt3A_305, %lt3A_307 : i1
        %and3A_309 = arith.andi %ne3A_308, %ne3A_303 : i1
        %add3A_310 = arith.addi %rem3A, %select_n3A : i32
        %select_n3A_311 = arith.select %and3A_309, %add3A_310, %rem3A : i32
        %eq3A_312 = vector.broadcast %select_n3A_311 : i32 to vector<16xi32>
        %eq3A_313 = arith.cmpi eq, %iota3A, %eq3A_312 : vector<16xi32>
        %broadcast_in_dim3A_314 = vector.broadcast %and3A_296 : i32 to vector<16xi32>
        %broadcast_in_dim3A_315 = vector.broadcast %and3A_300 : i32 to vector<16xi32>
        %broadcast_in_dim3A_316 = arith.constant 0.000000e+00 : f32
        %broadcast_in_dim3A_317 = vector.broadcast %broadcast_in_dim3A_316 : f32 to vector<16xf32>
        %gather3A = tpu.vector_load_idx %arg15[%add3A_33, %broadcast_in_dim3A_314] : memref<64x128xf32, #tpu.memory_space<vmem>>[vector<16xi32>, vector<16xi32>], vector<16xf32>,
        %gather3A_318 = tpu.vector_load_idx %arg16[%add3A_33, %broadcast_in_dim3A_315] : memref<64x128xf32, #tpu.memory_space<vmem>>[vector<16xi32>, vector<16xi32>], vector<16xf32>,
        %mul3A_319 = arith.mulf %gather3A, %gather3A_318 : vector<16xf32>
        %add3A_320 = arith.addf %broadcast_in_dim3A_317, %mul3A_319 : vector<16xf32>
        %gather3A_321 = tpu.vector_load_idx %arg15[%add3A_36, %broadcast_in_dim3A_314] : memref<64x128xf32, #tpu.memory_space<vmem>>[vector<16xi32>, vector<16xi32>], vector<16xf32>,
        %gather3A_322 = tpu.vector_load_idx %arg16[%add3A_36, %broadcast_in_dim3A_315] : memref<64x128xf32, #tpu.memory_space<vmem>>[vector<16xi32>, vector<16xi32>], vector<16xf32>,
        %mul3A_323 = arith.mulf %gather3A_321, %gather3A_322 : vector<16xf32>
        %add3A_324 = arith.addf %add3A_320, %mul3A_323 : vector<16xf32>
        %gather3A_325 = tpu.vector_load_idx %arg15[%add3A_39, %broadcast_in_dim3A_314] : memref<64x128xf32, #tpu.memory_space<vmem>>[vector<16xi32>, vector<16xi32>], vector<16xf32>,
        %gather3A_326 = tpu.vector_load_idx %arg16[%add3A_39, %broadcast_in_dim3A_315] : memref<64x128xf32, #tpu.memory_space<vmem>>[vector<16xi32>, vector<16xi32>], vector<16xf32>,
        %mul3A_327 = arith.mulf %gather3A_325, %gather3A_326 : vector<16xf32>
        %add3A_328 = arith.addf %add3A_324, %mul3A_327 : vector<16xf32>
        %gather3A_329 = tpu.vector_load_idx %arg15[%add3A_42, %broadcast_in_dim3A_314] : memref<64x128xf32, #tpu.memory_space<vmem>>[vector<16xi32>, vector<16xi32>], vector<16xf32>,
        %gather3A_330 = tpu.vector_load_idx %arg16[%add3A_42, %broadcast_in_dim3A_315] : memref<64x128xf32, #tpu.memory_space<vmem>>[vector<16xi32>, vector<16xi32>], vector<16xf32>,
        %mul3A_331 = arith.mulf %gather3A_329, %gather3A_330 : vector<16xf32>
        %add3A_332 = arith.addf %add3A_328, %mul3A_331 : vector<16xf32>
        %reduce_sum3A = arith.constant true
        %reduce_sum3A_333 = vector.broadcast %reduce_sum3A : i1 to vector<16xi1>
        %reduce_sum3A_334 = tpu.scan <sum>, %add3A_332 masked %reduce_sum3A_333 : vector<16xf32>, vector<16xi1> -> vector<16xf32>
        %reduce_sum3A_335 = vector.extract %reduce_sum3A_334[15] : f32 from vector<16xf32>
        %broadcast_in_dim3A_336 = vector.broadcast %reduce_sum3A_335 : f32 to vector<16xf32>
        %select_n3A_337 = arith.select %eq3A_313, %broadcast_in_dim3A_336, %cond3A_232 : vector<16xi1>, vector<16xf32>
        %add3A_338 = arith.constant 7 : i32
        %add3A_339 = arith.addi %add3A_236, %add3A_338 : i32
        %lt3A_340 = arith.constant 512 : i32
        %lt3A_341 = arith.cmpi slt, %add3A_339, %lt3A_340 : i32
        %convert_element_type3A_342 = arith.extui %lt3A_341 : i1 to i32
        %cond3A_343 = arith.constant 0 : i32
        %cond3A_344 = arith.cmpi ne, %convert_element_type3A_342, %cond3A_343 : i32
        scf.if %cond3A_344 {
          %add3A_387 = arith.constant 7 : i32
          %add3A_388 = arith.addi %add3A_236, %add3A_387 : i32
          %get3A_389 = arith.index_cast %add3A_388 : i32 to index
          %get3A_390 = memref.load %arg9[%get3A_389] : memref<512xi32, #tpu.memory_space<smem>>
          %add3A_391 = arith.constant 7 : i32
          %add3A_392 = arith.addi %add3A_236, %add3A_391 : i32
          %get3A_393 = arith.index_cast %add3A_392 : i32 to index
          %get3A_394 = memref.load %arg10[%get3A_393] : memref<512xi32, #tpu.memory_space<smem>>
          %shift_right_arithmetic3A_395 = arith.constant 7 : i32
          %shift_right_arithmetic3A_396 = arith.shrsi %get3A_390, %shift_right_arithmetic3A_395 : i32
          %mul3A_397 = arith.constant 128 : i32
          %mul3A_398 = arith.muli %shift_right_arithmetic3A_396, %mul3A_397 : i32
          %multiple_of3A_399 = tpu.assume_multiple %mul3A_398, 128 : i32
          %shift_right_arithmetic3A_400 = arith.constant 7 : i32
          %shift_right_arithmetic3A_401 = arith.shrsi %get3A_394, %shift_right_arithmetic3A_400 : i32
          %mul3A_402 = arith.constant 128 : i32
          %mul3A_403 = arith.muli %shift_right_arithmetic3A_401, %mul3A_402 : i32
          %multiple_of3A_404 = tpu.assume_multiple %mul3A_403, 128 : i32
          %dma_start3A_405 = arith.constant 0 : i32
          %dma_start3A_406 = tpu.memref_slice %arg4[%dma_start3A_405, %multiple_of3A_399] : memref<64x1000000xf32, #tpu.memory_space<hbm>> -> memref<64x128xf32, #tpu.memory_space<hbm>>
          %dma_start3A_407 = arith.constant 0 : i32
          %dma_start3A_408 = tpu.memref_slice %arg4[%dma_start3A_407, %multiple_of3A_399] : memref<64x1000000xf32, #tpu.memory_space<hbm>> -> memref<64x128xf32, #tpu.memory_space<hbm>>
          tpu.enqueue_dma source(%dma_start3A_408 : memref<64x128xf32, #tpu.memory_space<hbm>>) target(%arg15 : memref<64x128xf32, #tpu.memory_space<vmem>>) target_semaphore(%arg28 : memref<!tpu.dma_semaphore, #tpu.memory_space<semaphore_mem>>)
          %dma_start3A_409 = arith.constant 0 : i32
          %dma_start3A_410 = tpu.memref_slice %arg5[%dma_start3A_409, %multiple_of3A_404] : memref<64x1000000xf32, #tpu.memory_space<hbm>> -> memref<64x128xf32, #tpu.memory_space<hbm>>
          %dma_start3A_411 = arith.constant 0 : i32
          %dma_start3A_412 = tpu.memref_slice %arg5[%dma_start3A_411, %multiple_of3A_404] : memref<64x1000000xf32, #tpu.memory_space<hbm>> -> memref<64x128xf32, #tpu.memory_space<hbm>>
          tpu.enqueue_dma source(%dma_start3A_412 : memref<64x128xf32, #tpu.memory_space<hbm>>) target(%arg16 : memref<64x128xf32, #tpu.memory_space<vmem>>) target_semaphore(%arg28 : memref<!tpu.dma_semaphore, #tpu.memory_space<semaphore_mem>>)
        } else {
        }
        %jit3A_345 = arith.constant 16 : i32
        %eq3A_346 = arith.constant 0 : i32
        %eq3A_347 = arith.cmpi eq, %jit3A_345, %eq3A_346 : i32
        %jit3A_348 = arith.constant 1 : i32
        %select_n3A_349 = arith.select %eq3A_347, %jit3A_348, %jit3A_345 : i32
        %rem3A_350 = arith.remsi %add3A_236, %select_n3A_349 : i32
        %ne3A_351 = arith.constant 0 : i32
        %ne3A_352 = arith.cmpi ne, %rem3A_350, %ne3A_351 : i32
        %lt3A_353 = arith.constant 0 : i32
        %lt3A_354 = arith.cmpi slt, %rem3A_350, %lt3A_353 : i32
        %lt3A_355 = arith.constant 0 : i32
        %lt3A_356 = arith.cmpi slt, %select_n3A_349, %lt3A_355 : i32
        %ne3A_357 = arith.xori %lt3A_354, %lt3A_356 : i1
        %and3A_358 = arith.andi %ne3A_357, %ne3A_352 : i1
        %add3A_359 = arith.addi %rem3A_350, %select_n3A_349 : i32
        %select_n3A_360 = arith.select %and3A_358, %add3A_359, %rem3A_350 : i32
        %eq3A_361 = arith.constant 15 : i32
        %eq3A_362 = arith.cmpi eq, %select_n3A_360, %eq3A_361 : i32
        %convert_element_type3A_363 = arith.extui %eq3A_362 : i1 to i32
        %cond3A_364 = arith.constant 0 : i32
        %cond3A_365 = arith.cmpi ne, %convert_element_type3A_363, %cond3A_364 : i32
        scf.if %cond3A_365 {
          %neg3A = arith.constant 0.000000e+00 : f32
          %neg3A_387 = vector.broadcast %neg3A : f32 to vector<16xf32>
          %neg3A_388 = arith.subf %neg3A_387, %select_n3A_337 : vector<16xf32>
          %exp3A = math.exp %neg3A_388 : vector<16xf32>
          %add3A_389 = arith.constant 1.000000e+00 : f32
          %add3A_390 = vector.broadcast %add3A_389 : f32 to vector<16xf32>
          %add3A_391 = arith.addf %add3A_390, %exp3A : vector<16xf32>
          %div3A = arith.constant 1.000000e+00 : f32
          %div3A_392 = vector.broadcast %div3A : f32 to vector<16xf32>
          %div3A_393 = arith.divf %div3A_392, %add3A_391 : vector<16xf32>
          %jit3A_394 = arith.constant 16 : i32
          %div3A_395 = arith.divsi %add3A_236, %jit3A_394 : i32
          %sign3A = arith.constant 0 : i32
          %sign3A_396 = arith.cmpi sgt, %add3A_236, %sign3A : i32
          %sign3A_397 = arith.extui %sign3A_396 : i1 to i32
          %sign3A_398 = arith.constant 0 : i32
          %sign3A_399 = arith.cmpi slt, %add3A_236, %sign3A_398 : i32
          %sign3A_400 = arith.extui %sign3A_399 : i1 to i32
          %sign3A_401 = arith.subi %sign3A_397, %sign3A_400 : i32
          %sign3A_402 = arith.constant 0 : i32
          %sign3A_403 = arith.cmpi sgt, %jit3A_394, %sign3A_402 : i32
          %sign3A_404 = arith.extui %sign3A_403 : i1 to i32
          %sign3A_405 = arith.constant 0 : i32
          %sign3A_406 = arith.cmpi slt, %jit3A_394, %sign3A_405 : i32
          %sign3A_407 = arith.extui %sign3A_406 : i1 to i32
          %sign3A_408 = arith.subi %sign3A_404, %sign3A_407 : i32
          %ne3A_409 = arith.cmpi ne, %sign3A_401, %sign3A_408 : i32
          %rem3A_410 = arith.remsi %add3A_236, %jit3A_394 : i32
          %ne3A_411 = arith.constant 0 : i32
          %ne3A_412 = arith.cmpi ne, %rem3A_410, %ne3A_411 : i32
          %and3A_413 = arith.andi %ne3A_409, %ne3A_412 : i1
          %sub3A = arith.constant 1 : i32
          %sub3A_414 = arith.subi %div3A_395, %sub3A : i32
          %select_n3A_415 = arith.select %and3A_413, %sub3A_414, %div3A_395 : i32
          %mul3A_416 = arith.constant 16 : i32
          %mul3A_417 = arith.muli %select_n3A_415, %mul3A_416 : i32
          %swap3A = arith.index_cast %mul3A_417 : i32 to index
          %swap3A_418 = tpu.vector_load %arg25[%swap3A] {strides = array<i32>} : memref<512xf32, #tpu.memory_space<vmem>>, vector<16xf32>,
          tpu.vector_store %arg25[%swap3A], %div3A_393 {strides = array<i32>} : memref<512xf32, #tpu.memory_space<vmem>>, vector<16xf32>,
        } else {
        }
        %jit3A_366 = arith.constant 16 : i32
        %eq3A_367 = arith.constant 0 : i32
        %eq3A_368 = arith.cmpi eq, %jit3A_366, %eq3A_367 : i32
        %jit3A_369 = arith.constant 1 : i32
        %select_n3A_370 = arith.select %eq3A_368, %jit3A_369, %jit3A_366 : i32
        %rem3A_371 = arith.remsi %add3A_236, %select_n3A_370 : i32
        %ne3A_372 = arith.constant 0 : i32
        %ne3A_373 = arith.cmpi ne, %rem3A_371, %ne3A_372 : i32
        %lt3A_374 = arith.constant 0 : i32
        %lt3A_375 = arith.cmpi slt, %rem3A_371, %lt3A_374 : i32
        %lt3A_376 = arith.constant 0 : i32
        %lt3A_377 = arith.cmpi slt, %select_n3A_370, %lt3A_376 : i32
        %ne3A_378 = arith.xori %lt3A_375, %lt3A_377 : i1
        %and3A_379 = arith.andi %ne3A_378, %ne3A_373 : i1
        %add3A_380 = arith.addi %rem3A_371, %select_n3A_370 : i32
        %select_n3A_381 = arith.select %and3A_379, %add3A_380, %rem3A_371 : i32
        %eq3A_382 = arith.constant 15 : i32
        %eq3A_383 = arith.cmpi eq, %select_n3A_381, %eq3A_382 : i32
        %broadcast_in_dim3A_384 = arith.constant 0.000000e+00 : f32
        %broadcast_in_dim3A_385 = vector.broadcast %broadcast_in_dim3A_384 : f32 to vector<16xf32>
        %select_n3A_386 = arith.select %eq3A_383, %broadcast_in_dim3A_385, %select_n3A_337 : vector<16xf32>
        scf.yield %select_n3A_386 : vector<16xf32>
      } else {
        scf.yield %cond3A_232 : vector<16xf32>
      }
      %mul3A_243 = arith.constant 7 : i32
      %mul3A_244 = arith.muli %mul3A_243, %scan3A_214 : i32
      %add3A_245 = arith.constant 3 : i32
      %add3A_246 = arith.addi %mul3A_244, %add3A_245 : i32
      %lt3A_247 = arith.constant 512 : i32
      %lt3A_248 = arith.cmpi slt, %add3A_246, %lt3A_247 : i32
      %convert_element_type3A_249 = arith.extui %lt3A_248 : i1 to i32
      %cond3A_250 = arith.constant 0 : i32
      %cond3A_251 = arith.cmpi ne, %convert_element_type3A_249, %cond3A_250 : i32
      %cond3A_252 = scf.if %cond3A_251 -> (vector<16xf32>) {
        %dma_wait3A = arith.constant 0 : i32
        %dma_wait3A_283 = arith.constant 0 : i32
        %dma_wait3A_284 = tpu.memref_slice %arg4[%dma_wait3A, %dma_wait3A_283] : memref<64x1000000xf32, #tpu.memory_space<hbm>> -> memref<64x128xf32, #tpu.memory_space<hbm>>
        %dma_wait3A_285 = arith.constant 0 : i32
        %dma_wait3A_286 = arith.constant 0 : i32
        %dma_wait3A_287 = tpu.memref_slice %arg4[%dma_wait3A_285, %dma_wait3A_286] : memref<64x1000000xf32, #tpu.memory_space<hbm>> -> memref<64x128xf32, #tpu.memory_space<hbm>>
        tpu.wait_dma2 semaphore(%arg29 : memref<!tpu.dma_semaphore, #tpu.memory_space<semaphore_mem>>) src(%dma_wait3A_287 : memref<64x128xf32, #tpu.memory_space<hbm>>) dst(%arg17 : memref<64x128xf32, #tpu.memory_space<vmem>>)
        %dma_wait3A_288 = arith.constant 0 : i32
        %dma_wait3A_289 = arith.constant 0 : i32
        %dma_wait3A_290 = tpu.memref_slice %arg4[%dma_wait3A_288, %dma_wait3A_289] : memref<64x1000000xf32, #tpu.memory_space<hbm>> -> memref<64x128xf32, #tpu.memory_space<hbm>>
        %dma_wait3A_291 = arith.constant 0 : i32
        %dma_wait3A_292 = arith.constant 0 : i32
        %dma_wait3A_293 = tpu.memref_slice %arg4[%dma_wait3A_291, %dma_wait3A_292] : memref<64x1000000xf32, #tpu.memory_space<hbm>> -> memref<64x128xf32, #tpu.memory_space<hbm>>
        tpu.wait_dma2 semaphore(%arg29 : memref<!tpu.dma_semaphore, #tpu.memory_space<semaphore_mem>>) src(%dma_wait3A_293 : memref<64x128xf32, #tpu.memory_space<hbm>>) dst(%arg18 : memref<64x128xf32, #tpu.memory_space<vmem>>)
        %get3A_294 = arith.index_cast %add3A_246 : i32 to index
        %get3A_295 = memref.load %arg9[%get3A_294] : memref<512xi32, #tpu.memory_space<smem>>
        %and3A = arith.constant 127 : i32
        %and3A_296 = arith.andi %get3A_295, %and3A : i32
        %get3A_297 = arith.index_cast %add3A_246 : i32 to index
        %get3A_298 = memref.load %arg10[%get3A_297] : memref<512xi32, #tpu.memory_space<smem>>
        %and3A_299 = arith.constant 127 : i32
        %and3A_300 = arith.andi %get3A_298, %and3A_299 : i32
        %jit3A = arith.constant 16 : i32
        %eq3A = arith.constant 0 : i32
        %eq3A_301 = arith.cmpi eq, %jit3A, %eq3A : i32
        %jit3A_302 = arith.constant 1 : i32
        %select_n3A = arith.select %eq3A_301, %jit3A_302, %jit3A : i32
        %rem3A = arith.remsi %add3A_246, %select_n3A : i32
        %ne3A = arith.constant 0 : i32
        %ne3A_303 = arith.cmpi ne, %rem3A, %ne3A : i32
        %lt3A_304 = arith.constant 0 : i32
        %lt3A_305 = arith.cmpi slt, %rem3A, %lt3A_304 : i32
        %lt3A_306 = arith.constant 0 : i32
        %lt3A_307 = arith.cmpi slt, %select_n3A, %lt3A_306 : i32
        %ne3A_308 = arith.xori %lt3A_305, %lt3A_307 : i1
        %and3A_309 = arith.andi %ne3A_308, %ne3A_303 : i1
        %add3A_310 = arith.addi %rem3A, %select_n3A : i32
        %select_n3A_311 = arith.select %and3A_309, %add3A_310, %rem3A : i32
        %eq3A_312 = vector.broadcast %select_n3A_311 : i32 to vector<16xi32>
        %eq3A_313 = arith.cmpi eq, %iota3A, %eq3A_312 : vector<16xi32>
        %broadcast_in_dim3A_314 = vector.broadcast %and3A_296 : i32 to vector<16xi32>
        %broadcast_in_dim3A_315 = vector.broadcast %and3A_300 : i32 to vector<16xi32>
        %broadcast_in_dim3A_316 = arith.constant 0.000000e+00 : f32
        %broadcast_in_dim3A_317 = vector.broadcast %broadcast_in_dim3A_316 : f32 to vector<16xf32>
        %gather3A = tpu.vector_load_idx %arg17[%add3A_33, %broadcast_in_dim3A_314] : memref<64x128xf32, #tpu.memory_space<vmem>>[vector<16xi32>, vector<16xi32>], vector<16xf32>,
        %gather3A_318 = tpu.vector_load_idx %arg18[%add3A_33, %broadcast_in_dim3A_315] : memref<64x128xf32, #tpu.memory_space<vmem>>[vector<16xi32>, vector<16xi32>], vector<16xf32>,
        %mul3A_319 = arith.mulf %gather3A, %gather3A_318 : vector<16xf32>
        %add3A_320 = arith.addf %broadcast_in_dim3A_317, %mul3A_319 : vector<16xf32>
        %gather3A_321 = tpu.vector_load_idx %arg17[%add3A_36, %broadcast_in_dim3A_314] : memref<64x128xf32, #tpu.memory_space<vmem>>[vector<16xi32>, vector<16xi32>], vector<16xf32>,
        %gather3A_322 = tpu.vector_load_idx %arg18[%add3A_36, %broadcast_in_dim3A_315] : memref<64x128xf32, #tpu.memory_space<vmem>>[vector<16xi32>, vector<16xi32>], vector<16xf32>,
        %mul3A_323 = arith.mulf %gather3A_321, %gather3A_322 : vector<16xf32>
        %add3A_324 = arith.addf %add3A_320, %mul3A_323 : vector<16xf32>
        %gather3A_325 = tpu.vector_load_idx %arg17[%add3A_39, %broadcast_in_dim3A_314] : memref<64x128xf32, #tpu.memory_space<vmem>>[vector<16xi32>, vector<16xi32>], vector<16xf32>,
        %gather3A_326 = tpu.vector_load_idx %arg18[%add3A_39, %broadcast_in_dim3A_315] : memref<64x128xf32, #tpu.memory_space<vmem>>[vector<16xi32>, vector<16xi32>], vector<16xf32>,
        %mul3A_327 = arith.mulf %gather3A_325, %gather3A_326 : vector<16xf32>
        %add3A_328 = arith.addf %add3A_324, %mul3A_327 : vector<16xf32>
        %gather3A_329 = tpu.vector_load_idx %arg17[%add3A_42, %broadcast_in_dim3A_314] : memref<64x128xf32, #tpu.memory_space<vmem>>[vector<16xi32>, vector<16xi32>], vector<16xf32>,
        %gather3A_330 = tpu.vector_load_idx %arg18[%add3A_42, %broadcast_in_dim3A_315] : memref<64x128xf32, #tpu.memory_space<vmem>>[vector<16xi32>, vector<16xi32>], vector<16xf32>,
        %mul3A_331 = arith.mulf %gather3A_329, %gather3A_330 : vector<16xf32>
        %add3A_332 = arith.addf %add3A_328, %mul3A_331 : vector<16xf32>
        %reduce_sum3A = arith.constant true
        %reduce_sum3A_333 = vector.broadcast %reduce_sum3A : i1 to vector<16xi1>
        %reduce_sum3A_334 = tpu.scan <sum>, %add3A_332 masked %reduce_sum3A_333 : vector<16xf32>, vector<16xi1> -> vector<16xf32>
        %reduce_sum3A_335 = vector.extract %reduce_sum3A_334[15] : f32 from vector<16xf32>
        %broadcast_in_dim3A_336 = vector.broadcast %reduce_sum3A_335 : f32 to vector<16xf32>
        %select_n3A_337 = arith.select %eq3A_313, %broadcast_in_dim3A_336, %cond3A_242 : vector<16xi1>, vector<16xf32>
        %add3A_338 = arith.constant 7 : i32
        %add3A_339 = arith.addi %add3A_246, %add3A_338 : i32
        %lt3A_340 = arith.constant 512 : i32
        %lt3A_341 = arith.cmpi slt, %add3A_339, %lt3A_340 : i32
        %convert_element_type3A_342 = arith.extui %lt3A_341 : i1 to i32
        %cond3A_343 = arith.constant 0 : i32
        %cond3A_344 = arith.cmpi ne, %convert_element_type3A_342, %cond3A_343 : i32
        scf.if %cond3A_344 {
          %add3A_387 = arith.constant 7 : i32
          %add3A_388 = arith.addi %add3A_246, %add3A_387 : i32
          %get3A_389 = arith.index_cast %add3A_388 : i32 to index
          %get3A_390 = memref.load %arg9[%get3A_389] : memref<512xi32, #tpu.memory_space<smem>>
          %add3A_391 = arith.constant 7 : i32
          %add3A_392 = arith.addi %add3A_246, %add3A_391 : i32
          %get3A_393 = arith.index_cast %add3A_392 : i32 to index
          %get3A_394 = memref.load %arg10[%get3A_393] : memref<512xi32, #tpu.memory_space<smem>>
          %shift_right_arithmetic3A_395 = arith.constant 7 : i32
          %shift_right_arithmetic3A_396 = arith.shrsi %get3A_390, %shift_right_arithmetic3A_395 : i32
          %mul3A_397 = arith.constant 128 : i32
          %mul3A_398 = arith.muli %shift_right_arithmetic3A_396, %mul3A_397 : i32
          %multiple_of3A_399 = tpu.assume_multiple %mul3A_398, 128 : i32
          %shift_right_arithmetic3A_400 = arith.constant 7 : i32
          %shift_right_arithmetic3A_401 = arith.shrsi %get3A_394, %shift_right_arithmetic3A_400 : i32
          %mul3A_402 = arith.constant 128 : i32
          %mul3A_403 = arith.muli %shift_right_arithmetic3A_401, %mul3A_402 : i32
          %multiple_of3A_404 = tpu.assume_multiple %mul3A_403, 128 : i32
          %dma_start3A_405 = arith.constant 0 : i32
          %dma_start3A_406 = tpu.memref_slice %arg4[%dma_start3A_405, %multiple_of3A_399] : memref<64x1000000xf32, #tpu.memory_space<hbm>> -> memref<64x128xf32, #tpu.memory_space<hbm>>
          %dma_start3A_407 = arith.constant 0 : i32
          %dma_start3A_408 = tpu.memref_slice %arg4[%dma_start3A_407, %multiple_of3A_399] : memref<64x1000000xf32, #tpu.memory_space<hbm>> -> memref<64x128xf32, #tpu.memory_space<hbm>>
          tpu.enqueue_dma source(%dma_start3A_408 : memref<64x128xf32, #tpu.memory_space<hbm>>) target(%arg17 : memref<64x128xf32, #tpu.memory_space<vmem>>) target_semaphore(%arg29 : memref<!tpu.dma_semaphore, #tpu.memory_space<semaphore_mem>>)
          %dma_start3A_409 = arith.constant 0 : i32
          %dma_start3A_410 = tpu.memref_slice %arg5[%dma_start3A_409, %multiple_of3A_404] : memref<64x1000000xf32, #tpu.memory_space<hbm>> -> memref<64x128xf32, #tpu.memory_space<hbm>>
          %dma_start3A_411 = arith.constant 0 : i32
          %dma_start3A_412 = tpu.memref_slice %arg5[%dma_start3A_411, %multiple_of3A_404] : memref<64x1000000xf32, #tpu.memory_space<hbm>> -> memref<64x128xf32, #tpu.memory_space<hbm>>
          tpu.enqueue_dma source(%dma_start3A_412 : memref<64x128xf32, #tpu.memory_space<hbm>>) target(%arg18 : memref<64x128xf32, #tpu.memory_space<vmem>>) target_semaphore(%arg29 : memref<!tpu.dma_semaphore, #tpu.memory_space<semaphore_mem>>)
        } else {
        }
        %jit3A_345 = arith.constant 16 : i32
        %eq3A_346 = arith.constant 0 : i32
        %eq3A_347 = arith.cmpi eq, %jit3A_345, %eq3A_346 : i32
        %jit3A_348 = arith.constant 1 : i32
        %select_n3A_349 = arith.select %eq3A_347, %jit3A_348, %jit3A_345 : i32
        %rem3A_350 = arith.remsi %add3A_246, %select_n3A_349 : i32
        %ne3A_351 = arith.constant 0 : i32
        %ne3A_352 = arith.cmpi ne, %rem3A_350, %ne3A_351 : i32
        %lt3A_353 = arith.constant 0 : i32
        %lt3A_354 = arith.cmpi slt, %rem3A_350, %lt3A_353 : i32
        %lt3A_355 = arith.constant 0 : i32
        %lt3A_356 = arith.cmpi slt, %select_n3A_349, %lt3A_355 : i32
        %ne3A_357 = arith.xori %lt3A_354, %lt3A_356 : i1
        %and3A_358 = arith.andi %ne3A_357, %ne3A_352 : i1
        %add3A_359 = arith.addi %rem3A_350, %select_n3A_349 : i32
        %select_n3A_360 = arith.select %and3A_358, %add3A_359, %rem3A_350 : i32
        %eq3A_361 = arith.constant 15 : i32
        %eq3A_362 = arith.cmpi eq, %select_n3A_360, %eq3A_361 : i32
        %convert_element_type3A_363 = arith.extui %eq3A_362 : i1 to i32
        %cond3A_364 = arith.constant 0 : i32
        %cond3A_365 = arith.cmpi ne, %convert_element_type3A_363, %cond3A_364 : i32
        scf.if %cond3A_365 {
          %neg3A = arith.constant 0.000000e+00 : f32
          %neg3A_387 = vector.broadcast %neg3A : f32 to vector<16xf32>
          %neg3A_388 = arith.subf %neg3A_387, %select_n3A_337 : vector<16xf32>
          %exp3A = math.exp %neg3A_388 : vector<16xf32>
          %add3A_389 = arith.constant 1.000000e+00 : f32
          %add3A_390 = vector.broadcast %add3A_389 : f32 to vector<16xf32>
          %add3A_391 = arith.addf %add3A_390, %exp3A : vector<16xf32>
          %div3A = arith.constant 1.000000e+00 : f32
          %div3A_392 = vector.broadcast %div3A : f32 to vector<16xf32>
          %div3A_393 = arith.divf %div3A_392, %add3A_391 : vector<16xf32>
          %jit3A_394 = arith.constant 16 : i32
          %div3A_395 = arith.divsi %add3A_246, %jit3A_394 : i32
          %sign3A = arith.constant 0 : i32
          %sign3A_396 = arith.cmpi sgt, %add3A_246, %sign3A : i32
          %sign3A_397 = arith.extui %sign3A_396 : i1 to i32
          %sign3A_398 = arith.constant 0 : i32
          %sign3A_399 = arith.cmpi slt, %add3A_246, %sign3A_398 : i32
          %sign3A_400 = arith.extui %sign3A_399 : i1 to i32
          %sign3A_401 = arith.subi %sign3A_397, %sign3A_400 : i32
          %sign3A_402 = arith.constant 0 : i32
          %sign3A_403 = arith.cmpi sgt, %jit3A_394, %sign3A_402 : i32
          %sign3A_404 = arith.extui %sign3A_403 : i1 to i32
          %sign3A_405 = arith.constant 0 : i32
          %sign3A_406 = arith.cmpi slt, %jit3A_394, %sign3A_405 : i32
          %sign3A_407 = arith.extui %sign3A_406 : i1 to i32
          %sign3A_408 = arith.subi %sign3A_404, %sign3A_407 : i32
          %ne3A_409 = arith.cmpi ne, %sign3A_401, %sign3A_408 : i32
          %rem3A_410 = arith.remsi %add3A_246, %jit3A_394 : i32
          %ne3A_411 = arith.constant 0 : i32
          %ne3A_412 = arith.cmpi ne, %rem3A_410, %ne3A_411 : i32
          %and3A_413 = arith.andi %ne3A_409, %ne3A_412 : i1
          %sub3A = arith.constant 1 : i32
          %sub3A_414 = arith.subi %div3A_395, %sub3A : i32
          %select_n3A_415 = arith.select %and3A_413, %sub3A_414, %div3A_395 : i32
          %mul3A_416 = arith.constant 16 : i32
          %mul3A_417 = arith.muli %select_n3A_415, %mul3A_416 : i32
          %swap3A = arith.index_cast %mul3A_417 : i32 to index
          %swap3A_418 = tpu.vector_load %arg25[%swap3A] {strides = array<i32>} : memref<512xf32, #tpu.memory_space<vmem>>, vector<16xf32>,
          tpu.vector_store %arg25[%swap3A], %div3A_393 {strides = array<i32>} : memref<512xf32, #tpu.memory_space<vmem>>, vector<16xf32>,
        } else {
        }
        %jit3A_366 = arith.constant 16 : i32
        %eq3A_367 = arith.constant 0 : i32
        %eq3A_368 = arith.cmpi eq, %jit3A_366, %eq3A_367 : i32
        %jit3A_369 = arith.constant 1 : i32
        %select_n3A_370 = arith.select %eq3A_368, %jit3A_369, %jit3A_366 : i32
        %rem3A_371 = arith.remsi %add3A_246, %select_n3A_370 : i32
        %ne3A_372 = arith.constant 0 : i32
        %ne3A_373 = arith.cmpi ne, %rem3A_371, %ne3A_372 : i32
        %lt3A_374 = arith.constant 0 : i32
        %lt3A_375 = arith.cmpi slt, %rem3A_371, %lt3A_374 : i32
        %lt3A_376 = arith.constant 0 : i32
        %lt3A_377 = arith.cmpi slt, %select_n3A_370, %lt3A_376 : i32
        %ne3A_378 = arith.xori %lt3A_375, %lt3A_377 : i1
        %and3A_379 = arith.andi %ne3A_378, %ne3A_373 : i1
        %add3A_380 = arith.addi %rem3A_371, %select_n3A_370 : i32
        %select_n3A_381 = arith.select %and3A_379, %add3A_380, %rem3A_371 : i32
        %eq3A_382 = arith.constant 15 : i32
        %eq3A_383 = arith.cmpi eq, %select_n3A_381, %eq3A_382 : i32
        %broadcast_in_dim3A_384 = arith.constant 0.000000e+00 : f32
        %broadcast_in_dim3A_385 = vector.broadcast %broadcast_in_dim3A_384 : f32 to vector<16xf32>
        %select_n3A_386 = arith.select %eq3A_383, %broadcast_in_dim3A_385, %select_n3A_337 : vector<16xf32>
        scf.yield %select_n3A_386 : vector<16xf32>
      } else {
        scf.yield %cond3A_242 : vector<16xf32>
      }
      %mul3A_253 = arith.constant 7 : i32
      %mul3A_254 = arith.muli %mul3A_253, %scan3A_214 : i32
      %add3A_255 = arith.constant 4 : i32
      %add3A_256 = arith.addi %mul3A_254, %add3A_255 : i32
      %lt3A_257 = arith.constant 512 : i32
      %lt3A_258 = arith.cmpi slt, %add3A_256, %lt3A_257 : i32
      %convert_element_type3A_259 = arith.extui %lt3A_258 : i1 to i32
      %cond3A_260 = arith.constant 0 : i32
      %cond3A_261 = arith.cmpi ne, %convert_element_type3A_259, %cond3A_260 : i32
      %cond3A_262 = scf.if %cond3A_261 -> (vector<16xf32>) {
        %dma_wait3A = arith.constant 0 : i32
        %dma_wait3A_283 = arith.constant 0 : i32
        %dma_wait3A_284 = tpu.memref_slice %arg4[%dma_wait3A, %dma_wait3A_283] : memref<64x1000000xf32, #tpu.memory_space<hbm>> -> memref<64x128xf32, #tpu.memory_space<hbm>>
        %dma_wait3A_285 = arith.constant 0 : i32
        %dma_wait3A_286 = arith.constant 0 : i32
        %dma_wait3A_287 = tpu.memref_slice %arg4[%dma_wait3A_285, %dma_wait3A_286] : memref<64x1000000xf32, #tpu.memory_space<hbm>> -> memref<64x128xf32, #tpu.memory_space<hbm>>
        tpu.wait_dma2 semaphore(%arg30 : memref<!tpu.dma_semaphore, #tpu.memory_space<semaphore_mem>>) src(%dma_wait3A_287 : memref<64x128xf32, #tpu.memory_space<hbm>>) dst(%arg19 : memref<64x128xf32, #tpu.memory_space<vmem>>)
        %dma_wait3A_288 = arith.constant 0 : i32
        %dma_wait3A_289 = arith.constant 0 : i32
        %dma_wait3A_290 = tpu.memref_slice %arg4[%dma_wait3A_288, %dma_wait3A_289] : memref<64x1000000xf32, #tpu.memory_space<hbm>> -> memref<64x128xf32, #tpu.memory_space<hbm>>
        %dma_wait3A_291 = arith.constant 0 : i32
        %dma_wait3A_292 = arith.constant 0 : i32
        %dma_wait3A_293 = tpu.memref_slice %arg4[%dma_wait3A_291, %dma_wait3A_292] : memref<64x1000000xf32, #tpu.memory_space<hbm>> -> memref<64x128xf32, #tpu.memory_space<hbm>>
        tpu.wait_dma2 semaphore(%arg30 : memref<!tpu.dma_semaphore, #tpu.memory_space<semaphore_mem>>) src(%dma_wait3A_293 : memref<64x128xf32, #tpu.memory_space<hbm>>) dst(%arg20 : memref<64x128xf32, #tpu.memory_space<vmem>>)
        %get3A_294 = arith.index_cast %add3A_256 : i32 to index
        %get3A_295 = memref.load %arg9[%get3A_294] : memref<512xi32, #tpu.memory_space<smem>>
        %and3A = arith.constant 127 : i32
        %and3A_296 = arith.andi %get3A_295, %and3A : i32
        %get3A_297 = arith.index_cast %add3A_256 : i32 to index
        %get3A_298 = memref.load %arg10[%get3A_297] : memref<512xi32, #tpu.memory_space<smem>>
        %and3A_299 = arith.constant 127 : i32
        %and3A_300 = arith.andi %get3A_298, %and3A_299 : i32
        %jit3A = arith.constant 16 : i32
        %eq3A = arith.constant 0 : i32
        %eq3A_301 = arith.cmpi eq, %jit3A, %eq3A : i32
        %jit3A_302 = arith.constant 1 : i32
        %select_n3A = arith.select %eq3A_301, %jit3A_302, %jit3A : i32
        %rem3A = arith.remsi %add3A_256, %select_n3A : i32
        %ne3A = arith.constant 0 : i32
        %ne3A_303 = arith.cmpi ne, %rem3A, %ne3A : i32
        %lt3A_304 = arith.constant 0 : i32
        %lt3A_305 = arith.cmpi slt, %rem3A, %lt3A_304 : i32
        %lt3A_306 = arith.constant 0 : i32
        %lt3A_307 = arith.cmpi slt, %select_n3A, %lt3A_306 : i32
        %ne3A_308 = arith.xori %lt3A_305, %lt3A_307 : i1
        %and3A_309 = arith.andi %ne3A_308, %ne3A_303 : i1
        %add3A_310 = arith.addi %rem3A, %select_n3A : i32
        %select_n3A_311 = arith.select %and3A_309, %add3A_310, %rem3A : i32
        %eq3A_312 = vector.broadcast %select_n3A_311 : i32 to vector<16xi32>
        %eq3A_313 = arith.cmpi eq, %iota3A, %eq3A_312 : vector<16xi32>
        %broadcast_in_dim3A_314 = vector.broadcast %and3A_296 : i32 to vector<16xi32>
        %broadcast_in_dim3A_315 = vector.broadcast %and3A_300 : i32 to vector<16xi32>
        %broadcast_in_dim3A_316 = arith.constant 0.000000e+00 : f32
        %broadcast_in_dim3A_317 = vector.broadcast %broadcast_in_dim3A_316 : f32 to vector<16xf32>
        %gather3A = tpu.vector_load_idx %arg19[%add3A_33, %broadcast_in_dim3A_314] : memref<64x128xf32, #tpu.memory_space<vmem>>[vector<16xi32>, vector<16xi32>], vector<16xf32>,
        %gather3A_318 = tpu.vector_load_idx %arg20[%add3A_33, %broadcast_in_dim3A_315] : memref<64x128xf32, #tpu.memory_space<vmem>>[vector<16xi32>, vector<16xi32>], vector<16xf32>,
        %mul3A_319 = arith.mulf %gather3A, %gather3A_318 : vector<16xf32>
        %add3A_320 = arith.addf %broadcast_in_dim3A_317, %mul3A_319 : vector<16xf32>
        %gather3A_321 = tpu.vector_load_idx %arg19[%add3A_36, %broadcast_in_dim3A_314] : memref<64x128xf32, #tpu.memory_space<vmem>>[vector<16xi32>, vector<16xi32>], vector<16xf32>,
        %gather3A_322 = tpu.vector_load_idx %arg20[%add3A_36, %broadcast_in_dim3A_315] : memref<64x128xf32, #tpu.memory_space<vmem>>[vector<16xi32>, vector<16xi32>], vector<16xf32>,
        %mul3A_323 = arith.mulf %gather3A_321, %gather3A_322 : vector<16xf32>
        %add3A_324 = arith.addf %add3A_320, %mul3A_323 : vector<16xf32>
        %gather3A_325 = tpu.vector_load_idx %arg19[%add3A_39, %broadcast_in_dim3A_314] : memref<64x128xf32, #tpu.memory_space<vmem>>[vector<16xi32>, vector<16xi32>], vector<16xf32>,
        %gather3A_326 = tpu.vector_load_idx %arg20[%add3A_39, %broadcast_in_dim3A_315] : memref<64x128xf32, #tpu.memory_space<vmem>>[vector<16xi32>, vector<16xi32>], vector<16xf32>,
        %mul3A_327 = arith.mulf %gather3A_325, %gather3A_326 : vector<16xf32>
        %add3A_328 = arith.addf %add3A_324, %mul3A_327 : vector<16xf32>
        %gather3A_329 = tpu.vector_load_idx %arg19[%add3A_42, %broadcast_in_dim3A_314] : memref<64x128xf32, #tpu.memory_space<vmem>>[vector<16xi32>, vector<16xi32>], vector<16xf32>,
        %gather3A_330 = tpu.vector_load_idx %arg20[%add3A_42, %broadcast_in_dim3A_315] : memref<64x128xf32, #tpu.memory_space<vmem>>[vector<16xi32>, vector<16xi32>], vector<16xf32>,
        %mul3A_331 = arith.mulf %gather3A_329, %gather3A_330 : vector<16xf32>
        %add3A_332 = arith.addf %add3A_328, %mul3A_331 : vector<16xf32>
        %reduce_sum3A = arith.constant true
        %reduce_sum3A_333 = vector.broadcast %reduce_sum3A : i1 to vector<16xi1>
        %reduce_sum3A_334 = tpu.scan <sum>, %add3A_332 masked %reduce_sum3A_333 : vector<16xf32>, vector<16xi1> -> vector<16xf32>
        %reduce_sum3A_335 = vector.extract %reduce_sum3A_334[15] : f32 from vector<16xf32>
        %broadcast_in_dim3A_336 = vector.broadcast %reduce_sum3A_335 : f32 to vector<16xf32>
        %select_n3A_337 = arith.select %eq3A_313, %broadcast_in_dim3A_336, %cond3A_252 : vector<16xi1>, vector<16xf32>
        %add3A_338 = arith.constant 7 : i32
        %add3A_339 = arith.addi %add3A_256, %add3A_338 : i32
        %lt3A_340 = arith.constant 512 : i32
        %lt3A_341 = arith.cmpi slt, %add3A_339, %lt3A_340 : i32
        %convert_element_type3A_342 = arith.extui %lt3A_341 : i1 to i32
        %cond3A_343 = arith.constant 0 : i32
        %cond3A_344 = arith.cmpi ne, %convert_element_type3A_342, %cond3A_343 : i32
        scf.if %cond3A_344 {
          %add3A_387 = arith.constant 7 : i32
          %add3A_388 = arith.addi %add3A_256, %add3A_387 : i32
          %get3A_389 = arith.index_cast %add3A_388 : i32 to index
          %get3A_390 = memref.load %arg9[%get3A_389] : memref<512xi32, #tpu.memory_space<smem>>
          %add3A_391 = arith.constant 7 : i32
          %add3A_392 = arith.addi %add3A_256, %add3A_391 : i32
          %get3A_393 = arith.index_cast %add3A_392 : i32 to index
          %get3A_394 = memref.load %arg10[%get3A_393] : memref<512xi32, #tpu.memory_space<smem>>
          %shift_right_arithmetic3A_395 = arith.constant 7 : i32
          %shift_right_arithmetic3A_396 = arith.shrsi %get3A_390, %shift_right_arithmetic3A_395 : i32
          %mul3A_397 = arith.constant 128 : i32
          %mul3A_398 = arith.muli %shift_right_arithmetic3A_396, %mul3A_397 : i32
          %multiple_of3A_399 = tpu.assume_multiple %mul3A_398, 128 : i32
          %shift_right_arithmetic3A_400 = arith.constant 7 : i32
          %shift_right_arithmetic3A_401 = arith.shrsi %get3A_394, %shift_right_arithmetic3A_400 : i32
          %mul3A_402 = arith.constant 128 : i32
          %mul3A_403 = arith.muli %shift_right_arithmetic3A_401, %mul3A_402 : i32
          %multiple_of3A_404 = tpu.assume_multiple %mul3A_403, 128 : i32
          %dma_start3A_405 = arith.constant 0 : i32
          %dma_start3A_406 = tpu.memref_slice %arg4[%dma_start3A_405, %multiple_of3A_399] : memref<64x1000000xf32, #tpu.memory_space<hbm>> -> memref<64x128xf32, #tpu.memory_space<hbm>>
          %dma_start3A_407 = arith.constant 0 : i32
          %dma_start3A_408 = tpu.memref_slice %arg4[%dma_start3A_407, %multiple_of3A_399] : memref<64x1000000xf32, #tpu.memory_space<hbm>> -> memref<64x128xf32, #tpu.memory_space<hbm>>
          tpu.enqueue_dma source(%dma_start3A_408 : memref<64x128xf32, #tpu.memory_space<hbm>>) target(%arg19 : memref<64x128xf32, #tpu.memory_space<vmem>>) target_semaphore(%arg30 : memref<!tpu.dma_semaphore, #tpu.memory_space<semaphore_mem>>)
          %dma_start3A_409 = arith.constant 0 : i32
          %dma_start3A_410 = tpu.memref_slice %arg5[%dma_start3A_409, %multiple_of3A_404] : memref<64x1000000xf32, #tpu.memory_space<hbm>> -> memref<64x128xf32, #tpu.memory_space<hbm>>
          %dma_start3A_411 = arith.constant 0 : i32
          %dma_start3A_412 = tpu.memref_slice %arg5[%dma_start3A_411, %multiple_of3A_404] : memref<64x1000000xf32, #tpu.memory_space<hbm>> -> memref<64x128xf32, #tpu.memory_space<hbm>>
          tpu.enqueue_dma source(%dma_start3A_412 : memref<64x128xf32, #tpu.memory_space<hbm>>) target(%arg20 : memref<64x128xf32, #tpu.memory_space<vmem>>) target_semaphore(%arg30 : memref<!tpu.dma_semaphore, #tpu.memory_space<semaphore_mem>>)
        } else {
        }
        %jit3A_345 = arith.constant 16 : i32
        %eq3A_346 = arith.constant 0 : i32
        %eq3A_347 = arith.cmpi eq, %jit3A_345, %eq3A_346 : i32
        %jit3A_348 = arith.constant 1 : i32
        %select_n3A_349 = arith.select %eq3A_347, %jit3A_348, %jit3A_345 : i32
        %rem3A_350 = arith.remsi %add3A_256, %select_n3A_349 : i32
        %ne3A_351 = arith.constant 0 : i32
        %ne3A_352 = arith.cmpi ne, %rem3A_350, %ne3A_351 : i32
        %lt3A_353 = arith.constant 0 : i32
        %lt3A_354 = arith.cmpi slt, %rem3A_350, %lt3A_353 : i32
        %lt3A_355 = arith.constant 0 : i32
        %lt3A_356 = arith.cmpi slt, %select_n3A_349, %lt3A_355 : i32
        %ne3A_357 = arith.xori %lt3A_354, %lt3A_356 : i1
        %and3A_358 = arith.andi %ne3A_357, %ne3A_352 : i1
        %add3A_359 = arith.addi %rem3A_350, %select_n3A_349 : i32
        %select_n3A_360 = arith.select %and3A_358, %add3A_359, %rem3A_350 : i32
        %eq3A_361 = arith.constant 15 : i32
        %eq3A_362 = arith.cmpi eq, %select_n3A_360, %eq3A_361 : i32
        %convert_element_type3A_363 = arith.extui %eq3A_362 : i1 to i32
        %cond3A_364 = arith.constant 0 : i32
        %cond3A_365 = arith.cmpi ne, %convert_element_type3A_363, %cond3A_364 : i32
        scf.if %cond3A_365 {
          %neg3A = arith.constant 0.000000e+00 : f32
          %neg3A_387 = vector.broadcast %neg3A : f32 to vector<16xf32>
          %neg3A_388 = arith.subf %neg3A_387, %select_n3A_337 : vector<16xf32>
          %exp3A = math.exp %neg3A_388 : vector<16xf32>
          %add3A_389 = arith.constant 1.000000e+00 : f32
          %add3A_390 = vector.broadcast %add3A_389 : f32 to vector<16xf32>
          %add3A_391 = arith.addf %add3A_390, %exp3A : vector<16xf32>
          %div3A = arith.constant 1.000000e+00 : f32
          %div3A_392 = vector.broadcast %div3A : f32 to vector<16xf32>
          %div3A_393 = arith.divf %div3A_392, %add3A_391 : vector<16xf32>
          %jit3A_394 = arith.constant 16 : i32
          %div3A_395 = arith.divsi %add3A_256, %jit3A_394 : i32
          %sign3A = arith.constant 0 : i32
          %sign3A_396 = arith.cmpi sgt, %add3A_256, %sign3A : i32
          %sign3A_397 = arith.extui %sign3A_396 : i1 to i32
          %sign3A_398 = arith.constant 0 : i32
          %sign3A_399 = arith.cmpi slt, %add3A_256, %sign3A_398 : i32
          %sign3A_400 = arith.extui %sign3A_399 : i1 to i32
          %sign3A_401 = arith.subi %sign3A_397, %sign3A_400 : i32
          %sign3A_402 = arith.constant 0 : i32
          %sign3A_403 = arith.cmpi sgt, %jit3A_394, %sign3A_402 : i32
          %sign3A_404 = arith.extui %sign3A_403 : i1 to i32
          %sign3A_405 = arith.constant 0 : i32
          %sign3A_406 = arith.cmpi slt, %jit3A_394, %sign3A_405 : i32
          %sign3A_407 = arith.extui %sign3A_406 : i1 to i32
          %sign3A_408 = arith.subi %sign3A_404, %sign3A_407 : i32
          %ne3A_409 = arith.cmpi ne, %sign3A_401, %sign3A_408 : i32
          %rem3A_410 = arith.remsi %add3A_256, %jit3A_394 : i32
          %ne3A_411 = arith.constant 0 : i32
          %ne3A_412 = arith.cmpi ne, %rem3A_410, %ne3A_411 : i32
          %and3A_413 = arith.andi %ne3A_409, %ne3A_412 : i1
          %sub3A = arith.constant 1 : i32
          %sub3A_414 = arith.subi %div3A_395, %sub3A : i32
          %select_n3A_415 = arith.select %and3A_413, %sub3A_414, %div3A_395 : i32
          %mul3A_416 = arith.constant 16 : i32
          %mul3A_417 = arith.muli %select_n3A_415, %mul3A_416 : i32
          %swap3A = arith.index_cast %mul3A_417 : i32 to index
          %swap3A_418 = tpu.vector_load %arg25[%swap3A] {strides = array<i32>} : memref<512xf32, #tpu.memory_space<vmem>>, vector<16xf32>,
          tpu.vector_store %arg25[%swap3A], %div3A_393 {strides = array<i32>} : memref<512xf32, #tpu.memory_space<vmem>>, vector<16xf32>,
        } else {
        }
        %jit3A_366 = arith.constant 16 : i32
        %eq3A_367 = arith.constant 0 : i32
        %eq3A_368 = arith.cmpi eq, %jit3A_366, %eq3A_367 : i32
        %jit3A_369 = arith.constant 1 : i32
        %select_n3A_370 = arith.select %eq3A_368, %jit3A_369, %jit3A_366 : i32
        %rem3A_371 = arith.remsi %add3A_256, %select_n3A_370 : i32
        %ne3A_372 = arith.constant 0 : i32
        %ne3A_373 = arith.cmpi ne, %rem3A_371, %ne3A_372 : i32
        %lt3A_374 = arith.constant 0 : i32
        %lt3A_375 = arith.cmpi slt, %rem3A_371, %lt3A_374 : i32
        %lt3A_376 = arith.constant 0 : i32
        %lt3A_377 = arith.cmpi slt, %select_n3A_370, %lt3A_376 : i32
        %ne3A_378 = arith.xori %lt3A_375, %lt3A_377 : i1
        %and3A_379 = arith.andi %ne3A_378, %ne3A_373 : i1
        %add3A_380 = arith.addi %rem3A_371, %select_n3A_370 : i32
        %select_n3A_381 = arith.select %and3A_379, %add3A_380, %rem3A_371 : i32
        %eq3A_382 = arith.constant 15 : i32
        %eq3A_383 = arith.cmpi eq, %select_n3A_381, %eq3A_382 : i32
        %broadcast_in_dim3A_384 = arith.constant 0.000000e+00 : f32
        %broadcast_in_dim3A_385 = vector.broadcast %broadcast_in_dim3A_384 : f32 to vector<16xf32>
        %select_n3A_386 = arith.select %eq3A_383, %broadcast_in_dim3A_385, %select_n3A_337 : vector<16xf32>
        scf.yield %select_n3A_386 : vector<16xf32>
      } else {
        scf.yield %cond3A_252 : vector<16xf32>
      }
      %mul3A_263 = arith.constant 7 : i32
      %mul3A_264 = arith.muli %mul3A_263, %scan3A_214 : i32
      %add3A_265 = arith.constant 5 : i32
      %add3A_266 = arith.addi %mul3A_264, %add3A_265 : i32
      %lt3A_267 = arith.constant 512 : i32
      %lt3A_268 = arith.cmpi slt, %add3A_266, %lt3A_267 : i32
      %convert_element_type3A_269 = arith.extui %lt3A_268 : i1 to i32
      %cond3A_270 = arith.constant 0 : i32
      %cond3A_271 = arith.cmpi ne, %convert_element_type3A_269, %cond3A_270 : i32
      %cond3A_272 = scf.if %cond3A_271 -> (vector<16xf32>) {
        %dma_wait3A = arith.constant 0 : i32
        %dma_wait3A_283 = arith.constant 0 : i32
        %dma_wait3A_284 = tpu.memref_slice %arg4[%dma_wait3A, %dma_wait3A_283] : memref<64x1000000xf32, #tpu.memory_space<hbm>> -> memref<64x128xf32, #tpu.memory_space<hbm>>
        %dma_wait3A_285 = arith.constant 0 : i32
        %dma_wait3A_286 = arith.constant 0 : i32
        %dma_wait3A_287 = tpu.memref_slice %arg4[%dma_wait3A_285, %dma_wait3A_286] : memref<64x1000000xf32, #tpu.memory_space<hbm>> -> memref<64x128xf32, #tpu.memory_space<hbm>>
        tpu.wait_dma2 semaphore(%arg31 : memref<!tpu.dma_semaphore, #tpu.memory_space<semaphore_mem>>) src(%dma_wait3A_287 : memref<64x128xf32, #tpu.memory_space<hbm>>) dst(%arg21 : memref<64x128xf32, #tpu.memory_space<vmem>>)
        %dma_wait3A_288 = arith.constant 0 : i32
        %dma_wait3A_289 = arith.constant 0 : i32
        %dma_wait3A_290 = tpu.memref_slice %arg4[%dma_wait3A_288, %dma_wait3A_289] : memref<64x1000000xf32, #tpu.memory_space<hbm>> -> memref<64x128xf32, #tpu.memory_space<hbm>>
        %dma_wait3A_291 = arith.constant 0 : i32
        %dma_wait3A_292 = arith.constant 0 : i32
        %dma_wait3A_293 = tpu.memref_slice %arg4[%dma_wait3A_291, %dma_wait3A_292] : memref<64x1000000xf32, #tpu.memory_space<hbm>> -> memref<64x128xf32, #tpu.memory_space<hbm>>
        tpu.wait_dma2 semaphore(%arg31 : memref<!tpu.dma_semaphore, #tpu.memory_space<semaphore_mem>>) src(%dma_wait3A_293 : memref<64x128xf32, #tpu.memory_space<hbm>>) dst(%arg22 : memref<64x128xf32, #tpu.memory_space<vmem>>)
        %get3A_294 = arith.index_cast %add3A_266 : i32 to index
        %get3A_295 = memref.load %arg9[%get3A_294] : memref<512xi32, #tpu.memory_space<smem>>
        %and3A = arith.constant 127 : i32
        %and3A_296 = arith.andi %get3A_295, %and3A : i32
        %get3A_297 = arith.index_cast %add3A_266 : i32 to index
        %get3A_298 = memref.load %arg10[%get3A_297] : memref<512xi32, #tpu.memory_space<smem>>
        %and3A_299 = arith.constant 127 : i32
        %and3A_300 = arith.andi %get3A_298, %and3A_299 : i32
        %jit3A = arith.constant 16 : i32
        %eq3A = arith.constant 0 : i32
        %eq3A_301 = arith.cmpi eq, %jit3A, %eq3A : i32
        %jit3A_302 = arith.constant 1 : i32
        %select_n3A = arith.select %eq3A_301, %jit3A_302, %jit3A : i32
        %rem3A = arith.remsi %add3A_266, %select_n3A : i32
        %ne3A = arith.constant 0 : i32
        %ne3A_303 = arith.cmpi ne, %rem3A, %ne3A : i32
        %lt3A_304 = arith.constant 0 : i32
        %lt3A_305 = arith.cmpi slt, %rem3A, %lt3A_304 : i32
        %lt3A_306 = arith.constant 0 : i32
        %lt3A_307 = arith.cmpi slt, %select_n3A, %lt3A_306 : i32
        %ne3A_308 = arith.xori %lt3A_305, %lt3A_307 : i1
        %and3A_309 = arith.andi %ne3A_308, %ne3A_303 : i1
        %add3A_310 = arith.addi %rem3A, %select_n3A : i32
        %select_n3A_311 = arith.select %and3A_309, %add3A_310, %rem3A : i32
        %eq3A_312 = vector.broadcast %select_n3A_311 : i32 to vector<16xi32>
        %eq3A_313 = arith.cmpi eq, %iota3A, %eq3A_312 : vector<16xi32>
        %broadcast_in_dim3A_314 = vector.broadcast %and3A_296 : i32 to vector<16xi32>
        %broadcast_in_dim3A_315 = vector.broadcast %and3A_300 : i32 to vector<16xi32>
        %broadcast_in_dim3A_316 = arith.constant 0.000000e+00 : f32
        %broadcast_in_dim3A_317 = vector.broadcast %broadcast_in_dim3A_316 : f32 to vector<16xf32>
        %gather3A = tpu.vector_load_idx %arg21[%add3A_33, %broadcast_in_dim3A_314] : memref<64x128xf32, #tpu.memory_space<vmem>>[vector<16xi32>, vector<16xi32>], vector<16xf32>,
        %gather3A_318 = tpu.vector_load_idx %arg22[%add3A_33, %broadcast_in_dim3A_315] : memref<64x128xf32, #tpu.memory_space<vmem>>[vector<16xi32>, vector<16xi32>], vector<16xf32>,
        %mul3A_319 = arith.mulf %gather3A, %gather3A_318 : vector<16xf32>
        %add3A_320 = arith.addf %broadcast_in_dim3A_317, %mul3A_319 : vector<16xf32>
        %gather3A_321 = tpu.vector_load_idx %arg21[%add3A_36, %broadcast_in_dim3A_314] : memref<64x128xf32, #tpu.memory_space<vmem>>[vector<16xi32>, vector<16xi32>], vector<16xf32>,
        %gather3A_322 = tpu.vector_load_idx %arg22[%add3A_36, %broadcast_in_dim3A_315] : memref<64x128xf32, #tpu.memory_space<vmem>>[vector<16xi32>, vector<16xi32>], vector<16xf32>,
        %mul3A_323 = arith.mulf %gather3A_321, %gather3A_322 : vector<16xf32>
        %add3A_324 = arith.addf %add3A_320, %mul3A_323 : vector<16xf32>
        %gather3A_325 = tpu.vector_load_idx %arg21[%add3A_39, %broadcast_in_dim3A_314] : memref<64x128xf32, #tpu.memory_space<vmem>>[vector<16xi32>, vector<16xi32>], vector<16xf32>,
        %gather3A_326 = tpu.vector_load_idx %arg22[%add3A_39, %broadcast_in_dim3A_315] : memref<64x128xf32, #tpu.memory_space<vmem>>[vector<16xi32>, vector<16xi32>], vector<16xf32>,
        %mul3A_327 = arith.mulf %gather3A_325, %gather3A_326 : vector<16xf32>
        %add3A_328 = arith.addf %add3A_324, %mul3A_327 : vector<16xf32>
        %gather3A_329 = tpu.vector_load_idx %arg21[%add3A_42, %broadcast_in_dim3A_314] : memref<64x128xf32, #tpu.memory_space<vmem>>[vector<16xi32>, vector<16xi32>], vector<16xf32>,
        %gather3A_330 = tpu.vector_load_idx %arg22[%add3A_42, %broadcast_in_dim3A_315] : memref<64x128xf32, #tpu.memory_space<vmem>>[vector<16xi32>, vector<16xi32>], vector<16xf32>,
        %mul3A_331 = arith.mulf %gather3A_329, %gather3A_330 : vector<16xf32>
        %add3A_332 = arith.addf %add3A_328, %mul3A_331 : vector<16xf32>
        %reduce_sum3A = arith.constant true
        %reduce_sum3A_333 = vector.broadcast %reduce_sum3A : i1 to vector<16xi1>
        %reduce_sum3A_334 = tpu.scan <sum>, %add3A_332 masked %reduce_sum3A_333 : vector<16xf32>, vector<16xi1> -> vector<16xf32>
        %reduce_sum3A_335 = vector.extract %reduce_sum3A_334[15] : f32 from vector<16xf32>
        %broadcast_in_dim3A_336 = vector.broadcast %reduce_sum3A_335 : f32 to vector<16xf32>
        %select_n3A_337 = arith.select %eq3A_313, %broadcast_in_dim3A_336, %cond3A_262 : vector<16xi1>, vector<16xf32>
        %add3A_338 = arith.constant 7 : i32
        %add3A_339 = arith.addi %add3A_266, %add3A_338 : i32
        %lt3A_340 = arith.constant 512 : i32
        %lt3A_341 = arith.cmpi slt, %add3A_339, %lt3A_340 : i32
        %convert_element_type3A_342 = arith.extui %lt3A_341 : i1 to i32
        %cond3A_343 = arith.constant 0 : i32
        %cond3A_344 = arith.cmpi ne, %convert_element_type3A_342, %cond3A_343 : i32
        scf.if %cond3A_344 {
          %add3A_387 = arith.constant 7 : i32
          %add3A_388 = arith.addi %add3A_266, %add3A_387 : i32
          %get3A_389 = arith.index_cast %add3A_388 : i32 to index
          %get3A_390 = memref.load %arg9[%get3A_389] : memref<512xi32, #tpu.memory_space<smem>>
          %add3A_391 = arith.constant 7 : i32
          %add3A_392 = arith.addi %add3A_266, %add3A_391 : i32
          %get3A_393 = arith.index_cast %add3A_392 : i32 to index
          %get3A_394 = memref.load %arg10[%get3A_393] : memref<512xi32, #tpu.memory_space<smem>>
          %shift_right_arithmetic3A_395 = arith.constant 7 : i32
          %shift_right_arithmetic3A_396 = arith.shrsi %get3A_390, %shift_right_arithmetic3A_395 : i32
          %mul3A_397 = arith.constant 128 : i32
          %mul3A_398 = arith.muli %shift_right_arithmetic3A_396, %mul3A_397 : i32
          %multiple_of3A_399 = tpu.assume_multiple %mul3A_398, 128 : i32
          %shift_right_arithmetic3A_400 = arith.constant 7 : i32
          %shift_right_arithmetic3A_401 = arith.shrsi %get3A_394, %shift_right_arithmetic3A_400 : i32
          %mul3A_402 = arith.constant 128 : i32
          %mul3A_403 = arith.muli %shift_right_arithmetic3A_401, %mul3A_402 : i32
          %multiple_of3A_404 = tpu.assume_multiple %mul3A_403, 128 : i32
          %dma_start3A_405 = arith.constant 0 : i32
          %dma_start3A_406 = tpu.memref_slice %arg4[%dma_start3A_405, %multiple_of3A_399] : memref<64x1000000xf32, #tpu.memory_space<hbm>> -> memref<64x128xf32, #tpu.memory_space<hbm>>
          %dma_start3A_407 = arith.constant 0 : i32
          %dma_start3A_408 = tpu.memref_slice %arg4[%dma_start3A_407, %multiple_of3A_399] : memref<64x1000000xf32, #tpu.memory_space<hbm>> -> memref<64x128xf32, #tpu.memory_space<hbm>>
          tpu.enqueue_dma source(%dma_start3A_408 : memref<64x128xf32, #tpu.memory_space<hbm>>) target(%arg21 : memref<64x128xf32, #tpu.memory_space<vmem>>) target_semaphore(%arg31 : memref<!tpu.dma_semaphore, #tpu.memory_space<semaphore_mem>>)
          %dma_start3A_409 = arith.constant 0 : i32
          %dma_start3A_410 = tpu.memref_slice %arg5[%dma_start3A_409, %multiple_of3A_404] : memref<64x1000000xf32, #tpu.memory_space<hbm>> -> memref<64x128xf32, #tpu.memory_space<hbm>>
          %dma_start3A_411 = arith.constant 0 : i32
          %dma_start3A_412 = tpu.memref_slice %arg5[%dma_start3A_411, %multiple_of3A_404] : memref<64x1000000xf32, #tpu.memory_space<hbm>> -> memref<64x128xf32, #tpu.memory_space<hbm>>
          tpu.enqueue_dma source(%dma_start3A_412 : memref<64x128xf32, #tpu.memory_space<hbm>>) target(%arg22 : memref<64x128xf32, #tpu.memory_space<vmem>>) target_semaphore(%arg31 : memref<!tpu.dma_semaphore, #tpu.memory_space<semaphore_mem>>)
        } else {
        }
        %jit3A_345 = arith.constant 16 : i32
        %eq3A_346 = arith.constant 0 : i32
        %eq3A_347 = arith.cmpi eq, %jit3A_345, %eq3A_346 : i32
        %jit3A_348 = arith.constant 1 : i32
        %select_n3A_349 = arith.select %eq3A_347, %jit3A_348, %jit3A_345 : i32
        %rem3A_350 = arith.remsi %add3A_266, %select_n3A_349 : i32
        %ne3A_351 = arith.constant 0 : i32
        %ne3A_352 = arith.cmpi ne, %rem3A_350, %ne3A_351 : i32
        %lt3A_353 = arith.constant 0 : i32
        %lt3A_354 = arith.cmpi slt, %rem3A_350, %lt3A_353 : i32
        %lt3A_355 = arith.constant 0 : i32
        %lt3A_356 = arith.cmpi slt, %select_n3A_349, %lt3A_355 : i32
        %ne3A_357 = arith.xori %lt3A_354, %lt3A_356 : i1
        %and3A_358 = arith.andi %ne3A_357, %ne3A_352 : i1
        %add3A_359 = arith.addi %rem3A_350, %select_n3A_349 : i32
        %select_n3A_360 = arith.select %and3A_358, %add3A_359, %rem3A_350 : i32
        %eq3A_361 = arith.constant 15 : i32
        %eq3A_362 = arith.cmpi eq, %select_n3A_360, %eq3A_361 : i32
        %convert_element_type3A_363 = arith.extui %eq3A_362 : i1 to i32
        %cond3A_364 = arith.constant 0 : i32
        %cond3A_365 = arith.cmpi ne, %convert_element_type3A_363, %cond3A_364 : i32
        scf.if %cond3A_365 {
          %neg3A = arith.constant 0.000000e+00 : f32
          %neg3A_387 = vector.broadcast %neg3A : f32 to vector<16xf32>
          %neg3A_388 = arith.subf %neg3A_387, %select_n3A_337 : vector<16xf32>
          %exp3A = math.exp %neg3A_388 : vector<16xf32>
          %add3A_389 = arith.constant 1.000000e+00 : f32
          %add3A_390 = vector.broadcast %add3A_389 : f32 to vector<16xf32>
          %add3A_391 = arith.addf %add3A_390, %exp3A : vector<16xf32>
          %div3A = arith.constant 1.000000e+00 : f32
          %div3A_392 = vector.broadcast %div3A : f32 to vector<16xf32>
          %div3A_393 = arith.divf %div3A_392, %add3A_391 : vector<16xf32>
          %jit3A_394 = arith.constant 16 : i32
          %div3A_395 = arith.divsi %add3A_266, %jit3A_394 : i32
          %sign3A = arith.constant 0 : i32
          %sign3A_396 = arith.cmpi sgt, %add3A_266, %sign3A : i32
          %sign3A_397 = arith.extui %sign3A_396 : i1 to i32
          %sign3A_398 = arith.constant 0 : i32
          %sign3A_399 = arith.cmpi slt, %add3A_266, %sign3A_398 : i32
          %sign3A_400 = arith.extui %sign3A_399 : i1 to i32
          %sign3A_401 = arith.subi %sign3A_397, %sign3A_400 : i32
          %sign3A_402 = arith.constant 0 : i32
          %sign3A_403 = arith.cmpi sgt, %jit3A_394, %sign3A_402 : i32
          %sign3A_404 = arith.extui %sign3A_403 : i1 to i32
          %sign3A_405 = arith.constant 0 : i32
          %sign3A_406 = arith.cmpi slt, %jit3A_394, %sign3A_405 : i32
          %sign3A_407 = arith.extui %sign3A_406 : i1 to i32
          %sign3A_408 = arith.subi %sign3A_404, %sign3A_407 : i32
          %ne3A_409 = arith.cmpi ne, %sign3A_401, %sign3A_408 : i32
          %rem3A_410 = arith.remsi %add3A_266, %jit3A_394 : i32
          %ne3A_411 = arith.constant 0 : i32
          %ne3A_412 = arith.cmpi ne, %rem3A_410, %ne3A_411 : i32
          %and3A_413 = arith.andi %ne3A_409, %ne3A_412 : i1
          %sub3A = arith.constant 1 : i32
          %sub3A_414 = arith.subi %div3A_395, %sub3A : i32
          %select_n3A_415 = arith.select %and3A_413, %sub3A_414, %div3A_395 : i32
          %mul3A_416 = arith.constant 16 : i32
          %mul3A_417 = arith.muli %select_n3A_415, %mul3A_416 : i32
          %swap3A = arith.index_cast %mul3A_417 : i32 to index
          %swap3A_418 = tpu.vector_load %arg25[%swap3A] {strides = array<i32>} : memref<512xf32, #tpu.memory_space<vmem>>, vector<16xf32>,
          tpu.vector_store %arg25[%swap3A], %div3A_393 {strides = array<i32>} : memref<512xf32, #tpu.memory_space<vmem>>, vector<16xf32>,
        } else {
        }
        %jit3A_366 = arith.constant 16 : i32
        %eq3A_367 = arith.constant 0 : i32
        %eq3A_368 = arith.cmpi eq, %jit3A_366, %eq3A_367 : i32
        %jit3A_369 = arith.constant 1 : i32
        %select_n3A_370 = arith.select %eq3A_368, %jit3A_369, %jit3A_366 : i32
        %rem3A_371 = arith.remsi %add3A_266, %select_n3A_370 : i32
        %ne3A_372 = arith.constant 0 : i32
        %ne3A_373 = arith.cmpi ne, %rem3A_371, %ne3A_372 : i32
        %lt3A_374 = arith.constant 0 : i32
        %lt3A_375 = arith.cmpi slt, %rem3A_371, %lt3A_374 : i32
        %lt3A_376 = arith.constant 0 : i32
        %lt3A_377 = arith.cmpi slt, %select_n3A_370, %lt3A_376 : i32
        %ne3A_378 = arith.xori %lt3A_375, %lt3A_377 : i1
        %and3A_379 = arith.andi %ne3A_378, %ne3A_373 : i1
        %add3A_380 = arith.addi %rem3A_371, %select_n3A_370 : i32
        %select_n3A_381 = arith.select %and3A_379, %add3A_380, %rem3A_371 : i32
        %eq3A_382 = arith.constant 15 : i32
        %eq3A_383 = arith.cmpi eq, %select_n3A_381, %eq3A_382 : i32
        %broadcast_in_dim3A_384 = arith.constant 0.000000e+00 : f32
        %broadcast_in_dim3A_385 = vector.broadcast %broadcast_in_dim3A_384 : f32 to vector<16xf32>
        %select_n3A_386 = arith.select %eq3A_383, %broadcast_in_dim3A_385, %select_n3A_337 : vector<16xf32>
        scf.yield %select_n3A_386 : vector<16xf32>
      } else {
        scf.yield %cond3A_262 : vector<16xf32>
      }
      %mul3A_273 = arith.constant 7 : i32
      %mul3A_274 = arith.muli %mul3A_273, %scan3A_214 : i32
      %add3A_275 = arith.constant 6 : i32
      %add3A_276 = arith.addi %mul3A_274, %add3A_275 : i32
      %lt3A_277 = arith.constant 512 : i32
      %lt3A_278 = arith.cmpi slt, %add3A_276, %lt3A_277 : i32
      %convert_element_type3A_279 = arith.extui %lt3A_278 : i1 to i32
      %cond3A_280 = arith.constant 0 : i32
      %cond3A_281 = arith.cmpi ne, %convert_element_type3A_279, %cond3A_280 : i32
      %cond3A_282 = scf.if %cond3A_281 -> (vector<16xf32>) {
        %dma_wait3A = arith.constant 0 : i32
        %dma_wait3A_283 = arith.constant 0 : i32
        %dma_wait3A_284 = tpu.memref_slice %arg4[%dma_wait3A, %dma_wait3A_283] : memref<64x1000000xf32, #tpu.memory_space<hbm>> -> memref<64x128xf32, #tpu.memory_space<hbm>>
        %dma_wait3A_285 = arith.constant 0 : i32
        %dma_wait3A_286 = arith.constant 0 : i32
        %dma_wait3A_287 = tpu.memref_slice %arg4[%dma_wait3A_285, %dma_wait3A_286] : memref<64x1000000xf32, #tpu.memory_space<hbm>> -> memref<64x128xf32, #tpu.memory_space<hbm>>
        tpu.wait_dma2 semaphore(%arg32 : memref<!tpu.dma_semaphore, #tpu.memory_space<semaphore_mem>>) src(%dma_wait3A_287 : memref<64x128xf32, #tpu.memory_space<hbm>>) dst(%arg23 : memref<64x128xf32, #tpu.memory_space<vmem>>)
        %dma_wait3A_288 = arith.constant 0 : i32
        %dma_wait3A_289 = arith.constant 0 : i32
        %dma_wait3A_290 = tpu.memref_slice %arg4[%dma_wait3A_288, %dma_wait3A_289] : memref<64x1000000xf32, #tpu.memory_space<hbm>> -> memref<64x128xf32, #tpu.memory_space<hbm>>
        %dma_wait3A_291 = arith.constant 0 : i32
        %dma_wait3A_292 = arith.constant 0 : i32
        %dma_wait3A_293 = tpu.memref_slice %arg4[%dma_wait3A_291, %dma_wait3A_292] : memref<64x1000000xf32, #tpu.memory_space<hbm>> -> memref<64x128xf32, #tpu.memory_space<hbm>>
        tpu.wait_dma2 semaphore(%arg32 : memref<!tpu.dma_semaphore, #tpu.memory_space<semaphore_mem>>) src(%dma_wait3A_293 : memref<64x128xf32, #tpu.memory_space<hbm>>) dst(%arg24 : memref<64x128xf32, #tpu.memory_space<vmem>>)
        %get3A_294 = arith.index_cast %add3A_276 : i32 to index
        %get3A_295 = memref.load %arg9[%get3A_294] : memref<512xi32, #tpu.memory_space<smem>>
        %and3A = arith.constant 127 : i32
        %and3A_296 = arith.andi %get3A_295, %and3A : i32
        %get3A_297 = arith.index_cast %add3A_276 : i32 to index
        %get3A_298 = memref.load %arg10[%get3A_297] : memref<512xi32, #tpu.memory_space<smem>>
        %and3A_299 = arith.constant 127 : i32
        %and3A_300 = arith.andi %get3A_298, %and3A_299 : i32
        %jit3A = arith.constant 16 : i32
        %eq3A = arith.constant 0 : i32
        %eq3A_301 = arith.cmpi eq, %jit3A, %eq3A : i32
        %jit3A_302 = arith.constant 1 : i32
        %select_n3A = arith.select %eq3A_301, %jit3A_302, %jit3A : i32
        %rem3A = arith.remsi %add3A_276, %select_n3A : i32
        %ne3A = arith.constant 0 : i32
        %ne3A_303 = arith.cmpi ne, %rem3A, %ne3A : i32
        %lt3A_304 = arith.constant 0 : i32
        %lt3A_305 = arith.cmpi slt, %rem3A, %lt3A_304 : i32
        %lt3A_306 = arith.constant 0 : i32
        %lt3A_307 = arith.cmpi slt, %select_n3A, %lt3A_306 : i32
        %ne3A_308 = arith.xori %lt3A_305, %lt3A_307 : i1
        %and3A_309 = arith.andi %ne3A_308, %ne3A_303 : i1
        %add3A_310 = arith.addi %rem3A, %select_n3A : i32
        %select_n3A_311 = arith.select %and3A_309, %add3A_310, %rem3A : i32
        %eq3A_312 = vector.broadcast %select_n3A_311 : i32 to vector<16xi32>
        %eq3A_313 = arith.cmpi eq, %iota3A, %eq3A_312 : vector<16xi32>
        %broadcast_in_dim3A_314 = vector.broadcast %and3A_296 : i32 to vector<16xi32>
        %broadcast_in_dim3A_315 = vector.broadcast %and3A_300 : i32 to vector<16xi32>
        %broadcast_in_dim3A_316 = arith.constant 0.000000e+00 : f32
        %broadcast_in_dim3A_317 = vector.broadcast %broadcast_in_dim3A_316 : f32 to vector<16xf32>
        %gather3A = tpu.vector_load_idx %arg23[%add3A_33, %broadcast_in_dim3A_314] : memref<64x128xf32, #tpu.memory_space<vmem>>[vector<16xi32>, vector<16xi32>], vector<16xf32>,
        %gather3A_318 = tpu.vector_load_idx %arg24[%add3A_33, %broadcast_in_dim3A_315] : memref<64x128xf32, #tpu.memory_space<vmem>>[vector<16xi32>, vector<16xi32>], vector<16xf32>,
        %mul3A_319 = arith.mulf %gather3A, %gather3A_318 : vector<16xf32>
        %add3A_320 = arith.addf %broadcast_in_dim3A_317, %mul3A_319 : vector<16xf32>
        %gather3A_321 = tpu.vector_load_idx %arg23[%add3A_36, %broadcast_in_dim3A_314] : memref<64x128xf32, #tpu.memory_space<vmem>>[vector<16xi32>, vector<16xi32>], vector<16xf32>,
        %gather3A_322 = tpu.vector_load_idx %arg24[%add3A_36, %broadcast_in_dim3A_315] : memref<64x128xf32, #tpu.memory_space<vmem>>[vector<16xi32>, vector<16xi32>], vector<16xf32>,
        %mul3A_323 = arith.mulf %gather3A_321, %gather3A_322 : vector<16xf32>
        %add3A_324 = arith.addf %add3A_320, %mul3A_323 : vector<16xf32>
        %gather3A_325 = tpu.vector_load_idx %arg23[%add3A_39, %broadcast_in_dim3A_314] : memref<64x128xf32, #tpu.memory_space<vmem>>[vector<16xi32>, vector<16xi32>], vector<16xf32>,
        %gather3A_326 = tpu.vector_load_idx %arg24[%add3A_39, %broadcast_in_dim3A_315] : memref<64x128xf32, #tpu.memory_space<vmem>>[vector<16xi32>, vector<16xi32>], vector<16xf32>,
        %mul3A_327 = arith.mulf %gather3A_325, %gather3A_326 : vector<16xf32>
        %add3A_328 = arith.addf %add3A_324, %mul3A_327 : vector<16xf32>
        %gather3A_329 = tpu.vector_load_idx %arg23[%add3A_42, %broadcast_in_dim3A_314] : memref<64x128xf32, #tpu.memory_space<vmem>>[vector<16xi32>, vector<16xi32>], vector<16xf32>,
        %gather3A_330 = tpu.vector_load_idx %arg24[%add3A_42, %broadcast_in_dim3A_315] : memref<64x128xf32, #tpu.memory_space<vmem>>[vector<16xi32>, vector<16xi32>], vector<16xf32>,
        %mul3A_331 = arith.mulf %gather3A_329, %gather3A_330 : vector<16xf32>
        %add3A_332 = arith.addf %add3A_328, %mul3A_331 : vector<16xf32>
        %reduce_sum3A = arith.constant true
        %reduce_sum3A_333 = vector.broadcast %reduce_sum3A : i1 to vector<16xi1>
        %reduce_sum3A_334 = tpu.scan <sum>, %add3A_332 masked %reduce_sum3A_333 : vector<16xf32>, vector<16xi1> -> vector<16xf32>
        %reduce_sum3A_335 = vector.extract %reduce_sum3A_334[15] : f32 from vector<16xf32>
        %broadcast_in_dim3A_336 = vector.broadcast %reduce_sum3A_335 : f32 to vector<16xf32>
        %select_n3A_337 = arith.select %eq3A_313, %broadcast_in_dim3A_336, %cond3A_272 : vector<16xi1>, vector<16xf32>
        %add3A_338 = arith.constant 7 : i32
        %add3A_339 = arith.addi %add3A_276, %add3A_338 : i32
        %lt3A_340 = arith.constant 512 : i32
        %lt3A_341 = arith.cmpi slt, %add3A_339, %lt3A_340 : i32
        %convert_element_type3A_342 = arith.extui %lt3A_341 : i1 to i32
        %cond3A_343 = arith.constant 0 : i32
        %cond3A_344 = arith.cmpi ne, %convert_element_type3A_342, %cond3A_343 : i32
        scf.if %cond3A_344 {
          %add3A_387 = arith.constant 7 : i32
          %add3A_388 = arith.addi %add3A_276, %add3A_387 : i32
          %get3A_389 = arith.index_cast %add3A_388 : i32 to index
          %get3A_390 = memref.load %arg9[%get3A_389] : memref<512xi32, #tpu.memory_space<smem>>
          %add3A_391 = arith.constant 7 : i32
          %add3A_392 = arith.addi %add3A_276, %add3A_391 : i32
          %get3A_393 = arith.index_cast %add3A_392 : i32 to index
          %get3A_394 = memref.load %arg10[%get3A_393] : memref<512xi32, #tpu.memory_space<smem>>
          %shift_right_arithmetic3A_395 = arith.constant 7 : i32
          %shift_right_arithmetic3A_396 = arith.shrsi %get3A_390, %shift_right_arithmetic3A_395 : i32
          %mul3A_397 = arith.constant 128 : i32
          %mul3A_398 = arith.muli %shift_right_arithmetic3A_396, %mul3A_397 : i32
          %multiple_of3A_399 = tpu.assume_multiple %mul3A_398, 128 : i32
          %shift_right_arithmetic3A_400 = arith.constant 7 : i32
          %shift_right_arithmetic3A_401 = arith.shrsi %get3A_394, %shift_right_arithmetic3A_400 : i32
          %mul3A_402 = arith.constant 128 : i32
          %mul3A_403 = arith.muli %shift_right_arithmetic3A_401, %mul3A_402 : i32
          %multiple_of3A_404 = tpu.assume_multiple %mul3A_403, 128 : i32
          %dma_start3A_405 = arith.constant 0 : i32
          %dma_start3A_406 = tpu.memref_slice %arg4[%dma_start3A_405, %multiple_of3A_399] : memref<64x1000000xf32, #tpu.memory_space<hbm>> -> memref<64x128xf32, #tpu.memory_space<hbm>>
          %dma_start3A_407 = arith.constant 0 : i32
          %dma_start3A_408 = tpu.memref_slice %arg4[%dma_start3A_407, %multiple_of3A_399] : memref<64x1000000xf32, #tpu.memory_space<hbm>> -> memref<64x128xf32, #tpu.memory_space<hbm>>
          tpu.enqueue_dma source(%dma_start3A_408 : memref<64x128xf32, #tpu.memory_space<hbm>>) target(%arg23 : memref<64x128xf32, #tpu.memory_space<vmem>>) target_semaphore(%arg32 : memref<!tpu.dma_semaphore, #tpu.memory_space<semaphore_mem>>)
          %dma_start3A_409 = arith.constant 0 : i32
          %dma_start3A_410 = tpu.memref_slice %arg5[%dma_start3A_409, %multiple_of3A_404] : memref<64x1000000xf32, #tpu.memory_space<hbm>> -> memref<64x128xf32, #tpu.memory_space<hbm>>
          %dma_start3A_411 = arith.constant 0 : i32
          %dma_start3A_412 = tpu.memref_slice %arg5[%dma_start3A_411, %multiple_of3A_404] : memref<64x1000000xf32, #tpu.memory_space<hbm>> -> memref<64x128xf32, #tpu.memory_space<hbm>>
          tpu.enqueue_dma source(%dma_start3A_412 : memref<64x128xf32, #tpu.memory_space<hbm>>) target(%arg24 : memref<64x128xf32, #tpu.memory_space<vmem>>) target_semaphore(%arg32 : memref<!tpu.dma_semaphore, #tpu.memory_space<semaphore_mem>>)
        } else {
        }
        %jit3A_345 = arith.constant 16 : i32
        %eq3A_346 = arith.constant 0 : i32
        %eq3A_347 = arith.cmpi eq, %jit3A_345, %eq3A_346 : i32
        %jit3A_348 = arith.constant 1 : i32
        %select_n3A_349 = arith.select %eq3A_347, %jit3A_348, %jit3A_345 : i32
        %rem3A_350 = arith.remsi %add3A_276, %select_n3A_349 : i32
        %ne3A_351 = arith.constant 0 : i32
        %ne3A_352 = arith.cmpi ne, %rem3A_350, %ne3A_351 : i32
        %lt3A_353 = arith.constant 0 : i32
        %lt3A_354 = arith.cmpi slt, %rem3A_350, %lt3A_353 : i32
        %lt3A_355 = arith.constant 0 : i32
        %lt3A_356 = arith.cmpi slt, %select_n3A_349, %lt3A_355 : i32
        %ne3A_357 = arith.xori %lt3A_354, %lt3A_356 : i1
        %and3A_358 = arith.andi %ne3A_357, %ne3A_352 : i1
        %add3A_359 = arith.addi %rem3A_350, %select_n3A_349 : i32
        %select_n3A_360 = arith.select %and3A_358, %add3A_359, %rem3A_350 : i32
        %eq3A_361 = arith.constant 15 : i32
        %eq3A_362 = arith.cmpi eq, %select_n3A_360, %eq3A_361 : i32
        %convert_element_type3A_363 = arith.extui %eq3A_362 : i1 to i32
        %cond3A_364 = arith.constant 0 : i32
        %cond3A_365 = arith.cmpi ne, %convert_element_type3A_363, %cond3A_364 : i32
        scf.if %cond3A_365 {
          %neg3A = arith.constant 0.000000e+00 : f32
          %neg3A_387 = vector.broadcast %neg3A : f32 to vector<16xf32>
          %neg3A_388 = arith.subf %neg3A_387, %select_n3A_337 : vector<16xf32>
          %exp3A = math.exp %neg3A_388 : vector<16xf32>
          %add3A_389 = arith.constant 1.000000e+00 : f32
          %add3A_390 = vector.broadcast %add3A_389 : f32 to vector<16xf32>
          %add3A_391 = arith.addf %add3A_390, %exp3A : vector<16xf32>
          %div3A = arith.constant 1.000000e+00 : f32
          %div3A_392 = vector.broadcast %div3A : f32 to vector<16xf32>
          %div3A_393 = arith.divf %div3A_392, %add3A_391 : vector<16xf32>
          %jit3A_394 = arith.constant 16 : i32
          %div3A_395 = arith.divsi %add3A_276, %jit3A_394 : i32
          %sign3A = arith.constant 0 : i32
          %sign3A_396 = arith.cmpi sgt, %add3A_276, %sign3A : i32
          %sign3A_397 = arith.extui %sign3A_396 : i1 to i32
          %sign3A_398 = arith.constant 0 : i32
          %sign3A_399 = arith.cmpi slt, %add3A_276, %sign3A_398 : i32
          %sign3A_400 = arith.extui %sign3A_399 : i1 to i32
          %sign3A_401 = arith.subi %sign3A_397, %sign3A_400 : i32
          %sign3A_402 = arith.constant 0 : i32
          %sign3A_403 = arith.cmpi sgt, %jit3A_394, %sign3A_402 : i32
          %sign3A_404 = arith.extui %sign3A_403 : i1 to i32
          %sign3A_405 = arith.constant 0 : i32
          %sign3A_406 = arith.cmpi slt, %jit3A_394, %sign3A_405 : i32
          %sign3A_407 = arith.extui %sign3A_406 : i1 to i32
          %sign3A_408 = arith.subi %sign3A_404, %sign3A_407 : i32
          %ne3A_409 = arith.cmpi ne, %sign3A_401, %sign3A_408 : i32
          %rem3A_410 = arith.remsi %add3A_276, %jit3A_394 : i32
          %ne3A_411 = arith.constant 0 : i32
          %ne3A_412 = arith.cmpi ne, %rem3A_410, %ne3A_411 : i32
          %and3A_413 = arith.andi %ne3A_409, %ne3A_412 : i1
          %sub3A = arith.constant 1 : i32
          %sub3A_414 = arith.subi %div3A_395, %sub3A : i32
          %select_n3A_415 = arith.select %and3A_413, %sub3A_414, %div3A_395 : i32
          %mul3A_416 = arith.constant 16 : i32
          %mul3A_417 = arith.muli %select_n3A_415, %mul3A_416 : i32
          %swap3A = arith.index_cast %mul3A_417 : i32 to index
          %swap3A_418 = tpu.vector_load %arg25[%swap3A] {strides = array<i32>} : memref<512xf32, #tpu.memory_space<vmem>>, vector<16xf32>,
          tpu.vector_store %arg25[%swap3A], %div3A_393 {strides = array<i32>} : memref<512xf32, #tpu.memory_space<vmem>>, vector<16xf32>,
        } else {
        }
        %jit3A_366 = arith.constant 16 : i32
        %eq3A_367 = arith.constant 0 : i32
        %eq3A_368 = arith.cmpi eq, %jit3A_366, %eq3A_367 : i32
        %jit3A_369 = arith.constant 1 : i32
        %select_n3A_370 = arith.select %eq3A_368, %jit3A_369, %jit3A_366 : i32
        %rem3A_371 = arith.remsi %add3A_276, %select_n3A_370 : i32
        %ne3A_372 = arith.constant 0 : i32
        %ne3A_373 = arith.cmpi ne, %rem3A_371, %ne3A_372 : i32
        %lt3A_374 = arith.constant 0 : i32
        %lt3A_375 = arith.cmpi slt, %rem3A_371, %lt3A_374 : i32
        %lt3A_376 = arith.constant 0 : i32
        %lt3A_377 = arith.cmpi slt, %select_n3A_370, %lt3A_376 : i32
        %ne3A_378 = arith.xori %lt3A_375, %lt3A_377 : i1
        %and3A_379 = arith.andi %ne3A_378, %ne3A_373 : i1
        %add3A_380 = arith.addi %rem3A_371, %select_n3A_370 : i32
        %select_n3A_381 = arith.select %and3A_379, %add3A_380, %rem3A_371 : i32
        %eq3A_382 = arith.constant 15 : i32
        %eq3A_383 = arith.cmpi eq, %select_n3A_381, %eq3A_382 : i32
        %broadcast_in_dim3A_384 = arith.constant 0.000000e+00 : f32
        %broadcast_in_dim3A_385 = vector.broadcast %broadcast_in_dim3A_384 : f32 to vector<16xf32>
        %select_n3A_386 = arith.select %eq3A_383, %broadcast_in_dim3A_385, %select_n3A_337 : vector<16xf32>
        scf.yield %select_n3A_386 : vector<16xf32>
      } else {
        scf.yield %cond3A_272 : vector<16xf32>
      }
      scf.yield %cond3A_282 : vector<16xf32>
    }
    %scan3A_213 = arith.constant 74 : i32
    "tpu.region"() ({
      %run_scoped3A_214 = tpu.sem_alloc : memref<!tpu.dma_semaphore, #tpu.memory_space<semaphore_mem>>
      %dma_start3A_215 = tpu.memref_slice %arg6[%mul3A_2] : memref<16384xf32, #tpu.memory_space<hbm>> -> memref<512xf32, #tpu.memory_space<hbm>>
      %dma_start3A_216 = tpu.memref_slice %arg6[%mul3A_2] : memref<16384xf32, #tpu.memory_space<hbm>> -> memref<512xf32, #tpu.memory_space<hbm>>
      tpu.enqueue_dma source(%arg25 : memref<512xf32, #tpu.memory_space<vmem>>) target(%dma_start3A_216 : memref<512xf32, #tpu.memory_space<hbm>>) target_semaphore(%run_scoped3A_214 : memref<!tpu.dma_semaphore, #tpu.memory_space<semaphore_mem>>)
      %dma_wait3A = tpu.memref_slice %arg6[%mul3A_2] : memref<16384xf32, #tpu.memory_space<hbm>> -> memref<512xf32, #tpu.memory_space<hbm>>
      %dma_wait3A_217 = tpu.memref_slice %arg6[%mul3A_2] : memref<16384xf32, #tpu.memory_space<hbm>> -> memref<512xf32, #tpu.memory_space<hbm>>
      tpu.wait_dma2 semaphore(%run_scoped3A_214 : memref<!tpu.dma_semaphore, #tpu.memory_space<semaphore_mem>>) src(%arg25 : memref<512xf32, #tpu.memory_space<vmem>>) dst(%dma_wait3A_217 : memref<512xf32, #tpu.memory_space<hbm>>)
      tpu.yield
    }) : () -> ()
    return
  }
}

</mosaic_0001>

<sc_bundles>
// kernel: kernel.3.cloned.1.call-start
scs
__scs_entry_jumppad:
0x0: {  	(pc) =	sbr.rel $0x88, $3  }
0x1: {  	(tag) =	ssettag $0x0;
	lr =	simm.s32 $0x1  }
0x2: {  	[smem:$0x3F9D] =	sst lr;
	_ =	strace $0xD0000000  }
0x3: {  	_ = 	snop  }
0x4: {  	_ = 	snop  }
0x5: {  	_ = 	snop  }
0x6: {  	_ = 	snop  }
0x7: {  	_ = 	snop  }
__scs_overlays_trampoline_lowered:
0x8: {  	[smem:$0x3FAC] =	sst s0  }
0x9: {  	[smem:$0x3FAD] =	sst s1  }
0xa: {  	[smem:$0x3FAE] =	sst s2  }
0xb: {  	[smem:$0x3FAF] =	sst s3  }
0xc: {  	[smem:$0x3FB0] =	sst s4  }
0xd: {  	[smem:$0x3FB1] =	sst s5  }
0xe: {  	[smem:$0x3FB2] =	sst s6  }
0xf: {  	[smem:$0x3FB3] =	sst s7  }
0x10: {  	[smem:$0x3FB4] =	sst s8  }
0x11: {  	[smem:$0x3FB5] =	sst s9;
	s0 =	simm.s32 @!p0 $0x0  }
0x12: {  	s1 =	sld [smem:$0x3F9B];
	s0 =	simm.s32 @p0 $0x1  }
0x13: {  	[smem:$0x3FB6] =	sst s0;
	s0 =	simm.s32 @!p1 $0x0  }
0x14: {  	s2 =	sld [smem:$0x3F9A];
	s0 =	simm.s32 @p1 $0x1  }
0x15: {  	[smem:$0x3FB7] =	sst s0;
	s0 =	simm.s32 @!p2 $0x0  }
0x16: {  	s3 =	sld [smem:$0x3FDB];
	s0 =	simm.s32 @p2 $0x1  }
0x17: {  	s4 =	simm.s32 $0x1BF5;
	[smem:$0x3FB9] =	sst s0  }
0x18: {  	s0 =	sld [smem:$0x3F9C];
	_ =	swait.ge [sflag:s4], $0x0  }
0x19: {  	s7 =	sld [smem:$0x3F9D]  }
0x1a: {  	s8 =	sadd.s32 $0xFFFFE003, lr  }
0x1b: {  	s9 =	sadd.s32 $0xFFFFFEF7, lr;
	s5 =	simm.s32 $0xFFFFFFFF;
	p2 =	slt.u32 s8, $0xFFFFF086  }
0x1c: {  	p1 =	slt.u32 s9, $0xF7A;
	s5 =	simm.s32 @!p2 $0x0  }
0x1d: {  	s5 =	simm.s32 @p1 $0x1;
	p0 =	seq.s32 s7, s2  }
0x1e: {  	s7 =	smul.u32 @!p0 $0xF7A, s2;
	p2 =	seq.s32 @!p0 s5, $0x0  }
0x1f: {  	s9 =	smul.u32 $0xF7A, s1;
	s8 =	simm.s32 @!p0 $0x1BF5;
	p2 =	por !p2, p0  }
0x20: {  	[sflag:s8] =	ssyncset.s32 @!p0 $0xFFFFF086;
	s6 =	sadd.s32 @!p0 s3, s7;
	s7 =	simm.s32 @!p0 $0x108  }
0x21: {  	s3 =	sadd.s32 s3, s9;
	s6 =	sadd.s32 @!p0 $0x88, s6;
	s7 =	simm.s32 @p2 $0x1082  }
0x22: {  	[simem:s7], [sflag:s8] =	dma.local @!p0 [hbm:s6], $0xF7A  }
0x23: {  	s9 =	sor.u32 $0xD0000000, s2;
	s6 =	simm.s32 $0x108;
	_ =	swait.ge @!p0 [sflag:s8], $0x0  }
0x24: {  	s3 =	sadd.s32 $0x88, s3;
	s6 =	simm.s32 @!p1 $0x1082;
	[sflag:s4] =	ssyncset.s32 $0xFFFFF086  }
0x25: {  	[simem:s6], [sflag:s4] =	dma.local [hbm:s3], $0xF7A  }
0x26: {  	[smem:$0x3F9D] =	sst s1;
	(tag) =	ssettag s2;
	_ =	strace s9  }
0x27: {  	s1 =	sld [smem:$0x3FAD]  }
0x28: {  	s2 =	sld [smem:$0x3FAE]  }
0x29: {  	s4 =	sld [smem:$0x3FB0]  }
0x2a: {  	p0 =	seq.s32 s5, $0x0;
	s5 =	sld [smem:$0x3FB1]  }
0x2b: {  	s6 =	sld [smem:$0x3FB2]  }
0x2c: {  	s7 =	sld [smem:$0x3FB3]  }
0x2d: {  	s3 =	simm.s32 $0x108;
	s8 =	sld [smem:$0x3FB4]  }
0x2e: {  	s3 =	simm.s32 @!p0 $0x1082;
	s9 =	sld [smem:$0x3FB5]  }
0x2f: {  	lr =	sadd.s32 s0, s3;
	s0 =	sld [smem:$0x3FAC]  }
0x30: {  	s3 =	sld [smem:$0x3FAF]  }
0x31: {  	[smem:$0x3FB8] =	sst s10  }
0x32: {  	s10 =	sld [smem:$0x3FB6];
	_ =	sdelay $0x3  }
0x33: {  	p0 =	seq.s32 s10, $0x1;
	s10 =	sld [smem:$0x3FB8];
	_ =	sdelay $0x3  }
0x34: {  	[smem:$0x3FB8] =	sst s10  }
0x35: {  	s10 =	sld [smem:$0x3FB7];
	_ =	sdelay $0x3  }
0x36: {  	p1 =	seq.s32 s10, $0x1;
	s10 =	sld [smem:$0x3FB8];
	_ =	sdelay $0x3  }
0x37: {  	[smem:$0x3FB8] =	sst s10  }
0x38: {  	s10 =	sld [smem:$0x3FB9]  }
0x39: {  	_ = 	snop;
	(pc) =	sbr.ind lr, $3  }
0x3a: {  	_ = 	snop  }
0x3b: {  	_ = 	snop  }
0x3c: {  	p2 =	seq.s32 s10, $0x1;
	s10 =	sld [smem:$0x3FB8]  }
0x3d: {  	_ =	shalt  }
0x3e: {  	_ =	shalt  }
0x3f: {  	_ =	shalt  }
0x40: {  	_ =	shalt  }
0x41: {  	_ =	shalt  }
0x42: {  	_ =	shalt  }
0x43: {  	_ =	shalt  }
0x44: {  	_ =	shalt  }
0x45: {  	_ =	shalt  }
0x46: {  	_ =	shalt  }
0x47: {  	_ =	shalt  }
0x48: {  	_ =	shalt  }
0x49: {  	_ =	shalt  }
0x4a: {  	_ =	shalt  }
0x4b: {  	_ =	shalt  }
0x4c: {  	_ =	shalt  }
0x4d: {  	_ =	shalt  }
0x4e: {  	_ =	shalt  }
0x4f: {  	_ =	shalt  }
0x50: {  	_ =	shalt  }
0x51: {  	_ =	shalt  }
0x52: {  	_ =	shalt  }
0x53: {  	_ =	shalt  }
0x54: {  	_ =	shalt  }
0x55: {  	_ =	shalt  }
0x56: {  	_ =	shalt  }
0x57: {  	_ =	shalt  }
0x58: {  	_ =	shalt  }
0x59: {  	_ =	shalt  }
0x5a: {  	_ =	shalt  }
0x5b: {  	_ =	shalt  }
0x5c: {  	_ =	shalt  }
0x5d: {  	_ =	shalt  }
0x5e: {  	_ =	shalt  }
0x5f: {  	_ =	shalt  }
0x60: {  	_ =	shalt  }
0x61: {  	_ =	shalt  }
0x62: {  	_ =	shalt  }
0x63: {  	_ =	shalt  }
0x64: {  	_ =	shalt  }
0x65: {  	_ =	shalt  }
0x66: {  	_ =	shalt  }
0x67: {  	_ =	shalt  }
0x68: {  	_ =	shalt  }
0x69: {  	_ =	shalt  }
0x6a: {  	_ =	shalt  }
0x6b: {  	_ =	shalt  }
0x6c: {  	_ =	shalt  }
0x6d: {  	_ =	shalt  }
0x6e: {  	_ =	shalt  }
0x6f: {  	_ =	shalt  }
0x70: {  	_ =	shalt  }
0x71: {  	_ =	shalt  }
0x72: {  	_ =	shalt  }
0x73: {  	_ =	shalt  }
0x74: {  	_ =	shalt  }
0x75: {  	_ =	shalt  }
0x76: {  	_ =	shalt  }
0x77: {  	_ =	shalt  }
0x78: {  	_ =	shalt  }
0x79: {  	_ =	shalt  }
0x7a: {  	_ =	shalt  }
0x7b: {  	_ =	shalt  }
0x7c: {  	_ =	shalt  }
0x7d: {  	_ =	shalt  }
0x7e: {  	_ =	shalt  }
0x7f: {  	_ =	shalt  }
0x80: {  	_ =	shalt  }
0x81: {  	_ =	shalt  }
0x82: {  	_ =	shalt  }
0x83: {  	_ =	shalt  }
0x84: {  	_ =	shalt  }
0x85: {  	_ =	shalt  }
0x86: {  	_ =	shalt  }
0x87: {  	_ =	shalt  }
.Lfunc_end0:
.L_simem_size_0:
called_computation_lowered:
.L_overlay_start_0:
0x88: {  	s2 =	sld [smem:$0x3FD9]  }
0x89: {  	s3 =	sld [smem:$0x3FFE];
	_ =	sdelay $0x1  }
0x8a: {  	s1 =	srdreg.scid  }
0x8b: {  	s0 =	sand.u32 $0x1, s1  }
0x8c: {  	s18 =	sshll.u32 s0, $0xA;
	s2 =	sadd.s32 s3, s2  }
0x8d: {  	s2 =	sadd.s32 s2, s18  }
0x8e: {  	[smem:$0x3FC4] =	sst s2  }
0x8f: {  	_ = 	snop  }
0x90: {  	s2 =	sld [smem:$0x3FC9]  }
0x91: {  	s19 =	sld [smem:$0x3FC8]  }
0x92: {  	s4 =	sld [smem:$0x3FC7]  }
0x93: {  	s5 =	sld [smem:$0x3FC6]  }
0x94: {  	s6 =	sld [smem:$0x3FD0];
	(tm) =	ssettm $0x1  }
0x95: {  	s7 =	sld [smem:$0x3FFB];
	_ =	sdelay $0x3  }
0x96: {  	_ =	strace s7  }
0x97: {  	s7 =	sld [smem:$0x3FFC];
	_ =	sdelay $0x3  }
0x98: {  	_ =	strace s7  }
0x99: {  	s7 =	sld [smem:$0x3FFD];
	_ =	sdelay $0x3  }
0x9a: {  	_ =	strace s7  }
0x9b: {  	_ =	strace $0x8FFFFFFF  }
0x9c: {  	s20 =	sld [smem:$0x3FDB];
	_ =	sdelay $0x1  }
0x9d: {  	s8 =	simm.s32 $_scs_section_size  }
0x9e: {  	s9 =	simm.s32 $_size__tile_overlayer_lowered;
	s10 =	simm.s32 $_tile_overlayer_lowered  }
0x9f: {  	s23 =	simm.s32 $0x1BFF;
	s22 =	sshll.u32 s10, $0x1;
	s7 =	sadd.s32 s8, s20  }
0xa0: {  	s11 =	simm.s32 $0x0;
	s21 =	sshll.u32 s9, $0x1;
	s9 =	sadd.s32 s22, s7  }
0xa1: {  	[timem:s11], [sflag:s23] =	dma.local [hbm:s9], s21  }
0xa2: {  	_ =	swait.ge [sflag:s23], s21  }
0xa3: {  	s8 =	ssub.s32 $0x0, s21;
	[sflag:s23] =	ssyncset.done $0x0  }
0xa4: {  	[sflag:s23] =	ssyncadd.s32 s8;
	_ =	sdelay $0x1  }
0xa5: {  	s24 =	simm.s32 $0x1B8B  }
0xa6: {  	_ =	swait.ge [sflag:s24], $0x1  }
0xa7: {  	[sflag:s24] =	ssyncset.done $0x0  }
0xa8: {  	s25 =	simm.s32 $0x1B8E;
	[sflag:s24] =	ssyncadd.s32 $0xFFFFFFFF  }
0xa9: {  	s26 =	simm.s32 $execute0_lowered;
	[smem:$0x3FD2] =	sst s25  }
0xaa: {  	s8 =	sshll.u32 s26, $0x1;
	_ =	strace $0x80000046;
	[dreg:$0x1] =	wrdreg $0xFFFFFFFF  }
0xab: {  	s28 =	simm.s32 $_size_execute0_lowered;
	s7 =	sadd.s32 s7, s8;
	[dreg:$0x0] =	wrdreg $0x0  }
0xac: {  	s8 =	sshll.u32 s28, $0x1;
	[dreg:$0x2] =	wrdreg s7  }
0xad: {  	[dreg:$0x3] =	wrdreg s8  }
0xae: {  	[dreg:$0x4] =	wrdreg $0xC0  }
0xaf: {  	_ =	task [dreg:s11], $0x5FFFF  }
0xb0: {  	[dreg:$0x1] =	wrdreg $0xFFFFFFFF  }
0xb1: {  	[dreg:$0x0] =	wrdreg $0x60  }
0xb2: {  	[dreg:$0x2] =	wrdreg s2  }
0xb3: {  	[dreg:$0x3] =	wrdreg s19  }
0xb4: {  	[dreg:$0x4] =	wrdreg s4  }
0xb5: {  	[dreg:$0x5] =	wrdreg s5  }
0xb6: {  	[dreg:$0x6] =	wrdreg s6  }
0xb7: {  	[dreg:$0x7] =	wrdreg $0x9  }
0xb8: {  	_ =	task.clear_ibuf [dreg:s11], $0x8FFFF;
	_ =	strace $0x90000046  }
0xb9: {  	s29 =	simm.s32 $0x9;
	_ =	strace $0x80000048  }
0xba: {  	_ =	swait.ge [sflag:s29], $0x1  }
0xbb: {  	[sflag:s29] =	ssyncadd.s32 $0xFFFFFFFF  }
0xbc: {  	_ =	strace $0x90000048  }
0xbd: {  	_ =	sfence  }
0xbe: {  	s30 =	sld [smem:$0x0];
	_ =	sdelay $0x2  }
0xbf: {  	s31 =	sshll.u32 s1, $0xD;
	s1 =	sshrl.u32 s1, $0x2  }
0xc0: {  	s3 =	sand.u32 $0x4000, s31;
	s1 =	sadd.s32 s1, s30  }
0xc1: {  	s0 =	sor.u32 s3, s0;
	s1 =	sshll.u32 s1, $0x11  }
0xc2: {  	s0 =	sor.u32 s1, s0  }
0xc3: {  	s0 =	sadd.s32 $0x8F2B, s0  }
0xc4: {  	[sflag:s0] =	ssyncadd.remote.s32 $0x1  }
0xc5: {  	_ =	sfence.sel $0xFFFF  }
0xc6: {  	[dreg:$0x0] =	wrdreg $0xFFFFFFFF;
	(pc) =	sbr.abs _section_cstart, $3  }
0xc7: {  	[dreg:$0x1] =	wrdreg $0xFFFFFFFF  }
0xc8: {  	_ =	task.clear_ibuf [dreg:s11], $0x2FFFF;
	_ =	strace $0x9FFFFFFF  }
0xc9: {  	(tm) =	ssettm $0x7FFFFFFF  }
tec
execute0_lowered:
.L_overlay_start_1:
0x0: {  	(tag) =	ssettag $0x1  }
0x1: {  	s0 =	rddreg [dreg:$0x0]  }
0x2: {  	s3 =	rddreg [dreg:$0x1]  }
0x3: {  	s1 =	rddreg [dreg:$0x2]  }
0x4: {  	s2 =	rddreg [dreg:$0x3]  }
0x5: {  	s13 =	rddreg [dreg:$0x4];
	s5 =	srdreg.scid;
	s4 =	simm.s32 $0x0  }
0x6: {  	s8 =	stileid.u32;
	s23 =	simm.s32 $0x7A1400;
	s24 =	simm.s32 $0x400  }
0x7: {  	s25 =	simm.s32 $0x2400;
	s21 =	simm.s32 $0x1;
	s22 =	simm.s32 $0x1C400  }
0x8: {  	s26 =	simm.s32 $0x0;
	s5 =	sand.u32 $0x1, s5;
	[smem:$0x7FF] =	sst s4  }
0x9: {  	s8 =	sshll.u32 s8, $0x7;
	s6 =	ssub.s32 $0x2, s5;
	s5 =	sshll.u32 s5, $0x6  }
0xa: {  	_ =	strace $0x80000047;
	s7 =	sshrl.u32 s6, $0x1;
	s15 =	sor.u32 s5, s8  }
0xb: {  	s14 =	ssub.s32 s6, s7;
	s5 =	sadd.s32 s0, s15;
	s6 =	sadd.s32 s3, s15  }
0xc: {  	v0 =	vlaneseq.u32;
	s8 =	sor.u32 $0x10, s15;
	s10 =	sor.u32 $0x20, s15;
	s12 =	sor.u32 $0x30, s15  }
0xd: {  	v1 =	vmul.u32 $0x80, v0;
	s13 =	sadd.s32 s13, s15;
	s15 =	simm.s32 $0x8;
	s7 =	sadd.s32 s0, s8  }
0xe: {  	s8 =	sadd.s32 s3, s8;
	s9 =	sadd.s32 s0, s10;
	s10 =	sadd.s32 s3, s10  }
0xf: {  	v2 =	vor.u32 $0x800, v1;
	v3 =	vor.u32 $0x1000, v1;
	v4 =	vor.u32 $0x1800, v1;
	s11 =	sadd.s32 s0, s12;
	s12 =	sadd.s32 s3, s12;
	s14 =	smax.u32 s14, $0x1  }
.LBB2_1:
0x10: {  	[tilespmem:s4], [sflag:$0x8] =	stream.linear.gather [hbm4b:s5+s4], $0x80, $0x38;
	[tilespmem:$0x1C600] =	vst v63  }
0x11: {  	_ =	swait.ge [sflag:s15], $0x80  }
0x12: {  	[sflag:s15] =	ssyncset.done $0x0  }
0x13: {  	s0 =	simm.s32 $0x200;
	[sflag:s15] =	ssyncadd.s32 $0xFFFFFF80  }
0x14: {  	[tilespmem:s0], [sflag:$0x8] =	stream.linear.gather [hbm4b:s6+s4], $0x80, $0x38;
	[tilespmem:$0x1C600] =	vst v63  }
0x15: {  	_ =	swait.ge [sflag:s15], $0x80  }
0x16: {  	[sflag:s15] =	ssyncset.done $0x0  }
0x17: {  	s17 =	simm.s32 $0x80;
	[sflag:s15] =	ssyncadd.s32 $0xFFFFFF80  }
0x18: {  	[tilespmem:s17], [sflag:$0x8] =	stream.linear.gather [hbm4b:s7+s4], $0x80, $0x38;
	[tilespmem:$0x1C600] =	vst v63  }
0x19: {  	_ =	swait.ge [sflag:s15], $0x80  }
0x1a: {  	[sflag:s15] =	ssyncset.done $0x0  }
0x1b: {  	s18 =	simm.s32 $0x280;
	[sflag:s15] =	ssyncadd.s32 $0xFFFFFF80  }
0x1c: {  	[tilespmem:s18], [sflag:$0x8] =	stream.linear.gather [hbm4b:s8+s4], $0x80, $0x38;
	[tilespmem:$0x1C600] =	vst v63  }
0x1d: {  	_ =	swait.ge [sflag:s15], $0x80  }
0x1e: {  	[sflag:s15] =	ssyncset.done $0x0  }
0x1f: {  	s19 =	simm.s32 $0x100;
	[sflag:s15] =	ssyncadd.s32 $0xFFFFFF80  }
0x20: {  	[tilespmem:s19], [sflag:$0x8] =	stream.linear.gather [hbm4b:s9+s4], $0x80, $0x38;
	[tilespmem:$0x1C600] =	vst v63  }
0x21: {  	_ =	swait.ge [sflag:s15], $0x80  }
0x22: {  	[sflag:s15] =	ssyncset.done $0x0  }
0x23: {  	s20 =	simm.s32 $0x300;
	[sflag:s15] =	ssyncadd.s32 $0xFFFFFF80  }
0x24: {  	[tilespmem:s20], [sflag:$0x8] =	stream.linear.gather [hbm4b:s10+s4], $0x80, $0x38;
	[tilespmem:$0x1C600] =	vst v63  }
0x25: {  	_ =	swait.ge [sflag:s15], $0x80  }
0x26: {  	[sflag:s15] =	ssyncset.done $0x0  }
0x27: {  	s29 =	simm.s32 $0x180;
	[sflag:s15] =	ssyncadd.s32 $0xFFFFFF80  }
0x28: {  	[tilespmem:s29], [sflag:$0x8] =	stream.linear.gather [hbm4b:s11+s4], $0x80, $0x38;
	[tilespmem:$0x1C600] =	vst v63  }
0x29: {  	_ =	swait.ge [sflag:s15], $0x80  }
0x2a: {  	[sflag:s15] =	ssyncset.done $0x0  }
0x2b: {  	s30 =	simm.s32 $0x380;
	[sflag:s15] =	ssyncadd.s32 $0xFFFFFF80  }
0x2c: {  	[tilespmem:s30], [sflag:$0x8] =	stream.linear.gather [hbm4b:s12+s4], $0x80, $0x38;
	[tilespmem:$0x1C600] =	vst v63  }
0x2d: {  	_ =	swait.ge [sflag:s15], $0x80  }
0x2e: {  	[sflag:s15] =	ssyncset.done $0x0  }
0x2f: {  	s0 =	simm.s32 $0x0;
	[sflag:s15] =	ssyncadd.s32 $0xFFFFFF80  }
0x30: {  	v7 =	vld [tilespmem:s0+$0x0]  }
0x31: {  	v8 =	vld [tilespmem:s0+$0x200];
	_ =	sdelay $0x3  }
0x32: {  	(v2sf) =	vpush v7, $0x0  }
0x33: {  	(v2sf) =	vpush v8, $0x0;
	_ =	sdelay $0x1  }
0x34: {  	(v2sf) =	vpush v7, $0x1  }
0x35: {  	(v2sf) =	vpush v8, $0x1  }
0x36: {  	(v2sf) =	vpush v7, $0x2  }
0x37: {  	(v2sf) =	vpush v8, $0x2  }
0x38: {  	(v2sf) =	vpush v7, $0x3  }
0x39: {  	(v2sf) =	vpush v8, $0x3  }
0x3a: {  	(v2sf) =	vpush v7, $0x4  }
0x3b: {  	(v2sf) =	vpush v8, $0x4  }
0x3c: {  	(v2sf) =	vpush v7, $0x5  }
0x3d: {  	(v2sf) =	vpush v8, $0x5  }
0x3e: {  	(v2sf) =	vpush v7, $0x6  }
0x3f: {  	(v2sf) =	vpush v8, $0x6  }
0x40: {  	(v2sf) =	vpush v7, $0x7;
	s3 =	spop (v2sf)  }
0x41: {  	(v2sf) =	vpush v8, $0x7;
	[smem:s0] =	sst s3;
	s31 =	spop (v2sf)  }
0x42: {  	(v2sf) =	vpush v7, $0x8;
	[smem:$0x200] =	sst s31  }
0x43: {  	s3 =	spop (v2sf)  }
0x44: {  	(v2sf) =	vpush v8, $0x8;
	[smem:$0x1] =	sst s3  }
0x45: {  	s3 =	spop (v2sf)  }
0x46: {  	(v2sf) =	vpush v7, $0x9;
	[smem:$0x201] =	sst s3  }
0x47: {  	s3 =	spop (v2sf)  }
0x48: {  	(v2sf) =	vpush v8, $0x9;
	[smem:$0x2] =	sst s3  }
0x49: {  	s3 =	spop (v2sf)  }
0x4a: {  	(v2sf) =	vpush v7, $0xA;
	[smem:$0x202] =	sst s3  }
0x4b: {  	s3 =	spop (v2sf)  }
0x4c: {  	(v2sf) =	vpush v8, $0xA;
	[smem:$0x3] =	sst s3  }
0x4d: {  	s3 =	spop (v2sf)  }
0x4e: {  	(v2sf) =	vpush v7, $0xB;
	[smem:$0x203] =	sst s3  }
0x4f: {  	s3 =	spop (v2sf)  }
0x50: {  	(v2sf) =	vpush v8, $0xB;
	[smem:$0x4] =	sst s3  }
0x51: {  	s3 =	spop (v2sf)  }
0x52: {  	(v2sf) =	vpush v7, $0xC;
	[smem:$0x204] =	sst s3  }
0x53: {  	s3 =	spop (v2sf)  }
0x54: {  	(v2sf) =	vpush v8, $0xC;
	[smem:$0x5] =	sst s3  }
0x55: {  	s16 =	spop (v2sf)  }
0x56: {  	(v2sf) =	vpush v7, $0xD;
	[smem:$0x205] =	sst s16  }
0x57: {  	s3 =	simm.s32 $0x10;
	s16 =	spop (v2sf)  }
0x58: {  	(v2sf) =	vpush v8, $0xD;
	v5 =	vld [tilespmem:s3+$0x0];
	[smem:$0x6] =	sst s16  }
0x59: {  	s16 =	spop (v2sf)  }
0x5a: {  	(v2sf) =	vpush v7, $0xE;
	v6 =	vld [tilespmem:s3+$0x200];
	[smem:$0x206] =	sst s16  }
0x5b: {  	s16 =	spop (v2sf)  }
0x5c: {  	(v2sf) =	vpush v8, $0xE;
	[smem:$0x7] =	sst s16  }
0x5d: {  	s16 =	spop (v2sf)  }
0x5e: {  	(v2sf) =	vpush v7, $0xF;
	[smem:$0x207] =	sst s16  }
0x5f: {  	s16 =	spop (v2sf)  }
0x60: {  	(v2sf) =	vpush v8, $0xF;
	[smem:$0x8] =	sst s16  }
0x61: {  	s16 =	spop (v2sf)  }
0x62: {  	(v2sf) =	vpush v5, $0x0;
	[smem:$0x208] =	sst s16  }
0x63: {  	s16 =	spop (v2sf)  }
0x64: {  	(v2sf) =	vpush v6, $0x0;
	[smem:$0x9] =	sst s16  }
0x65: {  	s16 =	spop (v2sf)  }
0x66: {  	(v2sf) =	vpush v5, $0x1;
	[smem:$0x209] =	sst s16  }
0x67: {  	s16 =	spop (v2sf)  }
0x68: {  	(v2sf) =	vpush v6, $0x1;
	[smem:$0xA] =	sst s16  }
0x69: {  	s16 =	spop (v2sf)  }
0x6a: {  	(v2sf) =	vpush v5, $0x2;
	[smem:$0x20A] =	sst s16  }
0x6b: {  	s16 =	spop (v2sf)  }
0x6c: {  	(v2sf) =	vpush v6, $0x2;
	[smem:$0xB] =	sst s16  }
0x6d: {  	s16 =	spop (v2sf)  }
0x6e: {  	(v2sf) =	vpush v5, $0x3;
	[smem:$0x20B] =	sst s16  }
0x6f: {  	s16 =	spop (v2sf)  }
0x70: {  	(v2sf) =	vpush v6, $0x3;
	[smem:$0xC] =	sst s16  }
0x71: {  	s16 =	spop (v2sf)  }
0x72: {  	(v2sf) =	vpush v5, $0x4;
	[smem:$0x20C] =	sst s16  }
0x73: {  	s16 =	spop (v2sf)  }
0x74: {  	(v2sf) =	vpush v6, $0x4;
	[smem:$0xD] =	sst s16  }
0x75: {  	s16 =	spop (v2sf)  }
0x76: {  	(v2sf) =	vpush v5, $0x5;
	[smem:$0x20D] =	sst s16  }
0x77: {  	s16 =	spop (v2sf)  }
0x78: {  	(v2sf) =	vpush v6, $0x5;
	[smem:$0xE] =	sst s16  }
0x79: {  	s16 =	spop (v2sf)  }
0x7a: {  	(v2sf) =	vpush v5, $0x6;
	[smem:$0x20E] =	sst s16  }
0x7b: {  	s16 =	spop (v2sf)  }
0x7c: {  	(v2sf) =	vpush v6, $0x6;
	[smem:$0xF] =	sst s16  }
0x7d: {  	s16 =	simm.s32 $0x80;
	s28 =	spop (v2sf)  }
.LBB2_2:
0x7e: {  	p0 =	sne.s32 s16, $0x7C0;
	[smem:s0+$0x20F] =	sst s28  }
0x7f: {  	(v2sf) =	vpush v5, $0x7;
	s28 =	smov.u32 s16;
	s16 =	sadd.s32 $0x40, s16;
	s0 =	smov.u32 s3  }
0x80: {  	s3 =	spop (v2sf);
	(v2sf) =	vpush v6, $0x7  }
0x81: {  	[smem:s0] =	sst s3;
	s3 =	spop (v2sf);
	(v2sf) =	vpush v5, $0x8  }
0x82: {  	[smem:s0+$0x200] =	sst s3;
	s3 =	spop (v2sf);
	(v2sf) =	vpush v6, $0x8  }
0x83: {  	[smem:s0+$0x1] =	sst s3;
	s3 =	spop (v2sf);
	(v2sf) =	vpush v5, $0x9  }
0x84: {  	[smem:s0+$0x201] =	sst s3;
	s3 =	spop (v2sf);
	(v2sf) =	vpush v6, $0x9  }
0x85: {  	[smem:s0+$0x2] =	sst s3;
	s3 =	spop (v2sf);
	(v2sf) =	vpush v5, $0xA  }
0x86: {  	[smem:s0+$0x202] =	sst s3;
	s3 =	spop (v2sf);
	(v2sf) =	vpush v6, $0xA  }
0x87: {  	[smem:s0+$0x3] =	sst s3;
	s3 =	spop (v2sf);
	(v2sf) =	vpush v5, $0xB  }
0x88: {  	[smem:s0+$0x203] =	sst s3;
	s3 =	spop (v2sf);
	(v2sf) =	vpush v6, $0xB  }
0x89: {  	[smem:s0+$0x4] =	sst s3;
	s3 =	spop (v2sf);
	(v2sf) =	vpush v5, $0xC  }
0x8a: {  	[smem:s0+$0x204] =	sst s3;
	s3 =	spop (v2sf);
	(v2sf) =	vpush v6, $0xC  }
0x8b: {  	[smem:s0+$0x5] =	sst s3;
	s29 =	spop (v2sf);
	(v2sf) =	vpush v5, $0xD  }
0x8c: {  	s3 =	sshra.s32 s28, $0x2;
	[smem:s0+$0x205] =	sst s29;
	s28 =	spop (v2sf);
	(v2sf) =	vpush v6, $0xD  }
0x8d: {  	v7 =	vld [tilespmem:s3+$0x0];
	[smem:s0+$0x6] =	sst s28;
	s28 =	spop (v2sf);
	(v2sf) =	vpush v5, $0xE  }
0x8e: {  	v8 =	vld [tilespmem:s3+$0x200];
	[smem:s0+$0x206] =	sst s28;
	s28 =	spop (v2sf);
	(v2sf) =	vpush v6, $0xE  }
0x8f: {  	[smem:s0+$0x7] =	sst s28;
	s28 =	spop (v2sf);
	(v2sf) =	vpush v5, $0xF  }
0x90: {  	[smem:s0+$0x207] =	sst s28;
	s28 =	spop (v2sf);
	(v2sf) =	vpush v6, $0xF  }
0x91: {  	[smem:s0+$0x8] =	sst s28;
	s28 =	spop (v2sf)  }
0x92: {  	(v2sf) =	vpush v7, $0x0;
	[smem:s0+$0x208] =	sst s28;
	s28 =	spop (v2sf);
	v5 =	vmov v7  }
0x93: {  	(v2sf) =	vpush v8, $0x0;
	[smem:s0+$0x9] =	sst s28;
	s28 =	spop (v2sf);
	v6 =	vmov v8  }
0x94: {  	(v2sf) =	vpush v5, $0x1;
	[smem:s0+$0x209] =	sst s28;
	s28 =	spop (v2sf)  }
0x95: {  	(v2sf) =	vpush v6, $0x1;
	[smem:s0+$0xA] =	sst s28;
	s28 =	spop (v2sf)  }
0x96: {  	(v2sf) =	vpush v5, $0x2;
	[smem:s0+$0x20A] =	sst s28;
	s28 =	spop (v2sf)  }
0x97: {  	(v2sf) =	vpush v6, $0x2;
	[smem:s0+$0xB] =	sst s28;
	s28 =	spop (v2sf)  }
0x98: {  	(v2sf) =	vpush v5, $0x3;
	[smem:s0+$0x20B] =	sst s28;
	s28 =	spop (v2sf)  }
0x99: {  	(v2sf) =	vpush v6, $0x3;
	[smem:s0+$0xC] =	sst s28;
	s28 =	spop (v2sf)  }
0x9a: {  	(v2sf) =	vpush v5, $0x4;
	[smem:s0+$0x20C] =	sst s28;
	s28 =	spop (v2sf)  }
0x9b: {  	[smem:s0+$0xD] =	sst s28  }
.Ltmp0:
0x9c: {  	(v2sf) =	vpush v6, $0x4;
	s28 =	spop (v2sf);
	(pc) =	sbr.rel @p0 .LBB2_2-.Ltmp0, $4  }
0x9d: {  	(v2sf) =	vpush v5, $0x5;
	[smem:s0+$0x20D] =	sst s28;
	s28 =	spop (v2sf)  }
0x9e: {  	(v2sf) =	vpush v6, $0x5;
	[smem:s0+$0xE] =	sst s28;
	s28 =	spop (v2sf)  }
0x9f: {  	(v2sf) =	vpush v5, $0x6;
	[smem:s0+$0x20E] =	sst s28;
	s28 =	spop (v2sf)  }
0xa0: {  	(v2sf) =	vpush v6, $0x6;
	[smem:s0+$0xF] =	sst s28;
	s28 =	spop (v2sf)  }
0xa1: {  	(v2sf) =	vpush v5, $0x7  }
0xa2: {  	[smem:s0+$0x20F] =	sst s28;
	s20 =	spop (v2sf);
	(v2sf) =	vpush v6, $0x7  }
0xa3: {  	[smem:s3] =	sst s20;
	s31 =	spop (v2sf);
	(v2sf) =	vpush v5, $0x8  }
0xa4: {  	[smem:s3+$0x200] =	sst s31;
	s16 =	spop (v2sf);
	(v2sf) =	vpush v6, $0x8  }
0xa5: {  	[smem:s3+$0x1] =	sst s16;
	s17 =	spop (v2sf);
	(v2sf) =	vpush v5, $0x9  }
0xa6: {  	[smem:s3+$0x201] =	sst s17;
	s18 =	spop (v2sf);
	(v2sf) =	vpush v6, $0x9  }
0xa7: {  	[smem:s3+$0x2] =	sst s18;
	s19 =	spop (v2sf);
	(v2sf) =	vpush v5, $0xA  }
0xa8: {  	[smem:s3+$0x202] =	sst s19;
	s20 =	spop (v2sf);
	(v2sf) =	vpush v6, $0xA  }
0xa9: {  	[smem:s3+$0x3] =	sst s20;
	s31 =	spop (v2sf);
	(v2sf) =	vpush v5, $0xB  }
0xaa: {  	[smem:s3+$0x203] =	sst s31;
	s16 =	spop (v2sf);
	(v2sf) =	vpush v6, $0xB  }
0xab: {  	[smem:s3+$0x4] =	sst s16;
	s17 =	spop (v2sf);
	(v2sf) =	vpush v5, $0xC  }
0xac: {  	[smem:s3+$0x204] =	sst s17;
	s18 =	spop (v2sf);
	(v2sf) =	vpush v6, $0xC  }
0xad: {  	[smem:s3+$0x5] =	sst s18;
	s19 =	spop (v2sf);
	(v2sf) =	vpush v5, $0xD  }
0xae: {  	[smem:s3+$0x205] =	sst s19;
	s20 =	spop (v2sf);
	(v2sf) =	vpush v6, $0xD  }
0xaf: {  	[smem:s3+$0x6] =	sst s20;
	s31 =	spop (v2sf);
	(v2sf) =	vpush v5, $0xE  }
0xb0: {  	[smem:s3+$0x206] =	sst s31;
	s16 =	spop (v2sf);
	(v2sf) =	vpush v6, $0xE  }
0xb1: {  	[smem:s3+$0x7] =	sst s16;
	s17 =	spop (v2sf);
	(v2sf) =	vpush v5, $0xF  }
0xb2: {  	[smem:s3+$0x207] =	sst s17;
	s18 =	spop (v2sf);
	(v2sf) =	vpush v6, $0xF  }
0xb3: {  	[smem:s3+$0x8] =	sst s18;
	s19 =	spop (v2sf)  }
0xb4: {  	[smem:s3+$0x208] =	sst s19;
	s20 =	spop (v2sf)  }
0xb5: {  	[smem:s3+$0x9] =	sst s20;
	s31 =	spop (v2sf)  }
0xb6: {  	[smem:s3+$0x209] =	sst s31;
	s16 =	spop (v2sf)  }
0xb7: {  	[smem:s3+$0xA] =	sst s16;
	s17 =	spop (v2sf)  }
0xb8: {  	[smem:s3+$0x20A] =	sst s17;
	s18 =	spop (v2sf)  }
0xb9: {  	[smem:s3+$0xB] =	sst s18;
	s19 =	spop (v2sf)  }
0xba: {  	[smem:s3+$0x20B] =	sst s19;
	s20 =	spop (v2sf)  }
0xbb: {  	[smem:s3+$0xC] =	sst s20;
	s31 =	spop (v2sf)  }
0xbc: {  	[smem:s3+$0x20C] =	sst s31;
	s16 =	spop (v2sf)  }
0xbd: {  	[smem:s3+$0xD] =	sst s16;
	s17 =	spop (v2sf)  }
0xbe: {  	[smem:s3+$0x20D] =	sst s17;
	s18 =	spop (v2sf)  }
0xbf: {  	[smem:s3+$0xE] =	sst s18;
	s19 =	spop (v2sf)  }
0xc0: {  	[smem:s3+$0x20E] =	sst s19;
	s20 =	spop (v2sf)  }
0xc1: {  	[smem:s3+$0xF] =	sst s20;
	s31 =	spop (v2sf)  }
0xc2: {  	[smem:s3+$0x20F] =	sst s31  }
0xc3: {  	s0 =	sld [smem:$0x0]  }
0xc4: {  	s3 =	sld [smem:$0x200]  }
0xc5: {  	s16 =	sld [smem:$0x1]  }
0xc6: {  	s28 =	simm.s32 $0x0;
	s18 =	sld [smem:$0x201];
	s0 =	sand.u32 $0xFFFFF80, s0  }
0xc7: {  	s20 =	sld [smem:$0x2];
	s3 =	sand.u32 $0xFFFFF80, s3;
	s0 =	sadd.s32 s1, s0  }
0xc8: {  	[tilespmem:s24], [sflag:$0x1] =	stream.strided.gather [hbm4b:s0+s24], $0x2000, s23, s24, $0x38;
	[tilespmem:$0x1C600] =	vst v63  }
0xc9: {  	s17 =	sand.u32 $0xFFFFF80, s16;
	s16 =	simm.s32 $0x4400;
	s0 =	sadd.s32 s2, s3  }
0xca: {  	[tilespmem:s25], [sflag:$0x1] =	stream.strided.gather [hbm4b:s0+s24], $0x2000, s23, s24, $0x38;
	[tilespmem:$0x1C600] =	vst v63  }
0xcb: {  	s19 =	sand.u32 $0xFFFFF80, s18;
	s0 =	sadd.s32 s1, s17;
	s17 =	sld [smem:$0x202]  }
0xcc: {  	[tilespmem:s16], [sflag:$0x2] =	stream.strided.gather [hbm4b:s0+s24], $0x2000, s23, s24, $0x38;
	[tilespmem:$0x1C600] =	vst v63  }
0xcd: {  	s31 =	simm.s32 $0x6400;
	s18 =	simm.s32 $0x8400;
	s0 =	sadd.s32 s2, s19  }
0xce: {  	s16 =	sand.u32 $0xFFFFF80, s20;
	s20 =	sld [smem:$0x3];
	s19 =	sand.u32 $0xFFFFF80, s17  }
0xcf: {  	[tilespmem:s31], [sflag:$0x2] =	stream.strided.gather [hbm4b:s0+s24], $0x2000, s23, s24, $0x38;
	[tilespmem:$0x1C600] =	vst v63  }
0xd0: {  	s17 =	sld [smem:$0x203];
	s0 =	sadd.s32 s1, s16;
	s31 =	simm.s32 $0xA400  }
0xd1: {  	[tilespmem:s18], [sflag:$0x3] =	stream.strided.gather [hbm4b:s0+s24], $0x2000, s23, s24, $0x38;
	[tilespmem:$0x1C600] =	vst v63  }
0xd2: {  	s16 =	sand.u32 $0xFFFFF80, s20;
	s20 =	sld [smem:$0x4];
	s0 =	sadd.s32 s2, s19  }
0xd3: {  	s18 =	simm.s32 $0xC400;
	s19 =	sand.u32 $0xFFFFF80, s17;
	s17 =	sld [smem:$0x204]  }
0xd4: {  	[tilespmem:s31], [sflag:$0x3] =	stream.strided.gather [hbm4b:s0+s24], $0x2000, s23, s24, $0x38;
	[tilespmem:$0x1C600] =	vst v63  }
0xd5: {  	s0 =	sadd.s32 s1, s16;
	s31 =	simm.s32 $0xE400;
	s16 =	sand.u32 $0xFFFFF80, s20  }
0xd6: {  	[tilespmem:s18], [sflag:$0x4] =	stream.strided.gather [hbm4b:s0+s24], $0x2000, s23, s24, $0x38;
	[tilespmem:$0x1C600] =	vst v63  }
0xd7: {  	s20 =	sld [smem:$0x5];
	s0 =	sadd.s32 s2, s19;
	s18 =	simm.s32 $0x10400  }
0xd8: {  	[tilespmem:s31], [sflag:$0x4] =	stream.strided.gather [hbm4b:s0+s24], $0x2000, s23, s24, $0x38;
	[tilespmem:$0x1C600] =	vst v63  }
0xd9: {  	s19 =	sand.u32 $0xFFFFF80, s17;
	s17 =	sld [smem:$0x205];
	s0 =	sadd.s32 s1, s16  }
0xda: {  	[tilespmem:s18], [sflag:$0x5] =	stream.strided.gather [hbm4b:s0+s24], $0x2000, s23, s24, $0x38;
	[tilespmem:$0x1C600] =	vst v63  }
0xdb: {  	s31 =	simm.s32 $0x12400;
	s16 =	sand.u32 $0xFFFFF80, s20;
	s0 =	sadd.s32 s2, s19  }
0xdc: {  	[tilespmem:s31], [sflag:$0x5] =	stream.strided.gather [hbm4b:s0+s24], $0x2000, s23, s24, $0x38;
	[tilespmem:$0x1C600] =	vst v63  }
0xdd: {  	s20 =	sld [smem:$0x6];
	s18 =	simm.s32 $0x14400;
	s0 =	sadd.s32 s1, s16  }
0xde: {  	[tilespmem:s18], [sflag:$0x6] =	stream.strided.gather [hbm4b:s0+s24], $0x2000, s23, s24, $0x38;
	[tilespmem:$0x1C600] =	vst v63  }
0xdf: {  	s29 =	simm.s32 $0x6;
	s19 =	sand.u32 $0xFFFFF80, s17;
	s18 =	sld [smem:$0x206]  }
0xe0: {  	s17 =	sand.u32 $0xFFFFF80, s20;
	s31 =	simm.s32 $0x16400;
	s0 =	sadd.s32 s2, s19  }
0xe1: {  	[tilespmem:s31], [sflag:$0x6] =	stream.strided.gather [hbm4b:s0+s24], $0x2000, s23, s24, $0x38;
	[tilespmem:$0x1C600] =	vst v63  }
0xe2: {  	s19 =	simm.s32 $0x18400;
	s0 =	sadd.s32 s1, s17;
	s20 =	sand.u32 $0xFFFFF80, s18  }
0xe3: {  	[tilespmem:s19], [sflag:$0x7] =	stream.strided.gather [hbm4b:s0+s24], $0x2000, s23, s24, $0x38;
	[tilespmem:$0x1C600] =	vst v63  }
0xe4: {  	s30 =	simm.s32 $0x0;
	s31 =	simm.s32 $0x1A400;
	s0 =	sadd.s32 s2, s20  }
0xe5: {  	v5 =	vimm.f32 $0.0e+00;
	[tilespmem:s31], [sflag:$0x7] =	stream.strided.gather [hbm4b:s0+s24], $0x2000, s23, s24, $0x38;
	[tilespmem:$0x1C600] =	vst v63  }
.LBB2_4:
0xe6: {  	_ =	swait.ge [sflag:s21], $0x2000  }
0xe7: {  	[sflag:s21] =	ssyncset.done $0x0  }
0xe8: {  	[sflag:s21] =	ssyncadd.s32 $0xFFFFE000  }
0xe9: {  	_ =	swait.ge [sflag:s21], $0x2000  }
0xea: {  	[sflag:s21] =	ssyncset.done $0x0  }
0xeb: {  	s0 =	sshra.s32 s28, $0x2;
	[sflag:s21] =	ssyncadd.s32 $0xFFFFE000  }
0xec: {  	s3 =	sld [smem:s0+$0x0]  }
0xed: {  	s0 =	sld [smem:s0+$0x200];
	_ =	sdelay $0x1  }
0xee: {  	s3 =	sand.u32 $0x7F, s3  }
0xef: {  	s0 =	sand.u32 $0x7F, s0;
	v6 =	vor.u32 s3, v1  }
0xf0: {  	v7 =	vor.u32 s0, v1  }
0xf1: {  	v8 =	vor.u32 s3, v2  }
0xf2: {  	v9 =	vor.u32 s0, v2  }
0xf3: {  	v10 =	vor.u32 s3, v3  }
0xf4: {  	v11 =	vor.u32 s0, v3;
	v6 =	vld.idx.msk [tilespmem:v6+s24+$0x0], $0xffff  }
0xf5: {  	v13 =	vor.u32 s0, v4;
	v7 =	vld.idx.msk [tilespmem:v7+s25+$0x0], $0xffff  }
0xf6: {  	v12 =	vor.u32 s3, v4;
	v8 =	vld.idx.msk [tilespmem:v8+s24+$0x0], $0xffff  }
0xf7: {  	v9 =	vld.idx.msk [tilespmem:v9+s25+$0x0], $0xffff  }
0xf8: {  	v10 =	vld.idx.msk [tilespmem:v10+s24+$0x0], $0xffff  }
0xf9: {  	v11 =	vld.idx.msk [tilespmem:v11+s25+$0x0], $0xffff  }
0xfa: {  	v62 =	vld.idx.msk [tilespmem:v13+s25+$0x0], $0xffff;
	v6 =	vmul.f32 v7, v6  }
0xfb: {  	v7 =	vld.idx.msk [tilespmem:v12+s24+$0x0], $0xffff  }
0xfc: {  	v8 =	vmul.f32 v9, v8;
	v6 =	vadd.f32 $0.0e+00, v6;
	_ =	sdelay $0x1  }
0xfd: {  	v63 =	vmul.f32 v11, v10;
	v6 =	vadd.f32 v8, v6;
	_ =	sdelay $0x1  }
0xfe: {  	v7 =	vmul.f32 v62, v7;
	v6 =	vadd.f32 v63, v6;
	_ =	sdelay $0x1  }
0xff: {  	v6 =	vadd.f32 v7, v6;
	_ =	sdelay $0x1  }
0x100: {  	(xrf2) =	vadd.scan.msk.f32 $0xffff, v6;
	_ =	sdelay $0x8  }
0x101: {  	s31 =	sadd.s32 $0xFFFFFFFA, s29  }
0x102: {  	s0 =	sand.u32 $0xF, s31;
	v6, _, _ =	vpop (xrf2)  }
0x103: {  	v7 =	vmov s0;
	v6 =	vbroadcast v6, $0xF  }
0x104: {  	vm0 =	veq.s32 v7, v0  }
0x105: {  	p1 =	sne.s32 s0, $0xF;
	v10 =	vsel vm0, v6, v5  }
0x106: {  	v5 =	vsub.f32 @!p1 $0.0e+00, v10;
	_ =	sdelay $0x1  }
0x107: {  	v5 =	vmul.f32 @!p1 $1.442695020e+00, v5;
	_ =	sdelay $0x1  }
0x108: {  	(erf) = vpow2.f32 @!p1 v5;
	_ =	sdelay $0x8  }
0x109: {  	p0 =	seq.s32 s28, $0x7FC;
	v5 =	vpop @!p1 (erf)  }
0x10a: {  	s31 =	sshra.s32 @!p0 s28, $0x2;
	v5 =	vadd.f32 @!p1 $1.000000000e+00, v5  }
0x10b: {  	s0 =	sld @!p0 [smem:s31+$0x7]  }
0x10c: {  	(erf) = vrcp.f32 @!p1 v5;
	_ =	sdelay $0x1  }
0x10d: {  	s3 =	sld @!p0 [smem:s31+$0x207];
	s0 =	sand.u32 @!p0 $0xFFFFF80, s0  }
0x10e: {  	s16 =	simm.s32 @!p0 $0x7A1400;
	s17 =	simm.s32 @!p0 $0x400;
	s0 =	sadd.s32 @!p0 s1, s0  }
0x10f: {  	[tilespmem:s17], [sflag:$0x1] =	stream.strided.gather @!p0 [hbm4b:s0+s17], $0x2000, s16, s17, $0x38;
	[tilespmem:$0x1C600] =	vst v63  }
0x110: {  	s0 =	sand.u32 @!p0 $0xFFFFF80, s3  }
0x111: {  	s3 =	simm.s32 @!p0 $0x2400;
	s0 =	sadd.s32 @!p0 s2, s0  }
0x112: {  	[tilespmem:s3], [sflag:$0x1] =	stream.strided.gather @!p0 [hbm4b:s0+s17], $0x2000, s16, s17, $0x38;
	[tilespmem:$0x1C600] =	vst v63  }
0x113: {  	s0 =	sand.u32 @!p1 $0xFC0, s28  }
0x114: {  	s0 =	sshrl.u32 @!p1 s0, $0x2;
	v5 =	vpop @!p1 (erf)  }
0x115: {  	[tilespmem:s0+$0x1C400] =	vst @!p1 v5;
	s0 =	simm.s32 @!p0 $0x2  }
0x116: {  	_ =	swait.ge @!p0 [sflag:s0], $0x2000  }
0x117: {  	[sflag:s0] =	ssyncset.done @!p0 $0x0  }
0x118: {  	[sflag:s0] =	ssyncadd.s32 @!p0 $0xFFFFE000  }
0x119: {  	_ =	swait.ge @!p0 [sflag:s0], $0x2000  }
0x11a: {  	[sflag:s0] =	ssyncset.done @!p0 $0x0  }
0x11b: {  	[sflag:s0] =	ssyncadd.s32 @!p0 $0xFFFFE000  }
0x11c: {  	s0 =	sld @!p0 [smem:s31+$0x1]  }
0x11d: {  	v5 =	vlaneseq.u32 @!p0;
	s3 =	sld @!p0 [smem:s31+$0x201]  }
0x11e: {  	v6 =	vmul.u32 @!p0 $0x80, v5  }
0x11f: {  	s0 =	sand.u32 @!p0 $0x7F, s0  }
0x120: {  	s3 =	sand.u32 @!p0 $0x7F, s3;
	v9 =	vor.u32 @!p0 s0, v6  }
0x121: {  	v8 =	vor.u32 @!p0 $0x800, v6;
	v11 =	vor.u32 @!p0 s3, v6  }
0x122: {  	v12 =	vor.u32 @!p0 s0, v8  }
0x123: {  	v7 =	vor.u32 @!p0 $0x1000, v6;
	v13 =	vor.u32 @!p0 s3, v8  }
0x124: {  	s16 =	simm.s32 @!p0 $0x4400;
	v14 =	vor.u32 @!p0 s0, v7  }
0x125: {  	s17 =	simm.s32 @!p0 $0x6400;
	v16 =	vor.u32 @!p0 s3, v7;
	v15 =	vld.idx.msk @!p0 [tilespmem:v9+s16+$0x0], $0xffff;
	v9 =	vor.u32 @!p0 $0x1800, v6  }
0x126: {  	v11 =	vld.idx.msk @!p0 [tilespmem:v11+s17+$0x0], $0xffff;
	v17 =	vor.u32 @!p0 s0, v9  }
0x127: {  	v12 =	vld.idx.msk @!p0 [tilespmem:v12+s16+$0x0], $0xffff;
	v18 =	vor.u32 @!p0 s3, v9  }
0x128: {  	v13 =	vld.idx.msk @!p0 [tilespmem:v13+s17+$0x0], $0xffff  }
0x129: {  	v14 =	vld.idx.msk @!p0 [tilespmem:v14+s16+$0x0], $0xffff  }
0x12a: {  	v16 =	vld.idx.msk @!p0 [tilespmem:v16+s17+$0x0], $0xffff  }
0x12b: {  	v11 =	vmul.f32 @!p0 v11, v15;
	v15 =	vld.idx.msk @!p0 [tilespmem:v17+s16+$0x0], $0xffff  }
0x12c: {  	v17 =	vld.idx.msk @!p0 [tilespmem:v18+s17+$0x0], $0xffff  }
0x12d: {  	v12 =	vmul.f32 @!p0 v13, v12;
	v11 =	vadd.f32 @!p0 $0.0e+00, v11;
	_ =	sdelay $0x1  }
0x12e: {  	v11 =	vadd.f32 @!p0 v12, v11;
	v12 =	vmul.f32 @!p0 v16, v14;
	_ =	sdelay $0x1  }
0x12f: {  	v11 =	vadd.f32 @!p0 v12, v11;
	v12 =	vmul.f32 @!p0 v17, v15;
	_ =	sdelay $0x1  }
0x130: {  	v11 =	vadd.f32 @!p0 v12, v11;
	_ =	sdelay $0x1  }
0x131: {  	(xrf2) =	vadd.scan.msk.f32 @!p0 $0xffff, v11;
	_ =	sdelay $0x8  }
0x132: {  	s0 =	sadd.s32 $0xFFFFFFFB, s29  }
0x133: {  	s0 =	sand.u32 @!p0 $0xF, s0;
	v11, _, _ =	vpop @!p0 (xrf2)  }
0x134: {  	v12 =	vmov @!p0 s0;
	v11 =	vbroadcast @!p0 v11, $0xF  }
0x135: {  	v10 =	vpsel !p1, $0x0, v10;
	p2 =	sne.s32 @!p0 s0, $0xF;
	vm0 =	veq.s32 @!p0 v12, v5  }
0x136: {  	p3 =	por p2, p0;
	v10 =	vsel @!p0 vm0, v11, v10  }
0x137: {  	v11 =	vsub.f32 @!p3 $0.0e+00, v10;
	_ =	sdelay $0x1  }
0x138: {  	v11 =	vmul.f32 @!p3 $1.442695020e+00, v11;
	_ =	sdelay $0x1  }
0x139: {  	(erf) = vpow2.f32 @!p3 v11;
	_ =	sdelay $0x7  }
0x13a: {  	p1 =	sgt.u32 @!p0 s30, $0x47  }
0x13b: {  	p1 =	por p1, p0;
	v11 =	vpop @!p3 (erf)  }
0x13c: {  	s0 =	sshra.s32 @!p1 s28, $0x2;
	v11 =	vadd.f32 @!p3 $1.000000000e+00, v11  }
0x13d: {  	s3 =	sld @!p1 [smem:s0+$0x8]  }
0x13e: {  	s17 =	sld @!p1 [smem:s0+$0x208];
	(erf) = vrcp.f32 @!p3 v11  }
0x13f: {  	s19 =	simm.s32 @!p1 $0x4400  }
0x140: {  	s16 =	simm.s32 @!p1 $0x7A1400;
	s3 =	sand.u32 @!p1 $0xFFFFF80, s3  }
0x141: {  	s17 =	sand.u32 @!p1 $0xFFFFF80, s17;
	s18 =	sadd.s32 @!p1 s1, s3;
	s3 =	simm.s32 @!p1 $0x400  }
0x142: {  	[tilespmem:s19], [sflag:$0x2] =	stream.strided.gather @!p1 [hbm4b:s18+s3], $0x2000, s16, s3, $0x38;
	[tilespmem:$0x1C600] =	vst v63  }
0x143: {  	s17 =	sadd.s32 @!p1 s2, s17;
	s18 =	simm.s32 @!p1 $0x6400  }
0x144: {  	[tilespmem:s18], [sflag:$0x2] =	stream.strided.gather @!p1 [hbm4b:s17+s3], $0x2000, s16, s3, $0x38;
	[tilespmem:$0x1C600] =	vst v63  }
0x145: {  	s17 =	sadd.s32 @!p3 $0x4, s28  }
0x146: {  	s17 =	sand.u32 @!p3 $0x1FC0, s17  }
0x147: {  	s17 =	sshrl.u32 @!p3 s17, $0x2;
	v11 =	vpop @!p3 (erf)  }
0x148: {  	[tilespmem:s17+$0x1C400] =	vst @!p3 v11;
	s17 =	simm.s32 @!p0 $0x3  }
0x149: {  	_ =	swait.ge @!p0 [sflag:s17], $0x2000  }
0x14a: {  	[sflag:s17] =	ssyncset.done @!p0 $0x0  }
0x14b: {  	[sflag:s17] =	ssyncadd.s32 @!p0 $0xFFFFE000  }
0x14c: {  	_ =	swait.ge @!p0 [sflag:s17], $0x2000  }
0x14d: {  	[sflag:s17] =	ssyncset.done @!p0 $0x0  }
0x14e: {  	[sflag:s17] =	ssyncadd.s32 @!p0 $0xFFFFE000  }
0x14f: {  	s17 =	sld @!p0 [smem:s31+$0x2]  }
0x150: {  	s18 =	sld @!p0 [smem:s31+$0x202];
	_ =	sdelay $0x1  }
0x151: {  	s17 =	sand.u32 @!p0 $0x7F, s17  }
0x152: {  	s18 =	sand.u32 @!p0 $0x7F, s18;
	v11 =	vor.u32 @!p0 s17, v6  }
0x153: {  	v12 =	vor.u32 @!p0 s18, v6  }
0x154: {  	v13 =	vor.u32 @!p0 s17, v8  }
0x155: {  	v14 =	vor.u32 @!p0 s18, v8  }
0x156: {  	s19 =	simm.s32 @!p0 $0x8400;
	v15 =	vor.u32 @!p0 s17, v7  }
0x157: {  	s20 =	simm.s32 @!p0 $0xA400;
	v16 =	vor.u32 @!p0 s18, v7;
	v11 =	vld.idx.msk @!p0 [tilespmem:v11+s19+$0x0], $0xffff  }
0x158: {  	v17 =	vor.u32 @!p0 s17, v9;
	v12 =	vld.idx.msk @!p0 [tilespmem:v12+s20+$0x0], $0xffff  }
0x159: {  	v18 =	vor.u32 @!p0 s18, v9;
	v13 =	vld.idx.msk @!p0 [tilespmem:v13+s19+$0x0], $0xffff  }
0x15a: {  	v14 =	vld.idx.msk @!p0 [tilespmem:v14+s20+$0x0], $0xffff  }
0x15b: {  	v15 =	vld.idx.msk @!p0 [tilespmem:v15+s19+$0x0], $0xffff  }
0x15c: {  	v16 =	vld.idx.msk @!p0 [tilespmem:v16+s20+$0x0], $0xffff  }
0x15d: {  	v11 =	vmul.f32 @!p0 v12, v11;
	v12 =	vld.idx.msk @!p0 [tilespmem:v17+s19+$0x0], $0xffff  }
0x15e: {  	v17 =	vld.idx.msk @!p0 [tilespmem:v18+s20+$0x0], $0xffff  }
0x15f: {  	v13 =	vmul.f32 @!p0 v14, v13;
	v11 =	vadd.f32 @!p0 $0.0e+00, v11;
	_ =	sdelay $0x1  }
0x160: {  	v11 =	vadd.f32 @!p0 v13, v11;
	v13 =	vmul.f32 @!p0 v16, v15;
	_ =	sdelay $0x1  }
0x161: {  	v12 =	vmul.f32 @!p0 v17, v12;
	v11 =	vadd.f32 @!p0 v13, v11;
	_ =	sdelay $0x1  }
0x162: {  	v11 =	vadd.f32 @!p0 v12, v11;
	_ =	sdelay $0x1  }
0x163: {  	(xrf2) =	vadd.scan.msk.f32 @!p0 $0xffff, v11;
	_ =	sdelay $0x8  }
0x164: {  	s17 =	sadd.s32 @!p0 $0xFFFFFFFC, s29  }
0x165: {  	s17 =	sand.u32 @!p0 $0xF, s17;
	v11, _, _ =	vpop @!p0 (xrf2)  }
0x166: {  	p2 =	por !p2, p0;
	v12 =	vmov @!p0 s17;
	v11 =	vbroadcast @!p0 v11, $0xF  }
0x167: {  	v10 =	vpsel p2, $0x0, v10;
	p2 =	sne.s32 @!p0 s17, $0xF;
	vm0 =	veq.s32 @!p0 v12, v5  }
0x168: {  	p3 =	por p2, p0;
	v10 =	vsel @!p0 vm0, v11, v10  }
0x169: {  	v11 =	vsub.f32 @!p3 $0.0e+00, v10;
	_ =	sdelay $0x1  }
0x16a: {  	v11 =	vmul.f32 @!p3 $1.442695020e+00, v11;
	_ =	sdelay $0x1  }
0x16b: {  	(erf) = vpow2.f32 @!p3 v11;
	_ =	sdelay $0x8  }
0x16c: {  	v11 =	vpop @!p3 (erf)  }
0x16d: {  	s17 =	sld @!p1 [smem:s0+$0x9];
	v11 =	vadd.f32 @!p3 $1.000000000e+00, v11;
	_ =	sdelay $0x1  }
0x16e: {  	(erf) = vrcp.f32 @!p3 v11  }
0x16f: {  	s18 =	sld @!p1 [smem:s0+$0x209];
	s17 =	sand.u32 @!p1 $0xFFFFF80, s17  }
0x170: {  	s19 =	simm.s32 @!p1 $0x8400;
	s17 =	sadd.s32 @!p1 s1, s17  }
0x171: {  	[tilespmem:s19], [sflag:$0x3] =	stream.strided.gather @!p1 [hbm4b:s17+s3], $0x2000, s16, s3, $0x38;
	[tilespmem:$0x1C600] =	vst v63  }
0x172: {  	s17 =	sand.u32 @!p1 $0xFFFFF80, s18  }
0x173: {  	s18 =	simm.s32 @!p1 $0xA400;
	s17 =	sadd.s32 @!p1 s2, s17  }
0x174: {  	[tilespmem:s18], [sflag:$0x3] =	stream.strided.gather @!p1 [hbm4b:s17+s3], $0x2000, s16, s3, $0x38;
	[tilespmem:$0x1C600] =	vst v63  }
0x175: {  	s17 =	sadd.s32 @!p3 $0x8, s28  }
0x176: {  	s17 =	sand.u32 @!p3 $0x1FC0, s17  }
0x177: {  	s17 =	sshrl.u32 @!p3 s17, $0x2;
	v11 =	vpop @!p3 (erf)  }
0x178: {  	[tilespmem:s17+$0x1C400] =	vst @!p3 v11;
	s17 =	simm.s32 @!p0 $0x4  }
0x179: {  	_ =	swait.ge @!p0 [sflag:s17], $0x2000  }
0x17a: {  	[sflag:s17] =	ssyncset.done @!p0 $0x0  }
0x17b: {  	[sflag:s17] =	ssyncadd.s32 @!p0 $0xFFFFE000  }
0x17c: {  	_ =	swait.ge @!p0 [sflag:s17], $0x2000  }
0x17d: {  	[sflag:s17] =	ssyncset.done @!p0 $0x0  }
0x17e: {  	[sflag:s17] =	ssyncadd.s32 @!p0 $0xFFFFE000  }
0x17f: {  	s17 =	sld @!p0 [smem:s31+$0x3]  }
0x180: {  	s18 =	sld @!p0 [smem:s31+$0x203];
	_ =	sdelay $0x1  }
0x181: {  	s17 =	sand.u32 @!p0 $0x7F, s17  }
0x182: {  	s18 =	sand.u32 @!p0 $0x7F, s18;
	v11 =	vor.u32 @!p0 s17, v6  }
0x183: {  	v12 =	vor.u32 @!p0 s18, v6  }
0x184: {  	v13 =	vor.u32 @!p0 s17, v8  }
0x185: {  	v14 =	vor.u32 @!p0 s18, v8  }
0x186: {  	s19 =	simm.s32 @!p0 $0xC400;
	v15 =	vor.u32 @!p0 s17, v7  }
0x187: {  	s20 =	simm.s32 @!p0 $0xE400;
	v16 =	vor.u32 @!p0 s18, v7;
	v11 =	vld.idx.msk @!p0 [tilespmem:v11+s19+$0x0], $0xffff  }
0x188: {  	v17 =	vor.u32 @!p0 s17, v9;
	v12 =	vld.idx.msk @!p0 [tilespmem:v12+s20+$0x0], $0xffff  }
0x189: {  	v18 =	vor.u32 @!p0 s18, v9;
	v13 =	vld.idx.msk @!p0 [tilespmem:v13+s19+$0x0], $0xffff  }
0x18a: {  	v14 =	vld.idx.msk @!p0 [tilespmem:v14+s20+$0x0], $0xffff  }
0x18b: {  	v15 =	vld.idx.msk @!p0 [tilespmem:v15+s19+$0x0], $0xffff  }
0x18c: {  	v16 =	vld.idx.msk @!p0 [tilespmem:v16+s20+$0x0], $0xffff  }
0x18d: {  	v11 =	vmul.f32 @!p0 v12, v11;
	v12 =	vld.idx.msk @!p0 [tilespmem:v17+s19+$0x0], $0xffff  }
0x18e: {  	v17 =	vld.idx.msk @!p0 [tilespmem:v18+s20+$0x0], $0xffff  }
0x18f: {  	v13 =	vmul.f32 @!p0 v14, v13;
	v11 =	vadd.f32 @!p0 $0.0e+00, v11;
	_ =	sdelay $0x1  }
0x190: {  	v11 =	vadd.f32 @!p0 v13, v11;
	v13 =	vmul.f32 @!p0 v16, v15;
	_ =	sdelay $0x1  }
0x191: {  	v12 =	vmul.f32 @!p0 v17, v12;
	v11 =	vadd.f32 @!p0 v13, v11;
	_ =	sdelay $0x1  }
0x192: {  	v11 =	vadd.f32 @!p0 v12, v11;
	_ =	sdelay $0x1  }
0x193: {  	(xrf2) =	vadd.scan.msk.f32 @!p0 $0xffff, v11;
	_ =	sdelay $0x8  }
0x194: {  	s17 =	sadd.s32 @!p0 $0xFFFFFFFD, s29  }
0x195: {  	s17 =	sand.u32 @!p0 $0xF, s17;
	v11, _, _ =	vpop @!p0 (xrf2)  }
0x196: {  	p2 =	por !p2, p0;
	v12 =	vmov @!p0 s17;
	v11 =	vbroadcast @!p0 v11, $0xF  }
0x197: {  	v10 =	vpsel p2, $0x0, v10;
	p2 =	sne.s32 @!p0 s17, $0xF;
	vm0 =	veq.s32 @!p0 v12, v5  }
0x198: {  	p3 =	por p2, p0;
	v10 =	vsel @!p0 vm0, v11, v10  }
0x199: {  	v11 =	vsub.f32 @!p3 $0.0e+00, v10;
	_ =	sdelay $0x1  }
0x19a: {  	v11 =	vmul.f32 @!p3 $1.442695020e+00, v11;
	_ =	sdelay $0x1  }
0x19b: {  	(erf) = vpow2.f32 @!p3 v11;
	_ =	sdelay $0x8  }
0x19c: {  	v11 =	vpop @!p3 (erf)  }
0x19d: {  	s17 =	sld @!p1 [smem:s0+$0xA];
	v11 =	vadd.f32 @!p3 $1.000000000e+00, v11;
	_ =	sdelay $0x1  }
0x19e: {  	(erf) = vrcp.f32 @!p3 v11  }
0x19f: {  	s18 =	sld @!p1 [smem:s0+$0x20A];
	s17 =	sand.u32 @!p1 $0xFFFFF80, s17  }
0x1a0: {  	s19 =	simm.s32 @!p1 $0xC400;
	s17 =	sadd.s32 @!p1 s1, s17  }
0x1a1: {  	[tilespmem:s19], [sflag:$0x4] =	stream.strided.gather @!p1 [hbm4b:s17+s3], $0x2000, s16, s3, $0x38;
	[tilespmem:$0x1C600] =	vst v63  }
0x1a2: {  	s17 =	sand.u32 @!p1 $0xFFFFF80, s18  }
0x1a3: {  	s18 =	simm.s32 @!p1 $0xE400;
	s17 =	sadd.s32 @!p1 s2, s17  }
0x1a4: {  	[tilespmem:s18], [sflag:$0x4] =	stream.strided.gather @!p1 [hbm4b:s17+s3], $0x2000, s16, s3, $0x38;
	[tilespmem:$0x1C600] =	vst v63  }
0x1a5: {  	s17 =	sadd.s32 @!p3 $0xC, s28  }
0x1a6: {  	s17 =	sand.u32 @!p3 $0x1FC0, s17  }
0x1a7: {  	s17 =	sshrl.u32 @!p3 s17, $0x2;
	v11 =	vpop @!p3 (erf)  }
0x1a8: {  	[tilespmem:s17+$0x1C400] =	vst @!p3 v11;
	s17 =	simm.s32 @!p0 $0x5  }
0x1a9: {  	_ =	swait.ge @!p0 [sflag:s17], $0x2000  }
0x1aa: {  	[sflag:s17] =	ssyncset.done @!p0 $0x0  }
0x1ab: {  	[sflag:s17] =	ssyncadd.s32 @!p0 $0xFFFFE000  }
0x1ac: {  	_ =	swait.ge @!p0 [sflag:s17], $0x2000  }
0x1ad: {  	[sflag:s17] =	ssyncset.done @!p0 $0x0  }
0x1ae: {  	[sflag:s17] =	ssyncadd.s32 @!p0 $0xFFFFE000  }
0x1af: {  	s17 =	sld @!p0 [smem:s31+$0x4]  }
0x1b0: {  	s18 =	sld @!p0 [smem:s31+$0x204];
	_ =	sdelay $0x1  }
0x1b1: {  	s17 =	sand.u32 @!p0 $0x7F, s17  }
0x1b2: {  	s18 =	sand.u32 @!p0 $0x7F, s18;
	v11 =	vor.u32 @!p0 s17, v6  }
0x1b3: {  	v12 =	vor.u32 @!p0 s18, v6  }
0x1b4: {  	v13 =	vor.u32 @!p0 s17, v8  }
0x1b5: {  	v14 =	vor.u32 @!p0 s18, v8  }
0x1b6: {  	s19 =	simm.s32 @!p0 $0x10400;
	v15 =	vor.u32 @!p0 s17, v7  }
0x1b7: {  	s20 =	simm.s32 @!p0 $0x12400;
	v16 =	vor.u32 @!p0 s18, v7;
	v11 =	vld.idx.msk @!p0 [tilespmem:v11+s19+$0x0], $0xffff  }
0x1b8: {  	v17 =	vor.u32 @!p0 s17, v9;
	v12 =	vld.idx.msk @!p0 [tilespmem:v12+s20+$0x0], $0xffff  }
0x1b9: {  	v18 =	vor.u32 @!p0 s18, v9;
	v13 =	vld.idx.msk @!p0 [tilespmem:v13+s19+$0x0], $0xffff  }
0x1ba: {  	v14 =	vld.idx.msk @!p0 [tilespmem:v14+s20+$0x0], $0xffff  }
0x1bb: {  	v15 =	vld.idx.msk @!p0 [tilespmem:v15+s19+$0x0], $0xffff  }
0x1bc: {  	v16 =	vld.idx.msk @!p0 [tilespmem:v16+s20+$0x0], $0xffff  }
0x1bd: {  	v11 =	vmul.f32 @!p0 v12, v11;
	v12 =	vld.idx.msk @!p0 [tilespmem:v17+s19+$0x0], $0xffff  }
0x1be: {  	v17 =	vld.idx.msk @!p0 [tilespmem:v18+s20+$0x0], $0xffff  }
0x1bf: {  	v13 =	vmul.f32 @!p0 v14, v13;
	v11 =	vadd.f32 @!p0 $0.0e+00, v11;
	_ =	sdelay $0x1  }
0x1c0: {  	v11 =	vadd.f32 @!p0 v13, v11;
	v13 =	vmul.f32 @!p0 v16, v15;
	_ =	sdelay $0x1  }
0x1c1: {  	v12 =	vmul.f32 @!p0 v17, v12;
	v11 =	vadd.f32 @!p0 v13, v11;
	_ =	sdelay $0x1  }
0x1c2: {  	v11 =	vadd.f32 @!p0 v12, v11;
	_ =	sdelay $0x1  }
0x1c3: {  	(xrf2) =	vadd.scan.msk.f32 @!p0 $0xffff, v11;
	_ =	sdelay $0x8  }
0x1c4: {  	s17 =	sadd.s32 @!p0 $0xFFFFFFFE, s29  }
0x1c5: {  	s17 =	sand.u32 @!p0 $0xF, s17;
	v11, _, _ =	vpop @!p0 (xrf2)  }
0x1c6: {  	p2 =	por !p2, p0;
	v12 =	vmov @!p0 s17;
	v11 =	vbroadcast @!p0 v11, $0xF  }
0x1c7: {  	v10 =	vpsel p2, $0x0, v10;
	p2 =	sne.s32 @!p0 s17, $0xF;
	vm0 =	veq.s32 @!p0 v12, v5  }
0x1c8: {  	p3 =	por p2, p0;
	v10 =	vsel @!p0 vm0, v11, v10  }
0x1c9: {  	v11 =	vsub.f32 @!p3 $0.0e+00, v10;
	_ =	sdelay $0x1  }
0x1ca: {  	v11 =	vmul.f32 @!p3 $1.442695020e+00, v11;
	_ =	sdelay $0x1  }
0x1cb: {  	(erf) = vpow2.f32 @!p3 v11;
	_ =	sdelay $0x8  }
0x1cc: {  	v11 =	vpop @!p3 (erf)  }
0x1cd: {  	s17 =	sld @!p1 [smem:s0+$0xB];
	v11 =	vadd.f32 @!p3 $1.000000000e+00, v11;
	_ =	sdelay $0x1  }
0x1ce: {  	(erf) = vrcp.f32 @!p3 v11  }
0x1cf: {  	s18 =	sld @!p1 [smem:s0+$0x20B];
	s17 =	sand.u32 @!p1 $0xFFFFF80, s17  }
0x1d0: {  	s19 =	simm.s32 @!p1 $0x10400;
	s17 =	sadd.s32 @!p1 s1, s17  }
0x1d1: {  	[tilespmem:s19], [sflag:$0x5] =	stream.strided.gather @!p1 [hbm4b:s17+s3], $0x2000, s16, s3, $0x38;
	[tilespmem:$0x1C600] =	vst v63  }
0x1d2: {  	s17 =	sand.u32 @!p1 $0xFFFFF80, s18  }
0x1d3: {  	s18 =	simm.s32 @!p1 $0x12400;
	s17 =	sadd.s32 @!p1 s2, s17  }
0x1d4: {  	[tilespmem:s18], [sflag:$0x5] =	stream.strided.gather @!p1 [hbm4b:s17+s3], $0x2000, s16, s3, $0x38;
	[tilespmem:$0x1C600] =	vst v63  }
0x1d5: {  	s17 =	sadd.s32 @!p3 $0x10, s28  }
0x1d6: {  	s17 =	sand.u32 @!p3 $0x1FC0, s17  }
0x1d7: {  	s17 =	sshrl.u32 @!p3 s17, $0x2;
	v11 =	vpop @!p3 (erf)  }
0x1d8: {  	[tilespmem:s17+$0x1C400] =	vst @!p3 v11;
	s17 =	simm.s32 @!p0 $0x6  }
0x1d9: {  	_ =	swait.ge @!p0 [sflag:s17], $0x2000  }
0x1da: {  	[sflag:s17] =	ssyncset.done @!p0 $0x0  }
0x1db: {  	[sflag:s17] =	ssyncadd.s32 @!p0 $0xFFFFE000  }
0x1dc: {  	_ =	swait.ge @!p0 [sflag:s17], $0x2000  }
0x1dd: {  	[sflag:s17] =	ssyncset.done @!p0 $0x0  }
0x1de: {  	[sflag:s17] =	ssyncadd.s32 @!p0 $0xFFFFE000  }
0x1df: {  	s17 =	sld @!p0 [smem:s31+$0x5]  }
0x1e0: {  	s18 =	sld @!p0 [smem:s31+$0x205];
	_ =	sdelay $0x1  }
0x1e1: {  	s17 =	sand.u32 @!p0 $0x7F, s17  }
0x1e2: {  	s18 =	sand.u32 @!p0 $0x7F, s18;
	v11 =	vor.u32 @!p0 s17, v6  }
0x1e3: {  	v12 =	vor.u32 @!p0 s18, v6  }
0x1e4: {  	v13 =	vor.u32 @!p0 s17, v8  }
0x1e5: {  	v14 =	vor.u32 @!p0 s18, v8  }
0x1e6: {  	s19 =	simm.s32 @!p0 $0x14400;
	v15 =	vor.u32 @!p0 s17, v7  }
0x1e7: {  	s20 =	simm.s32 @!p0 $0x16400;
	v16 =	vor.u32 @!p0 s18, v7;
	v11 =	vld.idx.msk @!p0 [tilespmem:v11+s19+$0x0], $0xffff  }
0x1e8: {  	v17 =	vor.u32 @!p0 s17, v9;
	v12 =	vld.idx.msk @!p0 [tilespmem:v12+s20+$0x0], $0xffff  }
0x1e9: {  	v18 =	vor.u32 @!p0 s18, v9;
	v13 =	vld.idx.msk @!p0 [tilespmem:v13+s19+$0x0], $0xffff  }
0x1ea: {  	v14 =	vld.idx.msk @!p0 [tilespmem:v14+s20+$0x0], $0xffff  }
0x1eb: {  	v15 =	vld.idx.msk @!p0 [tilespmem:v15+s19+$0x0], $0xffff  }
0x1ec: {  	v16 =	vld.idx.msk @!p0 [tilespmem:v16+s20+$0x0], $0xffff  }
0x1ed: {  	v11 =	vmul.f32 @!p0 v12, v11;
	v12 =	vld.idx.msk @!p0 [tilespmem:v17+s19+$0x0], $0xffff  }
0x1ee: {  	v17 =	vld.idx.msk @!p0 [tilespmem:v18+s20+$0x0], $0xffff  }
0x1ef: {  	v13 =	vmul.f32 @!p0 v14, v13;
	v11 =	vadd.f32 @!p0 $0.0e+00, v11;
	_ =	sdelay $0x1  }
0x1f0: {  	v11 =	vadd.f32 @!p0 v13, v11;
	v13 =	vmul.f32 @!p0 v16, v15;
	_ =	sdelay $0x1  }
0x1f1: {  	v12 =	vmul.f32 @!p0 v17, v12;
	v11 =	vadd.f32 @!p0 v13, v11;
	_ =	sdelay $0x1  }
0x1f2: {  	v11 =	vadd.f32 @!p0 v12, v11;
	_ =	sdelay $0x1  }
0x1f3: {  	(xrf2) =	vadd.scan.msk.f32 @!p0 $0xffff, v11;
	_ =	sdelay $0x8  }
0x1f4: {  	s17 =	sadd.s32 @!p0 $0xFFFFFFFF, s29  }
0x1f5: {  	s17 =	sand.u32 @!p0 $0xF, s17;
	v11, _, _ =	vpop @!p0 (xrf2)  }
0x1f6: {  	p2 =	por !p2, p0;
	v12 =	vmov @!p0 s17;
	v11 =	vbroadcast @!p0 v11, $0xF  }
0x1f7: {  	v10 =	vpsel p2, $0x0, v10;
	p2 =	sne.s32 @!p0 s17, $0xF;
	vm0 =	veq.s32 @!p0 v12, v5  }
0x1f8: {  	p3 =	por p2, p0;
	v10 =	vsel @!p0 vm0, v11, v10  }
0x1f9: {  	v11 =	vsub.f32 @!p3 $0.0e+00, v10;
	_ =	sdelay $0x1  }
0x1fa: {  	v11 =	vmul.f32 @!p3 $1.442695020e+00, v11;
	_ =	sdelay $0x1  }
0x1fb: {  	(erf) = vpow2.f32 @!p3 v11;
	_ =	sdelay $0x8  }
0x1fc: {  	v11 =	vpop @!p3 (erf)  }
0x1fd: {  	s17 =	sld @!p1 [smem:s0+$0xC];
	v11 =	vadd.f32 @!p3 $1.000000000e+00, v11;
	_ =	sdelay $0x1  }
0x1fe: {  	(erf) = vrcp.f32 @!p3 v11  }
0x1ff: {  	s18 =	sld @!p1 [smem:s0+$0x20C];
	s17 =	sand.u32 @!p1 $0xFFFFF80, s17  }
0x200: {  	s19 =	simm.s32 @!p1 $0x14400;
	s17 =	sadd.s32 @!p1 s1, s17  }
0x201: {  	[tilespmem:s19], [sflag:$0x6] =	stream.strided.gather @!p1 [hbm4b:s17+s3], $0x2000, s16, s3, $0x38;
	[tilespmem:$0x1C600] =	vst v63  }
0x202: {  	s17 =	sand.u32 @!p1 $0xFFFFF80, s18  }
0x203: {  	s18 =	simm.s32 @!p1 $0x16400;
	s17 =	sadd.s32 @!p1 s2, s17  }
0x204: {  	[tilespmem:s18], [sflag:$0x6] =	stream.strided.gather @!p1 [hbm4b:s17+s3], $0x2000, s16, s3, $0x38;
	[tilespmem:$0x1C600] =	vst v63  }
0x205: {  	s17 =	sadd.s32 @!p3 $0x14, s28  }
0x206: {  	s17 =	sand.u32 @!p3 $0x1FC0, s17  }
0x207: {  	s17 =	sshrl.u32 @!p3 s17, $0x2;
	v11 =	vpop @!p3 (erf)  }
0x208: {  	[tilespmem:s17+$0x1C400] =	vst @!p3 v11;
	s17 =	simm.s32 @!p0 $0x7  }
0x209: {  	_ =	swait.ge @!p0 [sflag:s17], $0x2000  }
0x20a: {  	[sflag:s17] =	ssyncset.done @!p0 $0x0  }
0x20b: {  	[sflag:s17] =	ssyncadd.s32 @!p0 $0xFFFFE000  }
0x20c: {  	_ =	swait.ge @!p0 [sflag:s17], $0x2000  }
0x20d: {  	[sflag:s17] =	ssyncset.done @!p0 $0x0  }
0x20e: {  	[sflag:s17] =	ssyncadd.s32 @!p0 $0xFFFFE000  }
0x20f: {  	s17 =	sld @!p0 [smem:s31+$0x6]  }
0x210: {  	s18 =	sld @!p0 [smem:s31+$0x206];
	_ =	sdelay $0x1  }
0x211: {  	s17 =	sand.u32 @!p0 $0x7F, s17  }
0x212: {  	s18 =	sand.u32 @!p0 $0x7F, s18;
	v11 =	vor.u32 @!p0 s17, v6  }
0x213: {  	v6 =	vor.u32 @!p0 s18, v6  }
0x214: {  	v12 =	vor.u32 @!p0 s17, v8  }
0x215: {  	v8 =	vor.u32 @!p0 s18, v8  }
0x216: {  	s19 =	simm.s32 @!p0 $0x18400;
	v13 =	vor.u32 @!p0 s17, v7  }
0x217: {  	s20 =	simm.s32 @!p0 $0x1A400;
	v7 =	vor.u32 @!p0 s18, v7;
	v11 =	vld.idx.msk @!p0 [tilespmem:v11+s19+$0x0], $0xffff  }
0x218: {  	v14 =	vor.u32 @!p0 s17, v9;
	v9 =	vor.u32 @!p0 s18, v9;
	v6 =	vld.idx.msk @!p0 [tilespmem:v6+s20+$0x0], $0xffff  }
0x219: {  	v12 =	vld.idx.msk @!p0 [tilespmem:v12+s19+$0x0], $0xffff  }
0x21a: {  	v8 =	vld.idx.msk @!p0 [tilespmem:v8+s20+$0x0], $0xffff  }
0x21b: {  	v13 =	vld.idx.msk @!p0 [tilespmem:v13+s19+$0x0], $0xffff  }
0x21c: {  	v7 =	vld.idx.msk @!p0 [tilespmem:v7+s20+$0x0], $0xffff  }
0x21d: {  	v9 =	vld.idx.msk @!p0 [tilespmem:v9+s20+$0x0], $0xffff;
	v6 =	vmul.f32 @!p0 v6, v11  }
0x21e: {  	v11 =	vld.idx.msk @!p0 [tilespmem:v14+s19+$0x0], $0xffff  }
0x21f: {  	v8 =	vmul.f32 @!p0 v8, v12;
	v6 =	vadd.f32 @!p0 $0.0e+00, v6;
	_ =	sdelay $0x1  }
0x220: {  	v7 =	vmul.f32 @!p0 v7, v13;
	v6 =	vadd.f32 @!p0 v8, v6;
	_ =	sdelay $0x1  }
0x221: {  	v6 =	vadd.f32 @!p0 v7, v6;
	v7 =	vmul.f32 @!p0 v9, v11;
	_ =	sdelay $0x1  }
0x222: {  	v6 =	vadd.f32 @!p0 v7, v6;
	_ =	sdelay $0x1  }
0x223: {  	(xrf2) =	vadd.scan.msk.f32 @!p0 $0xffff, v6;
	_ =	sdelay $0x9  }
0x224: {  	s17 =	sand.u32 @!p0 $0xF, s29;
	v6, _, _ =	vpop @!p0 (xrf2)  }
0x225: {  	p2 =	por !p2, p0;
	v7 =	vmov @!p0 s17;
	v6 =	vbroadcast @!p0 v6, $0xF  }
0x226: {  	v8 =	vpsel p2, $0x0, v10;
	p2 =	sne.s32 @!p0 s17, $0xF;
	vm0 =	veq.s32 @!p0 v7, v5  }
0x227: {  	p3 =	por p2, p0;
	v5 =	vsel @!p0 vm0, v6, v8  }
0x228: {  	v6 =	vsub.f32 @!p3 $0.0e+00, v5;
	_ =	sdelay $0x1  }
0x229: {  	v6 =	vmul.f32 @!p3 $1.442695020e+00, v6;
	_ =	sdelay $0x1  }
0x22a: {  	(erf) = vpow2.f32 @!p3 v6;
	_ =	sdelay $0x6  }
0x22b: {  	s17 =	sld @!p1 [smem:s0+$0xD]  }
0x22c: {  	s0 =	sld @!p1 [smem:s0+$0x20D]  }
0x22d: {  	v6 =	vpop @!p3 (erf)  }
0x22e: {  	s17 =	sand.u32 @!p1 $0xFFFFF80, s17;
	v6 =	vadd.f32 @!p3 $1.000000000e+00, v6  }
0x22f: {  	s18 =	simm.s32 @!p1 $0x18400;
	s0 =	sand.u32 @!p1 $0xFFFFF80, s0;
	s17 =	sadd.s32 @!p1 s1, s17  }
0x230: {  	[tilespmem:s18], [sflag:$0x7] =	stream.strided.gather @!p1 [hbm4b:s17+s3], $0x2000, s16, s3, $0x38;
	(erf) = vrcp.f32 @!p3 v6;
	[tilespmem:$0x1C600] =	vst v63  }
0x231: {  	s0 =	sadd.s32 @!p1 s2, s0;
	s17 =	simm.s32 @!p1 $0x1A400  }
0x232: {  	[tilespmem:s17], [sflag:$0x7] =	stream.strided.gather @!p1 [hbm4b:s0+s3], $0x2000, s16, s3, $0x38;
	[tilespmem:$0x1C600] =	vst v63  }
0x233: {  	s0 =	sadd.s32 @!p3 $0x18, s28;
	s28 =	sadd.s32 @!p0 $0x1C, s28  }
0x234: {  	p1 =	sne.s32 @!p0 s28, $0x818  }
0x235: {  	p1 =	por p0, !p1  }
.Ltmp1:
0x236: {  	_ = 	snop;
	(pc) =	sbr.rel @!p1 .LBB2_4-.Ltmp1, $4  }
0x237: {  	_ = 	snop  }
0x238: {  	s0 =	sand.u32 @!p3 $0x1FC0, s0  }
0x239: {  	p2 =	por !p2, p0;
	s0 =	sshrl.u32 @!p3 s0, $0x2;
	v6 =	vpop @!p3 (erf)  }
0x23a: {  	s30 =	sadd.s32 @!p0 $0x1, s30;
	s29 =	sadd.s32 @!p0 $0x7, s29;
	v5 =	vpsel p2, $0x0, v5;
	[tilespmem:s0+$0x1C400] =	vst @!p3 v6  }
0x23b: {  	s26 =	sadd.s32 $0x1, s26  }
0x23c: {  	p0 =	sne.s32 s26, s14  }
.Ltmp2:
0x23d: {  	_ = 	snop;
	(pc) =	sbr.rel @p0 .LBB2_1-.Ltmp2, $4  }
0x23e: {  	[hbm4b:s13+s4] =	stream.linear.scatter [tilespmem:s22], [sflag:$0x8], $0x200, $0x38;
	[tilespmem:$0x1C600] =	vst v63  }
0x23f: {  	_ =	swait.ge [sflag:s15], $0x200  }
0x240: {  	[sflag:s15] =	ssyncset.done $0x0  }
0x241: {  	[sflag:s15] =	ssyncadd.s32 $0xFFFFFE00  }
0x242: {  	_ =	sfence.sel $0x180000  }
0x243: {  	[bflag:$0x0] =	sbarrier.arrive $0xFFFF  }
0x244: {  	_ =	strace $0x90000047  }
0x245: {  	s0 =	stileid.u32;
	[bflag:$0x2] =	sbarrier.arrive $0xFFFF  }
0x246: {  	p0 =	sne.s32 s0, $0x0;
	s0 =	rddreg [dreg:$0x5]  }
0x247: {  	s0 =	sadd.s32 @!p0 $0x100000, s0  }
0x248: {  	[sflag:s0] =	ssyncadd.tile.s32 @!p0 $0x1;
	_ =	shalt  }
.Lfunc_end2:
_tile_overlayer_lowered:
.L_overlay_start_2:
0x249: {  	(tag) =	ssettag $0x2  }
0x24a: {  	s0 =	rddreg [dreg:$0x0];
	s2 =	stileid.u32  }
0x24b: {  	s1 =	rddreg [dreg:$0x1];
	p0 =	sne.s32 s2, $0x0  }
0x24c: {  	s3 =	rddreg [dreg:$0x2];
	[bflag:$0x3] =	sbarrier.arrive $0xFFFF;
	s2 =	simm.s32 @!p0 $0x1C08  }
0x24d: {  	[timem:s3], [sflag:s2] =	dma.local @!p0 [hbm:s0], s1  }
0x24e: {  	s0 =	simm.s32 @!p0 $0x8  }
0x24f: {  	_ =	swait.ge @!p0 [sflag:s0], s1  }
0x250: {  	s1 =	ssub.s32 @!p0 $0x0, s1;
	[sflag:s0] =	ssyncset.done @!p0 $0x0  }
0x251: {  	[sflag:s0] =	ssyncadd.s32 @!p0 s1  }
0x252: {  	[bflag:$0x3] =	sbarrier.arrive $0xFFFF  }
0x253: {  	_ =	shalt  }

</sc_bundles>
